<compile_context>
chip_gen: v7x
topology: tpu7x:2x2x1
jax: 0.10.2.dev20260603
libtpu: 0.0.44.dev20260713+nightly
codegen_flags: <defaults>
</compile_context>

<pallas_src>
import functools
import jax
import jax.numpy as jnp
from jax import lax
from jax.experimental import pallas as pl
from jax.experimental.pallas import tpu as pltpu
from jax.experimental.pallas import tpu_sc as plsc

CHUNK = 256
NSLOTS = 4


def kernel(x, z, idx_pa):
    B, N, DX = x.shape
    DZ = z.shape[2]
    S = idx_pa.shape[1]
    idx = idx_pa.astype(jnp.int32)
    n_chunks = S // CHUNK

    mesh = plsc.VectorSubcoreMesh(core_axis_name="c", subcore_axis_name="s")

    @functools.partial(
        pl.kernel,
        mesh=mesh,
        compiler_params=pltpu.CompilerParams(use_tc_tiling_on_sc=False),
        out_type=(
            jax.ShapeDtypeStruct((B, S, DX), jnp.float32),
            jax.ShapeDtypeStruct((B, S, DZ), jnp.float32),
        ),
        scratch_types=[
            pltpu.VMEM((S,), jnp.int32),
            pltpu.VMEM((NSLOTS, CHUNK, DX), jnp.float32),
            pltpu.VMEM((NSLOTS, CHUNK, DZ), jnp.float32),
            pltpu.SemaphoreType.DMA((NSLOTS,)),
            pltpu.SemaphoreType.DMA((NSLOTS,)),
            pltpu.SemaphoreType.DMA,
        ],
    )
    def gather_kernel(x_hbm, z_hbm, idx_hbm, ox_hbm, oz_hbm,
                      idx_v, xrows_v, zrows_v, gsem, wsem, isem):
        w = lax.axis_index("s") * 2 + lax.axis_index("c")
        pltpu.async_copy(idx_hbm.at[w], idx_v, isem).wait()

        def gather_start(c, slot):
            pltpu.async_copy(
                x_hbm.at[w].at[idx_v.at[pl.ds(c * CHUNK, CHUNK)]],
                xrows_v.at[slot], gsem.at[slot])
            pltpu.async_copy(
                z_hbm.at[w].at[idx_v.at[pl.ds(c * CHUNK, CHUNK)]],
                zrows_v.at[slot], gsem.at[slot])

        def gather_wait(c, slot):
            pltpu.make_async_copy(
                x_hbm.at[w].at[idx_v.at[pl.ds(c * CHUNK, CHUNK)]],
                xrows_v.at[slot], gsem.at[slot]).wait()
            pltpu.make_async_copy(
                z_hbm.at[w].at[idx_v.at[pl.ds(c * CHUNK, CHUNK)]],
                zrows_v.at[slot], gsem.at[slot]).wait()

        def wb_start(c, slot):
            pltpu.async_copy(
                xrows_v.at[slot], ox_hbm.at[w, pl.ds(c * CHUNK, CHUNK)],
                wsem.at[slot])
            pltpu.async_copy(
                zrows_v.at[slot], oz_hbm.at[w, pl.ds(c * CHUNK, CHUNK)],
                wsem.at[slot])

        def wb_wait(c, slot):
            pltpu.make_async_copy(
                xrows_v.at[slot], ox_hbm.at[w, pl.ds(c * CHUNK, CHUNK)],
                wsem.at[slot]).wait()
            pltpu.make_async_copy(
                zrows_v.at[slot], oz_hbm.at[w, pl.ds(c * CHUNK, CHUNK)],
                wsem.at[slot]).wait()

        for k in range(NSLOTS):
            gather_start(k, k)

        @pl.loop(0, n_chunks - NSLOTS, step=NSLOTS)
        def _(c):
            for k in range(NSLOTS):
                gather_wait(c + k, k)
                wb_start(c + k, k)
            for k in range(NSLOTS):
                wb_wait(c + k, k)
                gather_start(c + NSLOTS + k, k)

        c = n_chunks - NSLOTS
        for k in range(NSLOTS):
            gather_wait(c + k, k)
            wb_start(c + k, k)
        for k in range(NSLOTS):
            wb_wait(c + k, k)

    return gather_kernel(x, z, idx)

# --- scband reference (transcript-rebuilt; emitter-appended) ---
"""Pipeline reference for scband-space-expansion-32899449487892 (READ-ONLY COPY).

The authoritative reference and input builder live on the scoring server;
editing this copy changes nothing except your own understanding.
"""

import jax, jax.numpy as jnp
import numpy as np


def setup_inputs(seed: int = 0) -> dict:
    key = jax.random.key(seed)
    k1, k2, k3 = jax.random.split(key, 3)
    x = jax.random.normal(k1, (32, 8192, 64), dtype=jnp.float32)
    z = jax.random.normal(k2, (32, 8192, 32), dtype=jnp.float32)
    idx_pa = jax.random.randint(k3, (32, 16384), 0, 8192, dtype=jnp.int64)
    return {"x": x, "z": z, "idx_pa": idx_pa}


def space_gather(v, idx):
    # torch.gather(v, dim=1, index=idx.unsqueeze(2).expand(-1, -1, v.size(2)))
    # == take_along_axis with the index broadcast across the feature dim.
    return jnp.take_along_axis(v, idx[:, :, None], axis=1)


def reference(x, z, idx_pa):
    x_g = space_gather(x, idx_pa)
    z_g = space_gather(z, idx_pa)
    return (x_g, z_g)

if __name__ == "__main__":
    import jax
    _d = setup_inputs()
    print(jax.jit(kernel)(*tuple(_d.values())))

</pallas_src>

<mosaic_0001>
#map = affine_map<(d0, d1) -> (0, 0, 0)>
#map1 = affine_map<(d0, d1) -> (0, 0)>
module attributes {stable_mosaic.version = 14 : i64} {
  func.func @gather_kernel(%arg0: i32, %arg1: i32, %arg2: memref<32x8192x64xf32, #tpu.memory_space<hbm>>, %arg3: memref<32x8192x32xf32, #tpu.memory_space<hbm>>, %arg4: memref<32x16384xi32, #tpu.memory_space<hbm>>, %arg5: memref<32x16384x64xf32, #tpu.memory_space<hbm>>, %arg6: memref<32x16384x32xf32, #tpu.memory_space<hbm>>, %arg7: memref<16384xi32, #tpu.memory_space<vmem>>, %arg8: memref<4x256x64xf32, #tpu.memory_space<vmem>>, %arg9: memref<4x256x32xf32, #tpu.memory_space<vmem>>, %arg10: memref<4x!tpu.dma_semaphore, #tpu.memory_space<semaphore_mem>>, %arg11: memref<4x!tpu.dma_semaphore, #tpu.memory_space<semaphore_mem>>, %arg12: memref<!tpu.dma_semaphore, #tpu.memory_space<semaphore_mem>>) attributes {dimension_semantics = [#tpu.dimension_semantics<core_parallel>, #tpu.dimension_semantics<subcore_parallel>], iteration_bounds = array<i64: 2, 16>, scalar_prefetch = 0 : i64, scratch_operands = 6 : i64, tpu.core_type = #tpu.core_type<sc_vector_subcore>, window_params = [{transform_indices = #map}, {transform_indices = #map}, {transform_indices = #map1}, {transform_indices = #map}, {transform_indices = #map}]} {
    %mul3A = arith.constant 2 : i32
    %mul3A_0 = arith.muli %arg1, %mul3A : i32
    %add3A = arith.addi %mul3A_0, %arg0 : i32
    %dma_start3A = arith.constant 0 : i32
    %dma_start3A_1 = tpu.memref_slice %arg4[%add3A, %dma_start3A] : memref<32x16384xi32, #tpu.memory_space<hbm>> -> memref<1x16384xi32, #tpu.memory_space<hbm>>
    %dma_start3A_2 = tpu.memref_squeeze %dma_start3A_1 : memref<1x16384xi32, #tpu.memory_space<hbm>> -> memref<16384xi32, #tpu.memory_space<hbm>>
    %dma_start3A_3 = arith.constant 0 : i32
    %dma_start3A_4 = tpu.memref_slice %arg4[%add3A, %dma_start3A_3] : memref<32x16384xi32, #tpu.memory_space<hbm>> -> memref<1x16384xi32, #tpu.memory_space<hbm>>
    %dma_start3A_5 = tpu.memref_squeeze %dma_start3A_4 : memref<1x16384xi32, #tpu.memory_space<hbm>> -> memref<16384xi32, #tpu.memory_space<hbm>>
    tpu.enqueue_dma source(%dma_start3A_5 : memref<16384xi32, #tpu.memory_space<hbm>>) target(%arg7 : memref<16384xi32, #tpu.memory_space<vmem>>) target_semaphore(%arg12 : memref<!tpu.dma_semaphore, #tpu.memory_space<semaphore_mem>>)
    %dma_wait3A = arith.constant 0 : i32
    %dma_wait3A_6 = tpu.memref_slice %arg4[%add3A, %dma_wait3A] : memref<32x16384xi32, #tpu.memory_space<hbm>> -> memref<1x16384xi32, #tpu.memory_space<hbm>>
    %dma_wait3A_7 = tpu.memref_squeeze %dma_wait3A_6 : memref<1x16384xi32, #tpu.memory_space<hbm>> -> memref<16384xi32, #tpu.memory_space<hbm>>
    %dma_wait3A_8 = arith.constant 0 : i32
    %dma_wait3A_9 = tpu.memref_slice %arg4[%add3A, %dma_wait3A_8] : memref<32x16384xi32, #tpu.memory_space<hbm>> -> memref<1x16384xi32, #tpu.memory_space<hbm>>
    %dma_wait3A_10 = tpu.memref_squeeze %dma_wait3A_9 : memref<1x16384xi32, #tpu.memory_space<hbm>> -> memref<16384xi32, #tpu.memory_space<hbm>>
    tpu.wait_dma2 semaphore(%arg12 : memref<!tpu.dma_semaphore, #tpu.memory_space<semaphore_mem>>) src(%dma_wait3A_10 : memref<16384xi32, #tpu.memory_space<hbm>>) dst(%arg7 : memref<16384xi32, #tpu.memory_space<vmem>>)
    %dma_start3A_11 = arith.constant 0 : i32
    %dma_start3A_12 = arith.constant 0 : i32
    %dma_start3A_13 = arith.constant 0 : i32
    %dma_start3A_14 = arith.constant 0 : i32
    %dma_start3A_15 = tpu.memref_slice %arg8[%dma_start3A_11, %dma_start3A_13, %dma_start3A_14] : memref<4x256x64xf32, #tpu.memory_space<vmem>> -> memref<1x256x64xf32, #tpu.memory_space<vmem>>
    %dma_start3A_16 = tpu.memref_squeeze %dma_start3A_15 : memref<1x256x64xf32, #tpu.memory_space<vmem>> -> memref<256x64xf32, #tpu.memory_space<vmem>>
    %dma_start3A_17 = arith.constant 0 : i32
    %dma_start3A_18 = tpu.memref_slice %arg7[%dma_start3A_17] : memref<16384xi32, #tpu.memory_space<vmem>> -> memref<256xi32, #tpu.memory_space<vmem>>
    %dma_start3A_19 = arith.constant 0 : i32
    %dma_start3A_20 = arith.constant 0 : i32
    %dma_start3A_21 = tpu.memref_slice %arg2[%add3A, %dma_start3A_19, %dma_start3A_20] : memref<32x8192x64xf32, #tpu.memory_space<hbm>> -> memref<1x8192x64xf32, #tpu.memory_space<hbm>>
    %dma_start3A_22 = tpu.memref_squeeze %dma_start3A_21 : memref<1x8192x64xf32, #tpu.memory_space<hbm>> -> memref<8192x64xf32, #tpu.memory_space<hbm>>
    %dma_start3A_23 = arith.constant 0 : i32
    %dma_start3A_24 = arith.constant 0 : i32
    %dma_start3A_25 = tpu.memref_slice %dma_start3A_22[%dma_start3A_23, %dma_start3A_24] : memref<8192x64xf32, #tpu.memory_space<hbm>> -> memref<8192x64xf32, #tpu.memory_space<hbm>>
    %dma_start3A_26 = tpu.memref_slice %arg10[%dma_start3A_12] : memref<4x!tpu.dma_semaphore, #tpu.memory_space<semaphore_mem>> -> memref<1x!tpu.dma_semaphore, #tpu.memory_space<semaphore_mem>>
    %dma_start3A_27 = tpu.memref_squeeze %dma_start3A_26 : memref<1x!tpu.dma_semaphore, #tpu.memory_space<semaphore_mem>> -> memref<!tpu.dma_semaphore, #tpu.memory_space<semaphore_mem>>
    tpu.enqueue_indirect_dma source(%dma_start3A_25 : memref<8192x64xf32, #tpu.memory_space<hbm>>) target(%dma_start3A_16 : memref<256x64xf32, #tpu.memory_space<vmem>>) offsets(%dma_start3A_18 : memref<256xi32, #tpu.memory_space<vmem>>) semaphore(%dma_start3A_27 : memref<!tpu.dma_semaphore, #tpu.memory_space<semaphore_mem>>)
    %dma_start3A_28 = arith.constant 0 : i32
    %dma_start3A_29 = arith.constant 0 : i32
    %dma_start3A_30 = arith.constant 0 : i32
    %dma_start3A_31 = arith.constant 0 : i32
    %dma_start3A_32 = tpu.memref_slice %arg9[%dma_start3A_28, %dma_start3A_30, %dma_start3A_31] : memref<4x256x32xf32, #tpu.memory_space<vmem>> -> memref<1x256x32xf32, #tpu.memory_space<vmem>>
    %dma_start3A_33 = tpu.memref_squeeze %dma_start3A_32 : memref<1x256x32xf32, #tpu.memory_space<vmem>> -> memref<256x32xf32, #tpu.memory_space<vmem>>
    %dma_start3A_34 = arith.constant 0 : i32
    %dma_start3A_35 = tpu.memref_slice %arg7[%dma_start3A_34] : memref<16384xi32, #tpu.memory_space<vmem>> -> memref<256xi32, #tpu.memory_space<vmem>>
    %dma_start3A_36 = arith.constant 0 : i32
    %dma_start3A_37 = arith.constant 0 : i32
    %dma_start3A_38 = tpu.memref_slice %arg3[%add3A, %dma_start3A_36, %dma_start3A_37] : memref<32x8192x32xf32, #tpu.memory_space<hbm>> -> memref<1x8192x32xf32, #tpu.memory_space<hbm>>
    %dma_start3A_39 = tpu.memref_squeeze %dma_start3A_38 : memref<1x8192x32xf32, #tpu.memory_space<hbm>> -> memref<8192x32xf32, #tpu.memory_space<hbm>>
    %dma_start3A_40 = arith.constant 0 : i32
    %dma_start3A_41 = arith.constant 0 : i32
    %dma_start3A_42 = tpu.memref_slice %dma_start3A_39[%dma_start3A_40, %dma_start3A_41] : memref<8192x32xf32, #tpu.memory_space<hbm>> -> memref<8192x32xf32, #tpu.memory_space<hbm>>
    %dma_start3A_43 = tpu.memref_slice %arg10[%dma_start3A_29] : memref<4x!tpu.dma_semaphore, #tpu.memory_space<semaphore_mem>> -> memref<1x!tpu.dma_semaphore, #tpu.memory_space<semaphore_mem>>
    %dma_start3A_44 = tpu.memref_squeeze %dma_start3A_43 : memref<1x!tpu.dma_semaphore, #tpu.memory_space<semaphore_mem>> -> memref<!tpu.dma_semaphore, #tpu.memory_space<semaphore_mem>>
    tpu.enqueue_indirect_dma source(%dma_start3A_42 : memref<8192x32xf32, #tpu.memory_space<hbm>>) target(%dma_start3A_33 : memref<256x32xf32, #tpu.memory_space<vmem>>) offsets(%dma_start3A_35 : memref<256xi32, #tpu.memory_space<vmem>>) semaphore(%dma_start3A_44 : memref<!tpu.dma_semaphore, #tpu.memory_space<semaphore_mem>>)
    %dma_start3A_45 = arith.constant 1 : i32
    %dma_start3A_46 = arith.constant 1 : i32
    %dma_start3A_47 = arith.constant 0 : i32
    %dma_start3A_48 = arith.constant 0 : i32
    %dma_start3A_49 = tpu.memref_slice %arg8[%dma_start3A_45, %dma_start3A_47, %dma_start3A_48] : memref<4x256x64xf32, #tpu.memory_space<vmem>> -> memref<1x256x64xf32, #tpu.memory_space<vmem>>
    %dma_start3A_50 = tpu.memref_squeeze %dma_start3A_49 : memref<1x256x64xf32, #tpu.memory_space<vmem>> -> memref<256x64xf32, #tpu.memory_space<vmem>>
    %dma_start3A_51 = arith.constant 256 : i32
    %dma_start3A_52 = tpu.memref_slice %arg7[%dma_start3A_51] : memref<16384xi32, #tpu.memory_space<vmem>> -> memref<256xi32, #tpu.memory_space<vmem>>
    %dma_start3A_53 = arith.constant 0 : i32
    %dma_start3A_54 = arith.constant 0 : i32
    %dma_start3A_55 = tpu.memref_slice %arg2[%add3A, %dma_start3A_53, %dma_start3A_54] : memref<32x8192x64xf32, #tpu.memory_space<hbm>> -> memref<1x8192x64xf32, #tpu.memory_space<hbm>>
    %dma_start3A_56 = tpu.memref_squeeze %dma_start3A_55 : memref<1x8192x64xf32, #tpu.memory_space<hbm>> -> memref<8192x64xf32, #tpu.memory_space<hbm>>
    %dma_start3A_57 = arith.constant 0 : i32
    %dma_start3A_58 = arith.constant 0 : i32
    %dma_start3A_59 = tpu.memref_slice %dma_start3A_56[%dma_start3A_57, %dma_start3A_58] : memref<8192x64xf32, #tpu.memory_space<hbm>> -> memref<8192x64xf32, #tpu.memory_space<hbm>>
    %dma_start3A_60 = tpu.memref_slice %arg10[%dma_start3A_46] : memref<4x!tpu.dma_semaphore, #tpu.memory_space<semaphore_mem>> -> memref<1x!tpu.dma_semaphore, #tpu.memory_space<semaphore_mem>>
    %dma_start3A_61 = tpu.memref_squeeze %dma_start3A_60 : memref<1x!tpu.dma_semaphore, #tpu.memory_space<semaphore_mem>> -> memref<!tpu.dma_semaphore, #tpu.memory_space<semaphore_mem>>
    tpu.enqueue_indirect_dma source(%dma_start3A_59 : memref<8192x64xf32, #tpu.memory_space<hbm>>) target(%dma_start3A_50 : memref<256x64xf32, #tpu.memory_space<vmem>>) offsets(%dma_start3A_52 : memref<256xi32, #tpu.memory_space<vmem>>) semaphore(%dma_start3A_61 : memref<!tpu.dma_semaphore, #tpu.memory_space<semaphore_mem>>)
    %dma_start3A_62 = arith.constant 1 : i32
    %dma_start3A_63 = arith.constant 1 : i32
    %dma_start3A_64 = arith.constant 0 : i32
    %dma_start3A_65 = arith.constant 0 : i32
    %dma_start3A_66 = tpu.memref_slice %arg9[%dma_start3A_62, %dma_start3A_64, %dma_start3A_65] : memref<4x256x32xf32, #tpu.memory_space<vmem>> -> memref<1x256x32xf32, #tpu.memory_space<vmem>>
    %dma_start3A_67 = tpu.memref_squeeze %dma_start3A_66 : memref<1x256x32xf32, #tpu.memory_space<vmem>> -> memref<256x32xf32, #tpu.memory_space<vmem>>
    %dma_start3A_68 = arith.constant 256 : i32
    %dma_start3A_69 = tpu.memref_slice %arg7[%dma_start3A_68] : memref<16384xi32, #tpu.memory_space<vmem>> -> memref<256xi32, #tpu.memory_space<vmem>>
    %dma_start3A_70 = arith.constant 0 : i32
    %dma_start3A_71 = arith.constant 0 : i32
    %dma_start3A_72 = tpu.memref_slice %arg3[%add3A, %dma_start3A_70, %dma_start3A_71] : memref<32x8192x32xf32, #tpu.memory_space<hbm>> -> memref<1x8192x32xf32, #tpu.memory_space<hbm>>
    %dma_start3A_73 = tpu.memref_squeeze %dma_start3A_72 : memref<1x8192x32xf32, #tpu.memory_space<hbm>> -> memref<8192x32xf32, #tpu.memory_space<hbm>>
    %dma_start3A_74 = arith.constant 0 : i32
    %dma_start3A_75 = arith.constant 0 : i32
    %dma_start3A_76 = tpu.memref_slice %dma_start3A_73[%dma_start3A_74, %dma_start3A_75] : memref<8192x32xf32, #tpu.memory_space<hbm>> -> memref<8192x32xf32, #tpu.memory_space<hbm>>
    %dma_start3A_77 = tpu.memref_slice %arg10[%dma_start3A_63] : memref<4x!tpu.dma_semaphore, #tpu.memory_space<semaphore_mem>> -> memref<1x!tpu.dma_semaphore, #tpu.memory_space<semaphore_mem>>
    %dma_start3A_78 = tpu.memref_squeeze %dma_start3A_77 : memref<1x!tpu.dma_semaphore, #tpu.memory_space<semaphore_mem>> -> memref<!tpu.dma_semaphore, #tpu.memory_space<semaphore_mem>>
    tpu.enqueue_indirect_dma source(%dma_start3A_76 : memref<8192x32xf32, #tpu.memory_space<hbm>>) target(%dma_start3A_67 : memref<256x32xf32, #tpu.memory_space<vmem>>) offsets(%dma_start3A_69 : memref<256xi32, #tpu.memory_space<vmem>>) semaphore(%dma_start3A_78 : memref<!tpu.dma_semaphore, #tpu.memory_space<semaphore_mem>>)
    %dma_start3A_79 = arith.constant 2 : i32
    %dma_start3A_80 = arith.constant 2 : i32
    %dma_start3A_81 = arith.constant 0 : i32
    %dma_start3A_82 = arith.constant 0 : i32
    %dma_start3A_83 = tpu.memref_slice %arg8[%dma_start3A_79, %dma_start3A_81, %dma_start3A_82] : memref<4x256x64xf32, #tpu.memory_space<vmem>> -> memref<1x256x64xf32, #tpu.memory_space<vmem>>
    %dma_start3A_84 = tpu.memref_squeeze %dma_start3A_83 : memref<1x256x64xf32, #tpu.memory_space<vmem>> -> memref<256x64xf32, #tpu.memory_space<vmem>>
    %dma_start3A_85 = arith.constant 512 : i32
    %dma_start3A_86 = tpu.memref_slice %arg7[%dma_start3A_85] : memref<16384xi32, #tpu.memory_space<vmem>> -> memref<256xi32, #tpu.memory_space<vmem>>
    %dma_start3A_87 = arith.constant 0 : i32
    %dma_start3A_88 = arith.constant 0 : i32
    %dma_start3A_89 = tpu.memref_slice %arg2[%add3A, %dma_start3A_87, %dma_start3A_88] : memref<32x8192x64xf32, #tpu.memory_space<hbm>> -> memref<1x8192x64xf32, #tpu.memory_space<hbm>>
    %dma_start3A_90 = tpu.memref_squeeze %dma_start3A_89 : memref<1x8192x64xf32, #tpu.memory_space<hbm>> -> memref<8192x64xf32, #tpu.memory_space<hbm>>
    %dma_start3A_91 = arith.constant 0 : i32
    %dma_start3A_92 = arith.constant 0 : i32
    %dma_start3A_93 = tpu.memref_slice %dma_start3A_90[%dma_start3A_91, %dma_start3A_92] : memref<8192x64xf32, #tpu.memory_space<hbm>> -> memref<8192x64xf32, #tpu.memory_space<hbm>>
    %dma_start3A_94 = tpu.memref_slice %arg10[%dma_start3A_80] : memref<4x!tpu.dma_semaphore, #tpu.memory_space<semaphore_mem>> -> memref<1x!tpu.dma_semaphore, #tpu.memory_space<semaphore_mem>>
    %dma_start3A_95 = tpu.memref_squeeze %dma_start3A_94 : memref<1x!tpu.dma_semaphore, #tpu.memory_space<semaphore_mem>> -> memref<!tpu.dma_semaphore, #tpu.memory_space<semaphore_mem>>
    tpu.enqueue_indirect_dma source(%dma_start3A_93 : memref<8192x64xf32, #tpu.memory_space<hbm>>) target(%dma_start3A_84 : memref<256x64xf32, #tpu.memory_space<vmem>>) offsets(%dma_start3A_86 : memref<256xi32, #tpu.memory_space<vmem>>) semaphore(%dma_start3A_95 : memref<!tpu.dma_semaphore, #tpu.memory_space<semaphore_mem>>)
    %dma_start3A_96 = arith.constant 2 : i32
    %dma_start3A_97 = arith.constant 2 : i32
    %dma_start3A_98 = arith.constant 0 : i32
    %dma_start3A_99 = arith.constant 0 : i32
    %dma_start3A_100 = tpu.memref_slice %arg9[%dma_start3A_96, %dma_start3A_98, %dma_start3A_99] : memref<4x256x32xf32, #tpu.memory_space<vmem>> -> memref<1x256x32xf32, #tpu.memory_space<vmem>>
    %dma_start3A_101 = tpu.memref_squeeze %dma_start3A_100 : memref<1x256x32xf32, #tpu.memory_space<vmem>> -> memref<256x32xf32, #tpu.memory_space<vmem>>
    %dma_start3A_102 = arith.constant 512 : i32
    %dma_start3A_103 = tpu.memref_slice %arg7[%dma_start3A_102] : memref<16384xi32, #tpu.memory_space<vmem>> -> memref<256xi32, #tpu.memory_space<vmem>>
    %dma_start3A_104 = arith.constant 0 : i32
    %dma_start3A_105 = arith.constant 0 : i32
    %dma_start3A_106 = tpu.memref_slice %arg3[%add3A, %dma_start3A_104, %dma_start3A_105] : memref<32x8192x32xf32, #tpu.memory_space<hbm>> -> memref<1x8192x32xf32, #tpu.memory_space<hbm>>
    %dma_start3A_107 = tpu.memref_squeeze %dma_start3A_106 : memref<1x8192x32xf32, #tpu.memory_space<hbm>> -> memref<8192x32xf32, #tpu.memory_space<hbm>>
    %dma_start3A_108 = arith.constant 0 : i32
    %dma_start3A_109 = arith.constant 0 : i32
    %dma_start3A_110 = tpu.memref_slice %dma_start3A_107[%dma_start3A_108, %dma_start3A_109] : memref<8192x32xf32, #tpu.memory_space<hbm>> -> memref<8192x32xf32, #tpu.memory_space<hbm>>
    %dma_start3A_111 = tpu.memref_slice %arg10[%dma_start3A_97] : memref<4x!tpu.dma_semaphore, #tpu.memory_space<semaphore_mem>> -> memref<1x!tpu.dma_semaphore, #tpu.memory_space<semaphore_mem>>
    %dma_start3A_112 = tpu.memref_squeeze %dma_start3A_111 : memref<1x!tpu.dma_semaphore, #tpu.memory_space<semaphore_mem>> -> memref<!tpu.dma_semaphore, #tpu.memory_space<semaphore_mem>>
    tpu.enqueue_indirect_dma source(%dma_start3A_110 : memref<8192x32xf32, #tpu.memory_space<hbm>>) target(%dma_start3A_101 : memref<256x32xf32, #tpu.memory_space<vmem>>) offsets(%dma_start3A_103 : memref<256xi32, #tpu.memory_space<vmem>>) semaphore(%dma_start3A_112 : memref<!tpu.dma_semaphore, #tpu.memory_space<semaphore_mem>>)
    %dma_start3A_113 = arith.constant 3 : i32
    %dma_start3A_114 = arith.constant 3 : i32
    %dma_start3A_115 = arith.constant 0 : i32
    %dma_start3A_116 = arith.constant 0 : i32
    %dma_start3A_117 = tpu.memref_slice %arg8[%dma_start3A_113, %dma_start3A_115, %dma_start3A_116] : memref<4x256x64xf32, #tpu.memory_space<vmem>> -> memref<1x256x64xf32, #tpu.memory_space<vmem>>
    %dma_start3A_118 = tpu.memref_squeeze %dma_start3A_117 : memref<1x256x64xf32, #tpu.memory_space<vmem>> -> memref<256x64xf32, #tpu.memory_space<vmem>>
    %dma_start3A_119 = arith.constant 768 : i32
    %dma_start3A_120 = tpu.memref_slice %arg7[%dma_start3A_119] : memref<16384xi32, #tpu.memory_space<vmem>> -> memref<256xi32, #tpu.memory_space<vmem>>
    %dma_start3A_121 = arith.constant 0 : i32
    %dma_start3A_122 = arith.constant 0 : i32
    %dma_start3A_123 = tpu.memref_slice %arg2[%add3A, %dma_start3A_121, %dma_start3A_122] : memref<32x8192x64xf32, #tpu.memory_space<hbm>> -> memref<1x8192x64xf32, #tpu.memory_space<hbm>>
    %dma_start3A_124 = tpu.memref_squeeze %dma_start3A_123 : memref<1x8192x64xf32, #tpu.memory_space<hbm>> -> memref<8192x64xf32, #tpu.memory_space<hbm>>
    %dma_start3A_125 = arith.constant 0 : i32
    %dma_start3A_126 = arith.constant 0 : i32
    %dma_start3A_127 = tpu.memref_slice %dma_start3A_124[%dma_start3A_125, %dma_start3A_126] : memref<8192x64xf32, #tpu.memory_space<hbm>> -> memref<8192x64xf32, #tpu.memory_space<hbm>>
    %dma_start3A_128 = tpu.memref_slice %arg10[%dma_start3A_114] : memref<4x!tpu.dma_semaphore, #tpu.memory_space<semaphore_mem>> -> memref<1x!tpu.dma_semaphore, #tpu.memory_space<semaphore_mem>>
    %dma_start3A_129 = tpu.memref_squeeze %dma_start3A_128 : memref<1x!tpu.dma_semaphore, #tpu.memory_space<semaphore_mem>> -> memref<!tpu.dma_semaphore, #tpu.memory_space<semaphore_mem>>
    tpu.enqueue_indirect_dma source(%dma_start3A_127 : memref<8192x64xf32, #tpu.memory_space<hbm>>) target(%dma_start3A_118 : memref<256x64xf32, #tpu.memory_space<vmem>>) offsets(%dma_start3A_120 : memref<256xi32, #tpu.memory_space<vmem>>) semaphore(%dma_start3A_129 : memref<!tpu.dma_semaphore, #tpu.memory_space<semaphore_mem>>)
    %dma_start3A_130 = arith.constant 3 : i32
    %dma_start3A_131 = arith.constant 3 : i32
    %dma_start3A_132 = arith.constant 0 : i32
    %dma_start3A_133 = arith.constant 0 : i32
    %dma_start3A_134 = tpu.memref_slice %arg9[%dma_start3A_130, %dma_start3A_132, %dma_start3A_133] : memref<4x256x32xf32, #tpu.memory_space<vmem>> -> memref<1x256x32xf32, #tpu.memory_space<vmem>>
    %dma_start3A_135 = tpu.memref_squeeze %dma_start3A_134 : memref<1x256x32xf32, #tpu.memory_space<vmem>> -> memref<256x32xf32, #tpu.memory_space<vmem>>
    %dma_start3A_136 = arith.constant 768 : i32
    %dma_start3A_137 = tpu.memref_slice %arg7[%dma_start3A_136] : memref<16384xi32, #tpu.memory_space<vmem>> -> memref<256xi32, #tpu.memory_space<vmem>>
    %dma_start3A_138 = arith.constant 0 : i32
    %dma_start3A_139 = arith.constant 0 : i32
    %dma_start3A_140 = tpu.memref_slice %arg3[%add3A, %dma_start3A_138, %dma_start3A_139] : memref<32x8192x32xf32, #tpu.memory_space<hbm>> -> memref<1x8192x32xf32, #tpu.memory_space<hbm>>
    %dma_start3A_141 = tpu.memref_squeeze %dma_start3A_140 : memref<1x8192x32xf32, #tpu.memory_space<hbm>> -> memref<8192x32xf32, #tpu.memory_space<hbm>>
    %dma_start3A_142 = arith.constant 0 : i32
    %dma_start3A_143 = arith.constant 0 : i32
    %dma_start3A_144 = tpu.memref_slice %dma_start3A_141[%dma_start3A_142, %dma_start3A_143] : memref<8192x32xf32, #tpu.memory_space<hbm>> -> memref<8192x32xf32, #tpu.memory_space<hbm>>
    %dma_start3A_145 = tpu.memref_slice %arg10[%dma_start3A_131] : memref<4x!tpu.dma_semaphore, #tpu.memory_space<semaphore_mem>> -> memref<1x!tpu.dma_semaphore, #tpu.memory_space<semaphore_mem>>
    %dma_start3A_146 = tpu.memref_squeeze %dma_start3A_145 : memref<1x!tpu.dma_semaphore, #tpu.memory_space<semaphore_mem>> -> memref<!tpu.dma_semaphore, #tpu.memory_space<semaphore_mem>>
    tpu.enqueue_indirect_dma source(%dma_start3A_144 : memref<8192x32xf32, #tpu.memory_space<hbm>>) target(%dma_start3A_135 : memref<256x32xf32, #tpu.memory_space<vmem>>) offsets(%dma_start3A_137 : memref<256xi32, #tpu.memory_space<vmem>>) semaphore(%dma_start3A_146 : memref<!tpu.dma_semaphore, #tpu.memory_space<semaphore_mem>>)
    %scan3A = arith.constant 0 : i32
    %scan3A_147 = arith.constant 15 : i32
    %scan3A_148 = arith.addi %scan3A, %scan3A_147 : i32
    %scan3A_149 = arith.constant 1 : i32
    scf.for %scan3A_607 = %scan3A to %scan3A_148 step %scan3A_149  : i32 {
      %mul3A_608 = arith.constant 4 : i32
      %mul3A_609 = arith.muli %scan3A_607, %mul3A_608 : i32
      %add3A_610 = arith.constant 0 : i32
      %add3A_611 = arith.addi %add3A_610, %mul3A_609 : i32
      %add3A_612 = arith.constant 0 : i32
      %add3A_613 = arith.addi %add3A_611, %add3A_612 : i32
      %mul3A_614 = arith.constant 256 : i32
      %mul3A_615 = arith.muli %add3A_613, %mul3A_614 : i32
      %dma_wait3A_616 = arith.constant 0 : i32
      %dma_wait3A_617 = arith.constant 0 : i32
      %dma_wait3A_618 = arith.constant 0 : i32
      %dma_wait3A_619 = arith.constant 0 : i32
      %dma_wait3A_620 = tpu.memref_slice %arg8[%dma_wait3A_616, %dma_wait3A_618, %dma_wait3A_619] : memref<4x256x64xf32, #tpu.memory_space<vmem>> -> memref<1x256x64xf32, #tpu.memory_space<vmem>>
      %dma_wait3A_621 = tpu.memref_squeeze %dma_wait3A_620 : memref<1x256x64xf32, #tpu.memory_space<vmem>> -> memref<256x64xf32, #tpu.memory_space<vmem>>
      %dma_wait3A_622 = tpu.memref_slice %arg7[%mul3A_615] : memref<16384xi32, #tpu.memory_space<vmem>> -> memref<256xi32, #tpu.memory_space<vmem>>
      %dma_wait3A_623 = arith.constant 0 : i32
      %dma_wait3A_624 = arith.constant 0 : i32
      %dma_wait3A_625 = tpu.memref_slice %arg2[%add3A, %dma_wait3A_623, %dma_wait3A_624] : memref<32x8192x64xf32, #tpu.memory_space<hbm>> -> memref<1x8192x64xf32, #tpu.memory_space<hbm>>
      %dma_wait3A_626 = tpu.memref_squeeze %dma_wait3A_625 : memref<1x8192x64xf32, #tpu.memory_space<hbm>> -> memref<8192x64xf32, #tpu.memory_space<hbm>>
      %dma_wait3A_627 = arith.constant 0 : i32
      %dma_wait3A_628 = arith.constant 0 : i32
      %dma_wait3A_629 = tpu.memref_slice %dma_wait3A_626[%dma_wait3A_627, %dma_wait3A_628] : memref<8192x64xf32, #tpu.memory_space<hbm>> -> memref<8192x64xf32, #tpu.memory_space<hbm>>
      %dma_wait3A_630 = tpu.memref_slice %arg10[%dma_wait3A_617] : memref<4x!tpu.dma_semaphore, #tpu.memory_space<semaphore_mem>> -> memref<1x!tpu.dma_semaphore, #tpu.memory_space<semaphore_mem>>
      %dma_wait3A_631 = tpu.memref_squeeze %dma_wait3A_630 : memref<1x!tpu.dma_semaphore, #tpu.memory_space<semaphore_mem>> -> memref<!tpu.dma_semaphore, #tpu.memory_space<semaphore_mem>>
      tpu.wait_indirect_dma semaphore(%dma_wait3A_631 : memref<!tpu.dma_semaphore, #tpu.memory_space<semaphore_mem>>) src(%dma_wait3A_629 : memref<8192x64xf32, #tpu.memory_space<hbm>>) dst(%dma_wait3A_621 : memref<256x64xf32, #tpu.memory_space<vmem>>)
      %mul3A_632 = arith.constant 256 : i32
      %mul3A_633 = arith.muli %add3A_613, %mul3A_632 : i32
      %dma_wait3A_634 = arith.constant 0 : i32
      %dma_wait3A_635 = arith.constant 0 : i32
      %dma_wait3A_636 = arith.constant 0 : i32
      %dma_wait3A_637 = arith.constant 0 : i32
      %dma_wait3A_638 = tpu.memref_slice %arg9[%dma_wait3A_634, %dma_wait3A_636, %dma_wait3A_637] : memref<4x256x32xf32, #tpu.memory_space<vmem>> -> memref<1x256x32xf32, #tpu.memory_space<vmem>>
      %dma_wait3A_639 = tpu.memref_squeeze %dma_wait3A_638 : memref<1x256x32xf32, #tpu.memory_space<vmem>> -> memref<256x32xf32, #tpu.memory_space<vmem>>
      %dma_wait3A_640 = tpu.memref_slice %arg7[%mul3A_633] : memref<16384xi32, #tpu.memory_space<vmem>> -> memref<256xi32, #tpu.memory_space<vmem>>
      %dma_wait3A_641 = arith.constant 0 : i32
      %dma_wait3A_642 = arith.constant 0 : i32
      %dma_wait3A_643 = tpu.memref_slice %arg3[%add3A, %dma_wait3A_641, %dma_wait3A_642] : memref<32x8192x32xf32, #tpu.memory_space<hbm>> -> memref<1x8192x32xf32, #tpu.memory_space<hbm>>
      %dma_wait3A_644 = tpu.memref_squeeze %dma_wait3A_643 : memref<1x8192x32xf32, #tpu.memory_space<hbm>> -> memref<8192x32xf32, #tpu.memory_space<hbm>>
      %dma_wait3A_645 = arith.constant 0 : i32
      %dma_wait3A_646 = arith.constant 0 : i32
      %dma_wait3A_647 = tpu.memref_slice %dma_wait3A_644[%dma_wait3A_645, %dma_wait3A_646] : memref<8192x32xf32, #tpu.memory_space<hbm>> -> memref<8192x32xf32, #tpu.memory_space<hbm>>
      %dma_wait3A_648 = tpu.memref_slice %arg10[%dma_wait3A_635] : memref<4x!tpu.dma_semaphore, #tpu.memory_space<semaphore_mem>> -> memref<1x!tpu.dma_semaphore, #tpu.memory_space<semaphore_mem>>
      %dma_wait3A_649 = tpu.memref_squeeze %dma_wait3A_648 : memref<1x!tpu.dma_semaphore, #tpu.memory_space<semaphore_mem>> -> memref<!tpu.dma_semaphore, #tpu.memory_space<semaphore_mem>>
      tpu.wait_indirect_dma semaphore(%dma_wait3A_649 : memref<!tpu.dma_semaphore, #tpu.memory_space<semaphore_mem>>) src(%dma_wait3A_647 : memref<8192x32xf32, #tpu.memory_space<hbm>>) dst(%dma_wait3A_639 : memref<256x32xf32, #tpu.memory_space<vmem>>)
      %add3A_650 = arith.constant 0 : i32
      %add3A_651 = arith.addi %add3A_611, %add3A_650 : i32
      %mul3A_652 = arith.constant 256 : i32
      %mul3A_653 = arith.muli %add3A_651, %mul3A_652 : i32
      %dma_start3A_654 = arith.constant 0 : i32
      %dma_start3A_655 = arith.constant 0 : i32
      %dma_start3A_656 = arith.constant 0 : i32
      %dma_start3A_657 = arith.constant 0 : i32
      %dma_start3A_658 = tpu.memref_slice %arg8[%dma_start3A_654, %dma_start3A_656, %dma_start3A_657] : memref<4x256x64xf32, #tpu.memory_space<vmem>> -> memref<1x256x64xf32, #tpu.memory_space<vmem>>
      %dma_start3A_659 = tpu.memref_squeeze %dma_start3A_658 : memref<1x256x64xf32, #tpu.memory_space<vmem>> -> memref<256x64xf32, #tpu.memory_space<vmem>>
      %dma_start3A_660 = arith.constant 0 : i32
      %dma_start3A_661 = tpu.memref_slice %arg5[%add3A, %mul3A_653, %dma_start3A_660] : memref<32x16384x64xf32, #tpu.memory_space<hbm>> -> memref<1x256x64xf32, #tpu.memory_space<hbm>>
      %dma_start3A_662 = tpu.memref_squeeze %dma_start3A_661 : memref<1x256x64xf32, #tpu.memory_space<hbm>> -> memref<256x64xf32, #tpu.memory_space<hbm>>
      %dma_start3A_663 = tpu.memref_slice %arg11[%dma_start3A_655] : memref<4x!tpu.dma_semaphore, #tpu.memory_space<semaphore_mem>> -> memref<1x!tpu.dma_semaphore, #tpu.memory_space<semaphore_mem>>
      %dma_start3A_664 = tpu.memref_squeeze %dma_start3A_663 : memref<1x!tpu.dma_semaphore, #tpu.memory_space<semaphore_mem>> -> memref<!tpu.dma_semaphore, #tpu.memory_space<semaphore_mem>>
      %dma_start3A_665 = arith.constant 0 : i32
      %dma_start3A_666 = tpu.memref_slice %arg5[%add3A, %mul3A_653, %dma_start3A_665] : memref<32x16384x64xf32, #tpu.memory_space<hbm>> -> memref<1x256x64xf32, #tpu.memory_space<hbm>>
      %dma_start3A_667 = tpu.memref_squeeze %dma_start3A_666 : memref<1x256x64xf32, #tpu.memory_space<hbm>> -> memref<256x64xf32, #tpu.memory_space<hbm>>
      %dma_start3A_668 = arith.constant 0 : i32
      %dma_start3A_669 = arith.constant 0 : i32
      %dma_start3A_670 = tpu.memref_slice %arg8[%dma_start3A_654, %dma_start3A_668, %dma_start3A_669] : memref<4x256x64xf32, #tpu.memory_space<vmem>> -> memref<1x256x64xf32, #tpu.memory_space<vmem>>
      %dma_start3A_671 = tpu.memref_squeeze %dma_start3A_670 : memref<1x256x64xf32, #tpu.memory_space<vmem>> -> memref<256x64xf32, #tpu.memory_space<vmem>>
      tpu.enqueue_dma source(%dma_start3A_671 : memref<256x64xf32, #tpu.memory_space<vmem>>) target(%dma_start3A_667 : memref<256x64xf32, #tpu.memory_space<hbm>>) target_semaphore(%dma_start3A_664 : memref<!tpu.dma_semaphore, #tpu.memory_space<semaphore_mem>>)
      %mul3A_672 = arith.constant 256 : i32
      %mul3A_673 = arith.muli %add3A_651, %mul3A_672 : i32
      %dma_start3A_674 = arith.constant 0 : i32
      %dma_start3A_675 = arith.constant 0 : i32
      %dma_start3A_676 = arith.constant 0 : i32
      %dma_start3A_677 = arith.constant 0 : i32
      %dma_start3A_678 = tpu.memref_slice %arg9[%dma_start3A_674, %dma_start3A_676, %dma_start3A_677] : memref<4x256x32xf32, #tpu.memory_space<vmem>> -> memref<1x256x32xf32, #tpu.memory_space<vmem>>
      %dma_start3A_679 = tpu.memref_squeeze %dma_start3A_678 : memref<1x256x32xf32, #tpu.memory_space<vmem>> -> memref<256x32xf32, #tpu.memory_space<vmem>>
      %dma_start3A_680 = arith.constant 0 : i32
      %dma_start3A_681 = tpu.memref_slice %arg6[%add3A, %mul3A_673, %dma_start3A_680] : memref<32x16384x32xf32, #tpu.memory_space<hbm>> -> memref<1x256x32xf32, #tpu.memory_space<hbm>>
      %dma_start3A_682 = tpu.memref_squeeze %dma_start3A_681 : memref<1x256x32xf32, #tpu.memory_space<hbm>> -> memref<256x32xf32, #tpu.memory_space<hbm>>
      %dma_start3A_683 = tpu.memref_slice %arg11[%dma_start3A_675] : memref<4x!tpu.dma_semaphore, #tpu.memory_space<semaphore_mem>> -> memref<1x!tpu.dma_semaphore, #tpu.memory_space<semaphore_mem>>
      %dma_start3A_684 = tpu.memref_squeeze %dma_start3A_683 : memref<1x!tpu.dma_semaphore, #tpu.memory_space<semaphore_mem>> -> memref<!tpu.dma_semaphore, #tpu.memory_space<semaphore_mem>>
      %dma_start3A_685 = arith.constant 0 : i32
      %dma_start3A_686 = tpu.memref_slice %arg6[%add3A, %mul3A_673, %dma_start3A_685] : memref<32x16384x32xf32, #tpu.memory_space<hbm>> -> memref<1x256x32xf32, #tpu.memory_space<hbm>>
      %dma_start3A_687 = tpu.memref_squeeze %dma_start3A_686 : memref<1x256x32xf32, #tpu.memory_space<hbm>> -> memref<256x32xf32, #tpu.memory_space<hbm>>
      %dma_start3A_688 = arith.constant 0 : i32
      %dma_start3A_689 = arith.constant 0 : i32
      %dma_start3A_690 = tpu.memref_slice %arg9[%dma_start3A_674, %dma_start3A_688, %dma_start3A_689] : memref<4x256x32xf32, #tpu.memory_space<vmem>> -> memref<1x256x32xf32, #tpu.memory_space<vmem>>
      %dma_start3A_691 = tpu.memref_squeeze %dma_start3A_690 : memref<1x256x32xf32, #tpu.memory_space<vmem>> -> memref<256x32xf32, #tpu.memory_space<vmem>>
      tpu.enqueue_dma source(%dma_start3A_691 : memref<256x32xf32, #tpu.memory_space<vmem>>) target(%dma_start3A_687 : memref<256x32xf32, #tpu.memory_space<hbm>>) target_semaphore(%dma_start3A_684 : memref<!tpu.dma_semaphore, #tpu.memory_space<semaphore_mem>>)
      %add3A_692 = arith.constant 1 : i32
      %add3A_693 = arith.addi %add3A_611, %add3A_692 : i32
      %mul3A_694 = arith.constant 256 : i32
      %mul3A_695 = arith.muli %add3A_693, %mul3A_694 : i32
      %dma_wait3A_696 = arith.constant 1 : i32
      %dma_wait3A_697 = arith.constant 1 : i32
      %dma_wait3A_698 = arith.constant 0 : i32
      %dma_wait3A_699 = arith.constant 0 : i32
      %dma_wait3A_700 = tpu.memref_slice %arg8[%dma_wait3A_696, %dma_wait3A_698, %dma_wait3A_699] : memref<4x256x64xf32, #tpu.memory_space<vmem>> -> memref<1x256x64xf32, #tpu.memory_space<vmem>>
      %dma_wait3A_701 = tpu.memref_squeeze %dma_wait3A_700 : memref<1x256x64xf32, #tpu.memory_space<vmem>> -> memref<256x64xf32, #tpu.memory_space<vmem>>
      %dma_wait3A_702 = tpu.memref_slice %arg7[%mul3A_695] : memref<16384xi32, #tpu.memory_space<vmem>> -> memref<256xi32, #tpu.memory_space<vmem>>
      %dma_wait3A_703 = arith.constant 0 : i32
      %dma_wait3A_704 = arith.constant 0 : i32
      %dma_wait3A_705 = tpu.memref_slice %arg2[%add3A, %dma_wait3A_703, %dma_wait3A_704] : memref<32x8192x64xf32, #tpu.memory_space<hbm>> -> memref<1x8192x64xf32, #tpu.memory_space<hbm>>
      %dma_wait3A_706 = tpu.memref_squeeze %dma_wait3A_705 : memref<1x8192x64xf32, #tpu.memory_space<hbm>> -> memref<8192x64xf32, #tpu.memory_space<hbm>>
      %dma_wait3A_707 = arith.constant 0 : i32
      %dma_wait3A_708 = arith.constant 0 : i32
      %dma_wait3A_709 = tpu.memref_slice %dma_wait3A_706[%dma_wait3A_707, %dma_wait3A_708] : memref<8192x64xf32, #tpu.memory_space<hbm>> -> memref<8192x64xf32, #tpu.memory_space<hbm>>
      %dma_wait3A_710 = tpu.memref_slice %arg10[%dma_wait3A_697] : memref<4x!tpu.dma_semaphore, #tpu.memory_space<semaphore_mem>> -> memref<1x!tpu.dma_semaphore, #tpu.memory_space<semaphore_mem>>
      %dma_wait3A_711 = tpu.memref_squeeze %dma_wait3A_710 : memref<1x!tpu.dma_semaphore, #tpu.memory_space<semaphore_mem>> -> memref<!tpu.dma_semaphore, #tpu.memory_space<semaphore_mem>>
      tpu.wait_indirect_dma semaphore(%dma_wait3A_711 : memref<!tpu.dma_semaphore, #tpu.memory_space<semaphore_mem>>) src(%dma_wait3A_709 : memref<8192x64xf32, #tpu.memory_space<hbm>>) dst(%dma_wait3A_701 : memref<256x64xf32, #tpu.memory_space<vmem>>)
      %mul3A_712 = arith.constant 256 : i32
      %mul3A_713 = arith.muli %add3A_693, %mul3A_712 : i32
      %dma_wait3A_714 = arith.constant 1 : i32
      %dma_wait3A_715 = arith.constant 1 : i32
      %dma_wait3A_716 = arith.constant 0 : i32
      %dma_wait3A_717 = arith.constant 0 : i32
      %dma_wait3A_718 = tpu.memref_slice %arg9[%dma_wait3A_714, %dma_wait3A_716, %dma_wait3A_717] : memref<4x256x32xf32, #tpu.memory_space<vmem>> -> memref<1x256x32xf32, #tpu.memory_space<vmem>>
      %dma_wait3A_719 = tpu.memref_squeeze %dma_wait3A_718 : memref<1x256x32xf32, #tpu.memory_space<vmem>> -> memref<256x32xf32, #tpu.memory_space<vmem>>
      %dma_wait3A_720 = tpu.memref_slice %arg7[%mul3A_713] : memref<16384xi32, #tpu.memory_space<vmem>> -> memref<256xi32, #tpu.memory_space<vmem>>
      %dma_wait3A_721 = arith.constant 0 : i32
      %dma_wait3A_722 = arith.constant 0 : i32
      %dma_wait3A_723 = tpu.memref_slice %arg3[%add3A, %dma_wait3A_721, %dma_wait3A_722] : memref<32x8192x32xf32, #tpu.memory_space<hbm>> -> memref<1x8192x32xf32, #tpu.memory_space<hbm>>
      %dma_wait3A_724 = tpu.memref_squeeze %dma_wait3A_723 : memref<1x8192x32xf32, #tpu.memory_space<hbm>> -> memref<8192x32xf32, #tpu.memory_space<hbm>>
      %dma_wait3A_725 = arith.constant 0 : i32
      %dma_wait3A_726 = arith.constant 0 : i32
      %dma_wait3A_727 = tpu.memref_slice %dma_wait3A_724[%dma_wait3A_725, %dma_wait3A_726] : memref<8192x32xf32, #tpu.memory_space<hbm>> -> memref<8192x32xf32, #tpu.memory_space<hbm>>
      %dma_wait3A_728 = tpu.memref_slice %arg10[%dma_wait3A_715] : memref<4x!tpu.dma_semaphore, #tpu.memory_space<semaphore_mem>> -> memref<1x!tpu.dma_semaphore, #tpu.memory_space<semaphore_mem>>
      %dma_wait3A_729 = tpu.memref_squeeze %dma_wait3A_728 : memref<1x!tpu.dma_semaphore, #tpu.memory_space<semaphore_mem>> -> memref<!tpu.dma_semaphore, #tpu.memory_space<semaphore_mem>>
      tpu.wait_indirect_dma semaphore(%dma_wait3A_729 : memref<!tpu.dma_semaphore, #tpu.memory_space<semaphore_mem>>) src(%dma_wait3A_727 : memref<8192x32xf32, #tpu.memory_space<hbm>>) dst(%dma_wait3A_719 : memref<256x32xf32, #tpu.memory_space<vmem>>)
      %add3A_730 = arith.constant 1 : i32
      %add3A_731 = arith.addi %add3A_611, %add3A_730 : i32
      %mul3A_732 = arith.constant 256 : i32
      %mul3A_733 = arith.muli %add3A_731, %mul3A_732 : i32
      %dma_start3A_734 = arith.constant 1 : i32
      %dma_start3A_735 = arith.constant 1 : i32
      %dma_start3A_736 = arith.constant 0 : i32
      %dma_start3A_737 = arith.constant 0 : i32
      %dma_start3A_738 = tpu.memref_slice %arg8[%dma_start3A_734, %dma_start3A_736, %dma_start3A_737] : memref<4x256x64xf32, #tpu.memory_space<vmem>> -> memref<1x256x64xf32, #tpu.memory_space<vmem>>
      %dma_start3A_739 = tpu.memref_squeeze %dma_start3A_738 : memref<1x256x64xf32, #tpu.memory_space<vmem>> -> memref<256x64xf32, #tpu.memory_space<vmem>>
      %dma_start3A_740 = arith.constant 0 : i32
      %dma_start3A_741 = tpu.memref_slice %arg5[%add3A, %mul3A_733, %dma_start3A_740] : memref<32x16384x64xf32, #tpu.memory_space<hbm>> -> memref<1x256x64xf32, #tpu.memory_space<hbm>>
      %dma_start3A_742 = tpu.memref_squeeze %dma_start3A_741 : memref<1x256x64xf32, #tpu.memory_space<hbm>> -> memref<256x64xf32, #tpu.memory_space<hbm>>
      %dma_start3A_743 = tpu.memref_slice %arg11[%dma_start3A_735] : memref<4x!tpu.dma_semaphore, #tpu.memory_space<semaphore_mem>> -> memref<1x!tpu.dma_semaphore, #tpu.memory_space<semaphore_mem>>
      %dma_start3A_744 = tpu.memref_squeeze %dma_start3A_743 : memref<1x!tpu.dma_semaphore, #tpu.memory_space<semaphore_mem>> -> memref<!tpu.dma_semaphore, #tpu.memory_space<semaphore_mem>>
      %dma_start3A_745 = arith.constant 0 : i32
      %dma_start3A_746 = tpu.memref_slice %arg5[%add3A, %mul3A_733, %dma_start3A_745] : memref<32x16384x64xf32, #tpu.memory_space<hbm>> -> memref<1x256x64xf32, #tpu.memory_space<hbm>>
      %dma_start3A_747 = tpu.memref_squeeze %dma_start3A_746 : memref<1x256x64xf32, #tpu.memory_space<hbm>> -> memref<256x64xf32, #tpu.memory_space<hbm>>
      %dma_start3A_748 = arith.constant 0 : i32
      %dma_start3A_749 = arith.constant 0 : i32
      %dma_start3A_750 = tpu.memref_slice %arg8[%dma_start3A_734, %dma_start3A_748, %dma_start3A_749] : memref<4x256x64xf32, #tpu.memory_space<vmem>> -> memref<1x256x64xf32, #tpu.memory_space<vmem>>
      %dma_start3A_751 = tpu.memref_squeeze %dma_start3A_750 : memref<1x256x64xf32, #tpu.memory_space<vmem>> -> memref<256x64xf32, #tpu.memory_space<vmem>>
      tpu.enqueue_dma source(%dma_start3A_751 : memref<256x64xf32, #tpu.memory_space<vmem>>) target(%dma_start3A_747 : memref<256x64xf32, #tpu.memory_space<hbm>>) target_semaphore(%dma_start3A_744 : memref<!tpu.dma_semaphore, #tpu.memory_space<semaphore_mem>>)
      %mul3A_752 = arith.constant 256 : i32
      %mul3A_753 = arith.muli %add3A_731, %mul3A_752 : i32
      %dma_start3A_754 = arith.constant 1 : i32
      %dma_start3A_755 = arith.constant 1 : i32
      %dma_start3A_756 = arith.constant 0 : i32
      %dma_start3A_757 = arith.constant 0 : i32
      %dma_start3A_758 = tpu.memref_slice %arg9[%dma_start3A_754, %dma_start3A_756, %dma_start3A_757] : memref<4x256x32xf32, #tpu.memory_space<vmem>> -> memref<1x256x32xf32, #tpu.memory_space<vmem>>
      %dma_start3A_759 = tpu.memref_squeeze %dma_start3A_758 : memref<1x256x32xf32, #tpu.memory_space<vmem>> -> memref<256x32xf32, #tpu.memory_space<vmem>>
      %dma_start3A_760 = arith.constant 0 : i32
      %dma_start3A_761 = tpu.memref_slice %arg6[%add3A, %mul3A_753, %dma_start3A_760] : memref<32x16384x32xf32, #tpu.memory_space<hbm>> -> memref<1x256x32xf32, #tpu.memory_space<hbm>>
      %dma_start3A_762 = tpu.memref_squeeze %dma_start3A_761 : memref<1x256x32xf32, #tpu.memory_space<hbm>> -> memref<256x32xf32, #tpu.memory_space<hbm>>
      %dma_start3A_763 = tpu.memref_slice %arg11[%dma_start3A_755] : memref<4x!tpu.dma_semaphore, #tpu.memory_space<semaphore_mem>> -> memref<1x!tpu.dma_semaphore, #tpu.memory_space<semaphore_mem>>
      %dma_start3A_764 = tpu.memref_squeeze %dma_start3A_763 : memref<1x!tpu.dma_semaphore, #tpu.memory_space<semaphore_mem>> -> memref<!tpu.dma_semaphore, #tpu.memory_space<semaphore_mem>>
      %dma_start3A_765 = arith.constant 0 : i32
      %dma_start3A_766 = tpu.memref_slice %arg6[%add3A, %mul3A_753, %dma_start3A_765] : memref<32x16384x32xf32, #tpu.memory_space<hbm>> -> memref<1x256x32xf32, #tpu.memory_space<hbm>>
      %dma_start3A_767 = tpu.memref_squeeze %dma_start3A_766 : memref<1x256x32xf32, #tpu.memory_space<hbm>> -> memref<256x32xf32, #tpu.memory_space<hbm>>
      %dma_start3A_768 = arith.constant 0 : i32
      %dma_start3A_769 = arith.constant 0 : i32
      %dma_start3A_770 = tpu.memref_slice %arg9[%dma_start3A_754, %dma_start3A_768, %dma_start3A_769] : memref<4x256x32xf32, #tpu.memory_space<vmem>> -> memref<1x256x32xf32, #tpu.memory_space<vmem>>
      %dma_start3A_771 = tpu.memref_squeeze %dma_start3A_770 : memref<1x256x32xf32, #tpu.memory_space<vmem>> -> memref<256x32xf32, #tpu.memory_space<vmem>>
      tpu.enqueue_dma source(%dma_start3A_771 : memref<256x32xf32, #tpu.memory_space<vmem>>) target(%dma_start3A_767 : memref<256x32xf32, #tpu.memory_space<hbm>>) target_semaphore(%dma_start3A_764 : memref<!tpu.dma_semaphore, #tpu.memory_space<semaphore_mem>>)
      %add3A_772 = arith.constant 2 : i32
      %add3A_773 = arith.addi %add3A_611, %add3A_772 : i32
      %mul3A_774 = arith.constant 256 : i32
      %mul3A_775 = arith.muli %add3A_773, %mul3A_774 : i32
      %dma_wait3A_776 = arith.constant 2 : i32
      %dma_wait3A_777 = arith.constant 2 : i32
      %dma_wait3A_778 = arith.constant 0 : i32
      %dma_wait3A_779 = arith.constant 0 : i32
      %dma_wait3A_780 = tpu.memref_slice %arg8[%dma_wait3A_776, %dma_wait3A_778, %dma_wait3A_779] : memref<4x256x64xf32, #tpu.memory_space<vmem>> -> memref<1x256x64xf32, #tpu.memory_space<vmem>>
      %dma_wait3A_781 = tpu.memref_squeeze %dma_wait3A_780 : memref<1x256x64xf32, #tpu.memory_space<vmem>> -> memref<256x64xf32, #tpu.memory_space<vmem>>
      %dma_wait3A_782 = tpu.memref_slice %arg7[%mul3A_775] : memref<16384xi32, #tpu.memory_space<vmem>> -> memref<256xi32, #tpu.memory_space<vmem>>
      %dma_wait3A_783 = arith.constant 0 : i32
      %dma_wait3A_784 = arith.constant 0 : i32
      %dma_wait3A_785 = tpu.memref_slice %arg2[%add3A, %dma_wait3A_783, %dma_wait3A_784] : memref<32x8192x64xf32, #tpu.memory_space<hbm>> -> memref<1x8192x64xf32, #tpu.memory_space<hbm>>
      %dma_wait3A_786 = tpu.memref_squeeze %dma_wait3A_785 : memref<1x8192x64xf32, #tpu.memory_space<hbm>> -> memref<8192x64xf32, #tpu.memory_space<hbm>>
      %dma_wait3A_787 = arith.constant 0 : i32
      %dma_wait3A_788 = arith.constant 0 : i32
      %dma_wait3A_789 = tpu.memref_slice %dma_wait3A_786[%dma_wait3A_787, %dma_wait3A_788] : memref<8192x64xf32, #tpu.memory_space<hbm>> -> memref<8192x64xf32, #tpu.memory_space<hbm>>
      %dma_wait3A_790 = tpu.memref_slice %arg10[%dma_wait3A_777] : memref<4x!tpu.dma_semaphore, #tpu.memory_space<semaphore_mem>> -> memref<1x!tpu.dma_semaphore, #tpu.memory_space<semaphore_mem>>
      %dma_wait3A_791 = tpu.memref_squeeze %dma_wait3A_790 : memref<1x!tpu.dma_semaphore, #tpu.memory_space<semaphore_mem>> -> memref<!tpu.dma_semaphore, #tpu.memory_space<semaphore_mem>>
      tpu.wait_indirect_dma semaphore(%dma_wait3A_791 : memref<!tpu.dma_semaphore, #tpu.memory_space<semaphore_mem>>) src(%dma_wait3A_789 : memref<8192x64xf32, #tpu.memory_space<hbm>>) dst(%dma_wait3A_781 : memref<256x64xf32, #tpu.memory_space<vmem>>)
      %mul3A_792 = arith.constant 256 : i32
      %mul3A_793 = arith.muli %add3A_773, %mul3A_792 : i32
      %dma_wait3A_794 = arith.constant 2 : i32
      %dma_wait3A_795 = arith.constant 2 : i32
      %dma_wait3A_796 = arith.constant 0 : i32
      %dma_wait3A_797 = arith.constant 0 : i32
      %dma_wait3A_798 = tpu.memref_slice %arg9[%dma_wait3A_794, %dma_wait3A_796, %dma_wait3A_797] : memref<4x256x32xf32, #tpu.memory_space<vmem>> -> memref<1x256x32xf32, #tpu.memory_space<vmem>>
      %dma_wait3A_799 = tpu.memref_squeeze %dma_wait3A_798 : memref<1x256x32xf32, #tpu.memory_space<vmem>> -> memref<256x32xf32, #tpu.memory_space<vmem>>
      %dma_wait3A_800 = tpu.memref_slice %arg7[%mul3A_793] : memref<16384xi32, #tpu.memory_space<vmem>> -> memref<256xi32, #tpu.memory_space<vmem>>
      %dma_wait3A_801 = arith.constant 0 : i32
      %dma_wait3A_802 = arith.constant 0 : i32
      %dma_wait3A_803 = tpu.memref_slice %arg3[%add3A, %dma_wait3A_801, %dma_wait3A_802] : memref<32x8192x32xf32, #tpu.memory_space<hbm>> -> memref<1x8192x32xf32, #tpu.memory_space<hbm>>
      %dma_wait3A_804 = tpu.memref_squeeze %dma_wait3A_803 : memref<1x8192x32xf32, #tpu.memory_space<hbm>> -> memref<8192x32xf32, #tpu.memory_space<hbm>>
      %dma_wait3A_805 = arith.constant 0 : i32
      %dma_wait3A_806 = arith.constant 0 : i32
      %dma_wait3A_807 = tpu.memref_slice %dma_wait3A_804[%dma_wait3A_805, %dma_wait3A_806] : memref<8192x32xf32, #tpu.memory_space<hbm>> -> memref<8192x32xf32, #tpu.memory_space<hbm>>
      %dma_wait3A_808 = tpu.memref_slice %arg10[%dma_wait3A_795] : memref<4x!tpu.dma_semaphore, #tpu.memory_space<semaphore_mem>> -> memref<1x!tpu.dma_semaphore, #tpu.memory_space<semaphore_mem>>
      %dma_wait3A_809 = tpu.memref_squeeze %dma_wait3A_808 : memref<1x!tpu.dma_semaphore, #tpu.memory_space<semaphore_mem>> -> memref<!tpu.dma_semaphore, #tpu.memory_space<semaphore_mem>>
      tpu.wait_indirect_dma semaphore(%dma_wait3A_809 : memref<!tpu.dma_semaphore, #tpu.memory_space<semaphore_mem>>) src(%dma_wait3A_807 : memref<8192x32xf32, #tpu.memory_space<hbm>>) dst(%dma_wait3A_799 : memref<256x32xf32, #tpu.memory_space<vmem>>)
      %add3A_810 = arith.constant 2 : i32
      %add3A_811 = arith.addi %add3A_611, %add3A_810 : i32
      %mul3A_812 = arith.constant 256 : i32
      %mul3A_813 = arith.muli %add3A_811, %mul3A_812 : i32
      %dma_start3A_814 = arith.constant 2 : i32
      %dma_start3A_815 = arith.constant 2 : i32
      %dma_start3A_816 = arith.constant 0 : i32
      %dma_start3A_817 = arith.constant 0 : i32
      %dma_start3A_818 = tpu.memref_slice %arg8[%dma_start3A_814, %dma_start3A_816, %dma_start3A_817] : memref<4x256x64xf32, #tpu.memory_space<vmem>> -> memref<1x256x64xf32, #tpu.memory_space<vmem>>
      %dma_start3A_819 = tpu.memref_squeeze %dma_start3A_818 : memref<1x256x64xf32, #tpu.memory_space<vmem>> -> memref<256x64xf32, #tpu.memory_space<vmem>>
      %dma_start3A_820 = arith.constant 0 : i32
      %dma_start3A_821 = tpu.memref_slice %arg5[%add3A, %mul3A_813, %dma_start3A_820] : memref<32x16384x64xf32, #tpu.memory_space<hbm>> -> memref<1x256x64xf32, #tpu.memory_space<hbm>>
      %dma_start3A_822 = tpu.memref_squeeze %dma_start3A_821 : memref<1x256x64xf32, #tpu.memory_space<hbm>> -> memref<256x64xf32, #tpu.memory_space<hbm>>
      %dma_start3A_823 = tpu.memref_slice %arg11[%dma_start3A_815] : memref<4x!tpu.dma_semaphore, #tpu.memory_space<semaphore_mem>> -> memref<1x!tpu.dma_semaphore, #tpu.memory_space<semaphore_mem>>
      %dma_start3A_824 = tpu.memref_squeeze %dma_start3A_823 : memref<1x!tpu.dma_semaphore, #tpu.memory_space<semaphore_mem>> -> memref<!tpu.dma_semaphore, #tpu.memory_space<semaphore_mem>>
      %dma_start3A_825 = arith.constant 0 : i32
      %dma_start3A_826 = tpu.memref_slice %arg5[%add3A, %mul3A_813, %dma_start3A_825] : memref<32x16384x64xf32, #tpu.memory_space<hbm>> -> memref<1x256x64xf32, #tpu.memory_space<hbm>>
      %dma_start3A_827 = tpu.memref_squeeze %dma_start3A_826 : memref<1x256x64xf32, #tpu.memory_space<hbm>> -> memref<256x64xf32, #tpu.memory_space<hbm>>
      %dma_start3A_828 = arith.constant 0 : i32
      %dma_start3A_829 = arith.constant 0 : i32
      %dma_start3A_830 = tpu.memref_slice %arg8[%dma_start3A_814, %dma_start3A_828, %dma_start3A_829] : memref<4x256x64xf32, #tpu.memory_space<vmem>> -> memref<1x256x64xf32, #tpu.memory_space<vmem>>
      %dma_start3A_831 = tpu.memref_squeeze %dma_start3A_830 : memref<1x256x64xf32, #tpu.memory_space<vmem>> -> memref<256x64xf32, #tpu.memory_space<vmem>>
      tpu.enqueue_dma source(%dma_start3A_831 : memref<256x64xf32, #tpu.memory_space<vmem>>) target(%dma_start3A_827 : memref<256x64xf32, #tpu.memory_space<hbm>>) target_semaphore(%dma_start3A_824 : memref<!tpu.dma_semaphore, #tpu.memory_space<semaphore_mem>>)
      %mul3A_832 = arith.constant 256 : i32
      %mul3A_833 = arith.muli %add3A_811, %mul3A_832 : i32
      %dma_start3A_834 = arith.constant 2 : i32
      %dma_start3A_835 = arith.constant 2 : i32
      %dma_start3A_836 = arith.constant 0 : i32
      %dma_start3A_837 = arith.constant 0 : i32
      %dma_start3A_838 = tpu.memref_slice %arg9[%dma_start3A_834, %dma_start3A_836, %dma_start3A_837] : memref<4x256x32xf32, #tpu.memory_space<vmem>> -> memref<1x256x32xf32, #tpu.memory_space<vmem>>
      %dma_start3A_839 = tpu.memref_squeeze %dma_start3A_838 : memref<1x256x32xf32, #tpu.memory_space<vmem>> -> memref<256x32xf32, #tpu.memory_space<vmem>>
      %dma_start3A_840 = arith.constant 0 : i32
      %dma_start3A_841 = tpu.memref_slice %arg6[%add3A, %mul3A_833, %dma_start3A_840] : memref<32x16384x32xf32, #tpu.memory_space<hbm>> -> memref<1x256x32xf32, #tpu.memory_space<hbm>>
      %dma_start3A_842 = tpu.memref_squeeze %dma_start3A_841 : memref<1x256x32xf32, #tpu.memory_space<hbm>> -> memref<256x32xf32, #tpu.memory_space<hbm>>
      %dma_start3A_843 = tpu.memref_slice %arg11[%dma_start3A_835] : memref<4x!tpu.dma_semaphore, #tpu.memory_space<semaphore_mem>> -> memref<1x!tpu.dma_semaphore, #tpu.memory_space<semaphore_mem>>
      %dma_start3A_844 = tpu.memref_squeeze %dma_start3A_843 : memref<1x!tpu.dma_semaphore, #tpu.memory_space<semaphore_mem>> -> memref<!tpu.dma_semaphore, #tpu.memory_space<semaphore_mem>>
      %dma_start3A_845 = arith.constant 0 : i32
      %dma_start3A_846 = tpu.memref_slice %arg6[%add3A, %mul3A_833, %dma_start3A_845] : memref<32x16384x32xf32, #tpu.memory_space<hbm>> -> memref<1x256x32xf32, #tpu.memory_space<hbm>>
      %dma_start3A_847 = tpu.memref_squeeze %dma_start3A_846 : memref<1x256x32xf32, #tpu.memory_space<hbm>> -> memref<256x32xf32, #tpu.memory_space<hbm>>
      %dma_start3A_848 = arith.constant 0 : i32
      %dma_start3A_849 = arith.constant 0 : i32
      %dma_start3A_850 = tpu.memref_slice %arg9[%dma_start3A_834, %dma_start3A_848, %dma_start3A_849] : memref<4x256x32xf32, #tpu.memory_space<vmem>> -> memref<1x256x32xf32, #tpu.memory_space<vmem>>
      %dma_start3A_851 = tpu.memref_squeeze %dma_start3A_850 : memref<1x256x32xf32, #tpu.memory_space<vmem>> -> memref<256x32xf32, #tpu.memory_space<vmem>>
      tpu.enqueue_dma source(%dma_start3A_851 : memref<256x32xf32, #tpu.memory_space<vmem>>) target(%dma_start3A_847 : memref<256x32xf32, #tpu.memory_space<hbm>>) target_semaphore(%dma_start3A_844 : memref<!tpu.dma_semaphore, #tpu.memory_space<semaphore_mem>>)
      %add3A_852 = arith.constant 3 : i32
      %add3A_853 = arith.addi %add3A_611, %add3A_852 : i32
      %mul3A_854 = arith.constant 256 : i32
      %mul3A_855 = arith.muli %add3A_853, %mul3A_854 : i32
      %dma_wait3A_856 = arith.constant 3 : i32
      %dma_wait3A_857 = arith.constant 3 : i32
      %dma_wait3A_858 = arith.constant 0 : i32
      %dma_wait3A_859 = arith.constant 0 : i32
      %dma_wait3A_860 = tpu.memref_slice %arg8[%dma_wait3A_856, %dma_wait3A_858, %dma_wait3A_859] : memref<4x256x64xf32, #tpu.memory_space<vmem>> -> memref<1x256x64xf32, #tpu.memory_space<vmem>>
      %dma_wait3A_861 = tpu.memref_squeeze %dma_wait3A_860 : memref<1x256x64xf32, #tpu.memory_space<vmem>> -> memref<256x64xf32, #tpu.memory_space<vmem>>
      %dma_wait3A_862 = tpu.memref_slice %arg7[%mul3A_855] : memref<16384xi32, #tpu.memory_space<vmem>> -> memref<256xi32, #tpu.memory_space<vmem>>
      %dma_wait3A_863 = arith.constant 0 : i32
      %dma_wait3A_864 = arith.constant 0 : i32
      %dma_wait3A_865 = tpu.memref_slice %arg2[%add3A, %dma_wait3A_863, %dma_wait3A_864] : memref<32x8192x64xf32, #tpu.memory_space<hbm>> -> memref<1x8192x64xf32, #tpu.memory_space<hbm>>
      %dma_wait3A_866 = tpu.memref_squeeze %dma_wait3A_865 : memref<1x8192x64xf32, #tpu.memory_space<hbm>> -> memref<8192x64xf32, #tpu.memory_space<hbm>>
      %dma_wait3A_867 = arith.constant 0 : i32
      %dma_wait3A_868 = arith.constant 0 : i32
      %dma_wait3A_869 = tpu.memref_slice %dma_wait3A_866[%dma_wait3A_867, %dma_wait3A_868] : memref<8192x64xf32, #tpu.memory_space<hbm>> -> memref<8192x64xf32, #tpu.memory_space<hbm>>
      %dma_wait3A_870 = tpu.memref_slice %arg10[%dma_wait3A_857] : memref<4x!tpu.dma_semaphore, #tpu.memory_space<semaphore_mem>> -> memref<1x!tpu.dma_semaphore, #tpu.memory_space<semaphore_mem>>
      %dma_wait3A_871 = tpu.memref_squeeze %dma_wait3A_870 : memref<1x!tpu.dma_semaphore, #tpu.memory_space<semaphore_mem>> -> memref<!tpu.dma_semaphore, #tpu.memory_space<semaphore_mem>>
      tpu.wait_indirect_dma semaphore(%dma_wait3A_871 : memref<!tpu.dma_semaphore, #tpu.memory_space<semaphore_mem>>) src(%dma_wait3A_869 : memref<8192x64xf32, #tpu.memory_space<hbm>>) dst(%dma_wait3A_861 : memref<256x64xf32, #tpu.memory_space<vmem>>)
      %mul3A_872 = arith.constant 256 : i32
      %mul3A_873 = arith.muli %add3A_853, %mul3A_872 : i32
      %dma_wait3A_874 = arith.constant 3 : i32
      %dma_wait3A_875 = arith.constant 3 : i32
      %dma_wait3A_876 = arith.constant 0 : i32
      %dma_wait3A_877 = arith.constant 0 : i32
      %dma_wait3A_878 = tpu.memref_slice %arg9[%dma_wait3A_874, %dma_wait3A_876, %dma_wait3A_877] : memref<4x256x32xf32, #tpu.memory_space<vmem>> -> memref<1x256x32xf32, #tpu.memory_space<vmem>>
      %dma_wait3A_879 = tpu.memref_squeeze %dma_wait3A_878 : memref<1x256x32xf32, #tpu.memory_space<vmem>> -> memref<256x32xf32, #tpu.memory_space<vmem>>
      %dma_wait3A_880 = tpu.memref_slice %arg7[%mul3A_873] : memref<16384xi32, #tpu.memory_space<vmem>> -> memref<256xi32, #tpu.memory_space<vmem>>
      %dma_wait3A_881 = arith.constant 0 : i32
      %dma_wait3A_882 = arith.constant 0 : i32
      %dma_wait3A_883 = tpu.memref_slice %arg3[%add3A, %dma_wait3A_881, %dma_wait3A_882] : memref<32x8192x32xf32, #tpu.memory_space<hbm>> -> memref<1x8192x32xf32, #tpu.memory_space<hbm>>
      %dma_wait3A_884 = tpu.memref_squeeze %dma_wait3A_883 : memref<1x8192x32xf32, #tpu.memory_space<hbm>> -> memref<8192x32xf32, #tpu.memory_space<hbm>>
      %dma_wait3A_885 = arith.constant 0 : i32
      %dma_wait3A_886 = arith.constant 0 : i32
      %dma_wait3A_887 = tpu.memref_slice %dma_wait3A_884[%dma_wait3A_885, %dma_wait3A_886] : memref<8192x32xf32, #tpu.memory_space<hbm>> -> memref<8192x32xf32, #tpu.memory_space<hbm>>
      %dma_wait3A_888 = tpu.memref_slice %arg10[%dma_wait3A_875] : memref<4x!tpu.dma_semaphore, #tpu.memory_space<semaphore_mem>> -> memref<1x!tpu.dma_semaphore, #tpu.memory_space<semaphore_mem>>
      %dma_wait3A_889 = tpu.memref_squeeze %dma_wait3A_888 : memref<1x!tpu.dma_semaphore, #tpu.memory_space<semaphore_mem>> -> memref<!tpu.dma_semaphore, #tpu.memory_space<semaphore_mem>>
      tpu.wait_indirect_dma semaphore(%dma_wait3A_889 : memref<!tpu.dma_semaphore, #tpu.memory_space<semaphore_mem>>) src(%dma_wait3A_887 : memref<8192x32xf32, #tpu.memory_space<hbm>>) dst(%dma_wait3A_879 : memref<256x32xf32, #tpu.memory_space<vmem>>)
      %add3A_890 = arith.constant 3 : i32
      %add3A_891 = arith.addi %add3A_611, %add3A_890 : i32
      %mul3A_892 = arith.constant 256 : i32
      %mul3A_893 = arith.muli %add3A_891, %mul3A_892 : i32
      %dma_start3A_894 = arith.constant 3 : i32
      %dma_start3A_895 = arith.constant 3 : i32
      %dma_start3A_896 = arith.constant 0 : i32
      %dma_start3A_897 = arith.constant 0 : i32
      %dma_start3A_898 = tpu.memref_slice %arg8[%dma_start3A_894, %dma_start3A_896, %dma_start3A_897] : memref<4x256x64xf32, #tpu.memory_space<vmem>> -> memref<1x256x64xf32, #tpu.memory_space<vmem>>
      %dma_start3A_899 = tpu.memref_squeeze %dma_start3A_898 : memref<1x256x64xf32, #tpu.memory_space<vmem>> -> memref<256x64xf32, #tpu.memory_space<vmem>>
      %dma_start3A_900 = arith.constant 0 : i32
      %dma_start3A_901 = tpu.memref_slice %arg5[%add3A, %mul3A_893, %dma_start3A_900] : memref<32x16384x64xf32, #tpu.memory_space<hbm>> -> memref<1x256x64xf32, #tpu.memory_space<hbm>>
      %dma_start3A_902 = tpu.memref_squeeze %dma_start3A_901 : memref<1x256x64xf32, #tpu.memory_space<hbm>> -> memref<256x64xf32, #tpu.memory_space<hbm>>
      %dma_start3A_903 = tpu.memref_slice %arg11[%dma_start3A_895] : memref<4x!tpu.dma_semaphore, #tpu.memory_space<semaphore_mem>> -> memref<1x!tpu.dma_semaphore, #tpu.memory_space<semaphore_mem>>
      %dma_start3A_904 = tpu.memref_squeeze %dma_start3A_903 : memref<1x!tpu.dma_semaphore, #tpu.memory_space<semaphore_mem>> -> memref<!tpu.dma_semaphore, #tpu.memory_space<semaphore_mem>>
      %dma_start3A_905 = arith.constant 0 : i32
      %dma_start3A_906 = tpu.memref_slice %arg5[%add3A, %mul3A_893, %dma_start3A_905] : memref<32x16384x64xf32, #tpu.memory_space<hbm>> -> memref<1x256x64xf32, #tpu.memory_space<hbm>>
      %dma_start3A_907 = tpu.memref_squeeze %dma_start3A_906 : memref<1x256x64xf32, #tpu.memory_space<hbm>> -> memref<256x64xf32, #tpu.memory_space<hbm>>
      %dma_start3A_908 = arith.constant 0 : i32
      %dma_start3A_909 = arith.constant 0 : i32
      %dma_start3A_910 = tpu.memref_slice %arg8[%dma_start3A_894, %dma_start3A_908, %dma_start3A_909] : memref<4x256x64xf32, #tpu.memory_space<vmem>> -> memref<1x256x64xf32, #tpu.memory_space<vmem>>
      %dma_start3A_911 = tpu.memref_squeeze %dma_start3A_910 : memref<1x256x64xf32, #tpu.memory_space<vmem>> -> memref<256x64xf32, #tpu.memory_space<vmem>>
      tpu.enqueue_dma source(%dma_start3A_911 : memref<256x64xf32, #tpu.memory_space<vmem>>) target(%dma_start3A_907 : memref<256x64xf32, #tpu.memory_space<hbm>>) target_semaphore(%dma_start3A_904 : memref<!tpu.dma_semaphore, #tpu.memory_space<semaphore_mem>>)
      %mul3A_912 = arith.constant 256 : i32
      %mul3A_913 = arith.muli %add3A_891, %mul3A_912 : i32
      %dma_start3A_914 = arith.constant 3 : i32
      %dma_start3A_915 = arith.constant 3 : i32
      %dma_start3A_916 = arith.constant 0 : i32
      %dma_start3A_917 = arith.constant 0 : i32
      %dma_start3A_918 = tpu.memref_slice %arg9[%dma_start3A_914, %dma_start3A_916, %dma_start3A_917] : memref<4x256x32xf32, #tpu.memory_space<vmem>> -> memref<1x256x32xf32, #tpu.memory_space<vmem>>
      %dma_start3A_919 = tpu.memref_squeeze %dma_start3A_918 : memref<1x256x32xf32, #tpu.memory_space<vmem>> -> memref<256x32xf32, #tpu.memory_space<vmem>>
      %dma_start3A_920 = arith.constant 0 : i32
      %dma_start3A_921 = tpu.memref_slice %arg6[%add3A, %mul3A_913, %dma_start3A_920] : memref<32x16384x32xf32, #tpu.memory_space<hbm>> -> memref<1x256x32xf32, #tpu.memory_space<hbm>>
      %dma_start3A_922 = tpu.memref_squeeze %dma_start3A_921 : memref<1x256x32xf32, #tpu.memory_space<hbm>> -> memref<256x32xf32, #tpu.memory_space<hbm>>
      %dma_start3A_923 = tpu.memref_slice %arg11[%dma_start3A_915] : memref<4x!tpu.dma_semaphore, #tpu.memory_space<semaphore_mem>> -> memref<1x!tpu.dma_semaphore, #tpu.memory_space<semaphore_mem>>
      %dma_start3A_924 = tpu.memref_squeeze %dma_start3A_923 : memref<1x!tpu.dma_semaphore, #tpu.memory_space<semaphore_mem>> -> memref<!tpu.dma_semaphore, #tpu.memory_space<semaphore_mem>>
      %dma_start3A_925 = arith.constant 0 : i32
      %dma_start3A_926 = tpu.memref_slice %arg6[%add3A, %mul3A_913, %dma_start3A_925] : memref<32x16384x32xf32, #tpu.memory_space<hbm>> -> memref<1x256x32xf32, #tpu.memory_space<hbm>>
      %dma_start3A_927 = tpu.memref_squeeze %dma_start3A_926 : memref<1x256x32xf32, #tpu.memory_space<hbm>> -> memref<256x32xf32, #tpu.memory_space<hbm>>
      %dma_start3A_928 = arith.constant 0 : i32
      %dma_start3A_929 = arith.constant 0 : i32
      %dma_start3A_930 = tpu.memref_slice %arg9[%dma_start3A_914, %dma_start3A_928, %dma_start3A_929] : memref<4x256x32xf32, #tpu.memory_space<vmem>> -> memref<1x256x32xf32, #tpu.memory_space<vmem>>
      %dma_start3A_931 = tpu.memref_squeeze %dma_start3A_930 : memref<1x256x32xf32, #tpu.memory_space<vmem>> -> memref<256x32xf32, #tpu.memory_space<vmem>>
      tpu.enqueue_dma source(%dma_start3A_931 : memref<256x32xf32, #tpu.memory_space<vmem>>) target(%dma_start3A_927 : memref<256x32xf32, #tpu.memory_space<hbm>>) target_semaphore(%dma_start3A_924 : memref<!tpu.dma_semaphore, #tpu.memory_space<semaphore_mem>>)
      %add3A_932 = arith.constant 0 : i32
      %add3A_933 = arith.addi %add3A_611, %add3A_932 : i32
      %mul3A_934 = arith.constant 256 : i32
      %mul3A_935 = arith.muli %add3A_933, %mul3A_934 : i32
      %dma_wait3A_936 = arith.constant 0 : i32
      %dma_wait3A_937 = arith.constant 0 : i32
      %dma_wait3A_938 = arith.constant 0 : i32
      %dma_wait3A_939 = arith.constant 0 : i32
      %dma_wait3A_940 = tpu.memref_slice %arg8[%dma_wait3A_936, %dma_wait3A_938, %dma_wait3A_939] : memref<4x256x64xf32, #tpu.memory_space<vmem>> -> memref<1x256x64xf32, #tpu.memory_space<vmem>>
      %dma_wait3A_941 = tpu.memref_squeeze %dma_wait3A_940 : memref<1x256x64xf32, #tpu.memory_space<vmem>> -> memref<256x64xf32, #tpu.memory_space<vmem>>
      %dma_wait3A_942 = arith.constant 0 : i32
      %dma_wait3A_943 = tpu.memref_slice %arg5[%add3A, %mul3A_935, %dma_wait3A_942] : memref<32x16384x64xf32, #tpu.memory_space<hbm>> -> memref<1x256x64xf32, #tpu.memory_space<hbm>>
      %dma_wait3A_944 = tpu.memref_squeeze %dma_wait3A_943 : memref<1x256x64xf32, #tpu.memory_space<hbm>> -> memref<256x64xf32, #tpu.memory_space<hbm>>
      %dma_wait3A_945 = tpu.memref_slice %arg11[%dma_wait3A_937] : memref<4x!tpu.dma_semaphore, #tpu.memory_space<semaphore_mem>> -> memref<1x!tpu.dma_semaphore, #tpu.memory_space<semaphore_mem>>
      %dma_wait3A_946 = tpu.memref_squeeze %dma_wait3A_945 : memref<1x!tpu.dma_semaphore, #tpu.memory_space<semaphore_mem>> -> memref<!tpu.dma_semaphore, #tpu.memory_space<semaphore_mem>>
      %dma_wait3A_947 = arith.constant 0 : i32
      %dma_wait3A_948 = tpu.memref_slice %arg5[%add3A, %mul3A_935, %dma_wait3A_947] : memref<32x16384x64xf32, #tpu.memory_space<hbm>> -> memref<1x256x64xf32, #tpu.memory_space<hbm>>
      %dma_wait3A_949 = tpu.memref_squeeze %dma_wait3A_948 : memref<1x256x64xf32, #tpu.memory_space<hbm>> -> memref<256x64xf32, #tpu.memory_space<hbm>>
      %dma_wait3A_950 = arith.constant 0 : i32
      %dma_wait3A_951 = arith.constant 0 : i32
      %dma_wait3A_952 = tpu.memref_slice %arg8[%dma_wait3A_936, %dma_wait3A_950, %dma_wait3A_951] : memref<4x256x64xf32, #tpu.memory_space<vmem>> -> memref<1x256x64xf32, #tpu.memory_space<vmem>>
      %dma_wait3A_953 = tpu.memref_squeeze %dma_wait3A_952 : memref<1x256x64xf32, #tpu.memory_space<vmem>> -> memref<256x64xf32, #tpu.memory_space<vmem>>
      tpu.wait_dma2 semaphore(%dma_wait3A_946 : memref<!tpu.dma_semaphore, #tpu.memory_space<semaphore_mem>>) src(%dma_wait3A_953 : memref<256x64xf32, #tpu.memory_space<vmem>>) dst(%dma_wait3A_949 : memref<256x64xf32, #tpu.memory_space<hbm>>)
      %mul3A_954 = arith.constant 256 : i32
      %mul3A_955 = arith.muli %add3A_933, %mul3A_954 : i32
      %dma_wait3A_956 = arith.constant 0 : i32
      %dma_wait3A_957 = arith.constant 0 : i32
      %dma_wait3A_958 = arith.constant 0 : i32
      %dma_wait3A_959 = arith.constant 0 : i32
      %dma_wait3A_960 = tpu.memref_slice %arg9[%dma_wait3A_956, %dma_wait3A_958, %dma_wait3A_959] : memref<4x256x32xf32, #tpu.memory_space<vmem>> -> memref<1x256x32xf32, #tpu.memory_space<vmem>>
      %dma_wait3A_961 = tpu.memref_squeeze %dma_wait3A_960 : memref<1x256x32xf32, #tpu.memory_space<vmem>> -> memref<256x32xf32, #tpu.memory_space<vmem>>
      %dma_wait3A_962 = arith.constant 0 : i32
      %dma_wait3A_963 = tpu.memref_slice %arg6[%add3A, %mul3A_955, %dma_wait3A_962] : memref<32x16384x32xf32, #tpu.memory_space<hbm>> -> memref<1x256x32xf32, #tpu.memory_space<hbm>>
      %dma_wait3A_964 = tpu.memref_squeeze %dma_wait3A_963 : memref<1x256x32xf32, #tpu.memory_space<hbm>> -> memref<256x32xf32, #tpu.memory_space<hbm>>
      %dma_wait3A_965 = tpu.memref_slice %arg11[%dma_wait3A_957] : memref<4x!tpu.dma_semaphore, #tpu.memory_space<semaphore_mem>> -> memref<1x!tpu.dma_semaphore, #tpu.memory_space<semaphore_mem>>
      %dma_wait3A_966 = tpu.memref_squeeze %dma_wait3A_965 : memref<1x!tpu.dma_semaphore, #tpu.memory_space<semaphore_mem>> -> memref<!tpu.dma_semaphore, #tpu.memory_space<semaphore_mem>>
      %dma_wait3A_967 = arith.constant 0 : i32
      %dma_wait3A_968 = tpu.memref_slice %arg6[%add3A, %mul3A_955, %dma_wait3A_967] : memref<32x16384x32xf32, #tpu.memory_space<hbm>> -> memref<1x256x32xf32, #tpu.memory_space<hbm>>
      %dma_wait3A_969 = tpu.memref_squeeze %dma_wait3A_968 : memref<1x256x32xf32, #tpu.memory_space<hbm>> -> memref<256x32xf32, #tpu.memory_space<hbm>>
      %dma_wait3A_970 = arith.constant 0 : i32
      %dma_wait3A_971 = arith.constant 0 : i32
      %dma_wait3A_972 = tpu.memref_slice %arg9[%dma_wait3A_956, %dma_wait3A_970, %dma_wait3A_971] : memref<4x256x32xf32, #tpu.memory_space<vmem>> -> memref<1x256x32xf32, #tpu.memory_space<vmem>>
      %dma_wait3A_973 = tpu.memref_squeeze %dma_wait3A_972 : memref<1x256x32xf32, #tpu.memory_space<vmem>> -> memref<256x32xf32, #tpu.memory_space<vmem>>
      tpu.wait_dma2 semaphore(%dma_wait3A_966 : memref<!tpu.dma_semaphore, #tpu.memory_space<semaphore_mem>>) src(%dma_wait3A_973 : memref<256x32xf32, #tpu.memory_space<vmem>>) dst(%dma_wait3A_969 : memref<256x32xf32, #tpu.memory_space<hbm>>)
      %add3A_974 = arith.constant 4 : i32
      %add3A_975 = arith.addi %add3A_611, %add3A_974 : i32
      %add3A_976 = arith.constant 0 : i32
      %add3A_977 = arith.addi %add3A_975, %add3A_976 : i32
      %mul3A_978 = arith.constant 256 : i32
      %mul3A_979 = arith.muli %add3A_977, %mul3A_978 : i32
      %dma_start3A_980 = arith.constant 0 : i32
      %dma_start3A_981 = arith.constant 0 : i32
      %dma_start3A_982 = arith.constant 0 : i32
      %dma_start3A_983 = arith.constant 0 : i32
      %dma_start3A_984 = tpu.memref_slice %arg8[%dma_start3A_980, %dma_start3A_982, %dma_start3A_983] : memref<4x256x64xf32, #tpu.memory_space<vmem>> -> memref<1x256x64xf32, #tpu.memory_space<vmem>>
      %dma_start3A_985 = tpu.memref_squeeze %dma_start3A_984 : memref<1x256x64xf32, #tpu.memory_space<vmem>> -> memref<256x64xf32, #tpu.memory_space<vmem>>
      %dma_start3A_986 = tpu.memref_slice %arg7[%mul3A_979] : memref<16384xi32, #tpu.memory_space<vmem>> -> memref<256xi32, #tpu.memory_space<vmem>>
      %dma_start3A_987 = arith.constant 0 : i32
      %dma_start3A_988 = arith.constant 0 : i32
      %dma_start3A_989 = tpu.memref_slice %arg2[%add3A, %dma_start3A_987, %dma_start3A_988] : memref<32x8192x64xf32, #tpu.memory_space<hbm>> -> memref<1x8192x64xf32, #tpu.memory_space<hbm>>
      %dma_start3A_990 = tpu.memref_squeeze %dma_start3A_989 : memref<1x8192x64xf32, #tpu.memory_space<hbm>> -> memref<8192x64xf32, #tpu.memory_space<hbm>>
      %dma_start3A_991 = arith.constant 0 : i32
      %dma_start3A_992 = arith.constant 0 : i32
      %dma_start3A_993 = tpu.memref_slice %dma_start3A_990[%dma_start3A_991, %dma_start3A_992] : memref<8192x64xf32, #tpu.memory_space<hbm>> -> memref<8192x64xf32, #tpu.memory_space<hbm>>
      %dma_start3A_994 = tpu.memref_slice %arg10[%dma_start3A_981] : memref<4x!tpu.dma_semaphore, #tpu.memory_space<semaphore_mem>> -> memref<1x!tpu.dma_semaphore, #tpu.memory_space<semaphore_mem>>
      %dma_start3A_995 = tpu.memref_squeeze %dma_start3A_994 : memref<1x!tpu.dma_semaphore, #tpu.memory_space<semaphore_mem>> -> memref<!tpu.dma_semaphore, #tpu.memory_space<semaphore_mem>>
      tpu.enqueue_indirect_dma source(%dma_start3A_993 : memref<8192x64xf32, #tpu.memory_space<hbm>>) target(%dma_start3A_985 : memref<256x64xf32, #tpu.memory_space<vmem>>) offsets(%dma_start3A_986 : memref<256xi32, #tpu.memory_space<vmem>>) semaphore(%dma_start3A_995 : memref<!tpu.dma_semaphore, #tpu.memory_space<semaphore_mem>>)
      %mul3A_996 = arith.constant 256 : i32
      %mul3A_997 = arith.muli %add3A_977, %mul3A_996 : i32
      %dma_start3A_998 = arith.constant 0 : i32
      %dma_start3A_999 = arith.constant 0 : i32
      %dma_start3A_1000 = arith.constant 0 : i32
      %dma_start3A_1001 = arith.constant 0 : i32
      %dma_start3A_1002 = tpu.memref_slice %arg9[%dma_start3A_998, %dma_start3A_1000, %dma_start3A_1001] : memref<4x256x32xf32, #tpu.memory_space<vmem>> -> memref<1x256x32xf32, #tpu.memory_space<vmem>>
      %dma_start3A_1003 = tpu.memref_squeeze %dma_start3A_1002 : memref<1x256x32xf32, #tpu.memory_space<vmem>> -> memref<256x32xf32, #tpu.memory_space<vmem>>
      %dma_start3A_1004 = tpu.memref_slice %arg7[%mul3A_997] : memref<16384xi32, #tpu.memory_space<vmem>> -> memref<256xi32, #tpu.memory_space<vmem>>
      %dma_start3A_1005 = arith.constant 0 : i32
      %dma_start3A_1006 = arith.constant 0 : i32
      %dma_start3A_1007 = tpu.memref_slice %arg3[%add3A, %dma_start3A_1005, %dma_start3A_1006] : memref<32x8192x32xf32, #tpu.memory_space<hbm>> -> memref<1x8192x32xf32, #tpu.memory_space<hbm>>
      %dma_start3A_1008 = tpu.memref_squeeze %dma_start3A_1007 : memref<1x8192x32xf32, #tpu.memory_space<hbm>> -> memref<8192x32xf32, #tpu.memory_space<hbm>>
      %dma_start3A_1009 = arith.constant 0 : i32
      %dma_start3A_1010 = arith.constant 0 : i32
      %dma_start3A_1011 = tpu.memref_slice %dma_start3A_1008[%dma_start3A_1009, %dma_start3A_1010] : memref<8192x32xf32, #tpu.memory_space<hbm>> -> memref<8192x32xf32, #tpu.memory_space<hbm>>
      %dma_start3A_1012 = tpu.memref_slice %arg10[%dma_start3A_999] : memref<4x!tpu.dma_semaphore, #tpu.memory_space<semaphore_mem>> -> memref<1x!tpu.dma_semaphore, #tpu.memory_space<semaphore_mem>>
      %dma_start3A_1013 = tpu.memref_squeeze %dma_start3A_1012 : memref<1x!tpu.dma_semaphore, #tpu.memory_space<semaphore_mem>> -> memref<!tpu.dma_semaphore, #tpu.memory_space<semaphore_mem>>
      tpu.enqueue_indirect_dma source(%dma_start3A_1011 : memref<8192x32xf32, #tpu.memory_space<hbm>>) target(%dma_start3A_1003 : memref<256x32xf32, #tpu.memory_space<vmem>>) offsets(%dma_start3A_1004 : memref<256xi32, #tpu.memory_space<vmem>>) semaphore(%dma_start3A_1013 : memref<!tpu.dma_semaphore, #tpu.memory_space<semaphore_mem>>)
      %add3A_1014 = arith.constant 1 : i32
      %add3A_1015 = arith.addi %add3A_611, %add3A_1014 : i32
      %mul3A_1016 = arith.constant 256 : i32
      %mul3A_1017 = arith.muli %add3A_1015, %mul3A_1016 : i32
      %dma_wait3A_1018 = arith.constant 1 : i32
      %dma_wait3A_1019 = arith.constant 1 : i32
      %dma_wait3A_1020 = arith.constant 0 : i32
      %dma_wait3A_1021 = arith.constant 0 : i32
      %dma_wait3A_1022 = tpu.memref_slice %arg8[%dma_wait3A_1018, %dma_wait3A_1020, %dma_wait3A_1021] : memref<4x256x64xf32, #tpu.memory_space<vmem>> -> memref<1x256x64xf32, #tpu.memory_space<vmem>>
      %dma_wait3A_1023 = tpu.memref_squeeze %dma_wait3A_1022 : memref<1x256x64xf32, #tpu.memory_space<vmem>> -> memref<256x64xf32, #tpu.memory_space<vmem>>
      %dma_wait3A_1024 = arith.constant 0 : i32
      %dma_wait3A_1025 = tpu.memref_slice %arg5[%add3A, %mul3A_1017, %dma_wait3A_1024] : memref<32x16384x64xf32, #tpu.memory_space<hbm>> -> memref<1x256x64xf32, #tpu.memory_space<hbm>>
      %dma_wait3A_1026 = tpu.memref_squeeze %dma_wait3A_1025 : memref<1x256x64xf32, #tpu.memory_space<hbm>> -> memref<256x64xf32, #tpu.memory_space<hbm>>
      %dma_wait3A_1027 = tpu.memref_slice %arg11[%dma_wait3A_1019] : memref<4x!tpu.dma_semaphore, #tpu.memory_space<semaphore_mem>> -> memref<1x!tpu.dma_semaphore, #tpu.memory_space<semaphore_mem>>
      %dma_wait3A_1028 = tpu.memref_squeeze %dma_wait3A_1027 : memref<1x!tpu.dma_semaphore, #tpu.memory_space<semaphore_mem>> -> memref<!tpu.dma_semaphore, #tpu.memory_space<semaphore_mem>>
      %dma_wait3A_1029 = arith.constant 0 : i32
      %dma_wait3A_1030 = tpu.memref_slice %arg5[%add3A, %mul3A_1017, %dma_wait3A_1029] : memref<32x16384x64xf32, #tpu.memory_space<hbm>> -> memref<1x256x64xf32, #tpu.memory_space<hbm>>
      %dma_wait3A_1031 = tpu.memref_squeeze %dma_wait3A_1030 : memref<1x256x64xf32, #tpu.memory_space<hbm>> -> memref<256x64xf32, #tpu.memory_space<hbm>>
      %dma_wait3A_1032 = arith.constant 0 : i32
      %dma_wait3A_1033 = arith.constant 0 : i32
      %dma_wait3A_1034 = tpu.memref_slice %arg8[%dma_wait3A_1018, %dma_wait3A_1032, %dma_wait3A_1033] : memref<4x256x64xf32, #tpu.memory_space<vmem>> -> memref<1x256x64xf32, #tpu.memory_space<vmem>>
      %dma_wait3A_1035 = tpu.memref_squeeze %dma_wait3A_1034 : memref<1x256x64xf32, #tpu.memory_space<vmem>> -> memref<256x64xf32, #tpu.memory_space<vmem>>
      tpu.wait_dma2 semaphore(%dma_wait3A_1028 : memref<!tpu.dma_semaphore, #tpu.memory_space<semaphore_mem>>) src(%dma_wait3A_1035 : memref<256x64xf32, #tpu.memory_space<vmem>>) dst(%dma_wait3A_1031 : memref<256x64xf32, #tpu.memory_space<hbm>>)
      %mul3A_1036 = arith.constant 256 : i32
      %mul3A_1037 = arith.muli %add3A_1015, %mul3A_1036 : i32
      %dma_wait3A_1038 = arith.constant 1 : i32
      %dma_wait3A_1039 = arith.constant 1 : i32
      %dma_wait3A_1040 = arith.constant 0 : i32
      %dma_wait3A_1041 = arith.constant 0 : i32
      %dma_wait3A_1042 = tpu.memref_slice %arg9[%dma_wait3A_1038, %dma_wait3A_1040, %dma_wait3A_1041] : memref<4x256x32xf32, #tpu.memory_space<vmem>> -> memref<1x256x32xf32, #tpu.memory_space<vmem>>
      %dma_wait3A_1043 = tpu.memref_squeeze %dma_wait3A_1042 : memref<1x256x32xf32, #tpu.memory_space<vmem>> -> memref<256x32xf32, #tpu.memory_space<vmem>>
      %dma_wait3A_1044 = arith.constant 0 : i32
      %dma_wait3A_1045 = tpu.memref_slice %arg6[%add3A, %mul3A_1037, %dma_wait3A_1044] : memref<32x16384x32xf32, #tpu.memory_space<hbm>> -> memref<1x256x32xf32, #tpu.memory_space<hbm>>
      %dma_wait3A_1046 = tpu.memref_squeeze %dma_wait3A_1045 : memref<1x256x32xf32, #tpu.memory_space<hbm>> -> memref<256x32xf32, #tpu.memory_space<hbm>>
      %dma_wait3A_1047 = tpu.memref_slice %arg11[%dma_wait3A_1039] : memref<4x!tpu.dma_semaphore, #tpu.memory_space<semaphore_mem>> -> memref<1x!tpu.dma_semaphore, #tpu.memory_space<semaphore_mem>>
      %dma_wait3A_1048 = tpu.memref_squeeze %dma_wait3A_1047 : memref<1x!tpu.dma_semaphore, #tpu.memory_space<semaphore_mem>> -> memref<!tpu.dma_semaphore, #tpu.memory_space<semaphore_mem>>
      %dma_wait3A_1049 = arith.constant 0 : i32
      %dma_wait3A_1050 = tpu.memref_slice %arg6[%add3A, %mul3A_1037, %dma_wait3A_1049] : memref<32x16384x32xf32, #tpu.memory_space<hbm>> -> memref<1x256x32xf32, #tpu.memory_space<hbm>>
      %dma_wait3A_1051 = tpu.memref_squeeze %dma_wait3A_1050 : memref<1x256x32xf32, #tpu.memory_space<hbm>> -> memref<256x32xf32, #tpu.memory_space<hbm>>
      %dma_wait3A_1052 = arith.constant 0 : i32
      %dma_wait3A_1053 = arith.constant 0 : i32
      %dma_wait3A_1054 = tpu.memref_slice %arg9[%dma_wait3A_1038, %dma_wait3A_1052, %dma_wait3A_1053] : memref<4x256x32xf32, #tpu.memory_space<vmem>> -> memref<1x256x32xf32, #tpu.memory_space<vmem>>
      %dma_wait3A_1055 = tpu.memref_squeeze %dma_wait3A_1054 : memref<1x256x32xf32, #tpu.memory_space<vmem>> -> memref<256x32xf32, #tpu.memory_space<vmem>>
      tpu.wait_dma2 semaphore(%dma_wait3A_1048 : memref<!tpu.dma_semaphore, #tpu.memory_space<semaphore_mem>>) src(%dma_wait3A_1055 : memref<256x32xf32, #tpu.memory_space<vmem>>) dst(%dma_wait3A_1051 : memref<256x32xf32, #tpu.memory_space<hbm>>)
      %add3A_1056 = arith.constant 4 : i32
      %add3A_1057 = arith.addi %add3A_611, %add3A_1056 : i32
      %add3A_1058 = arith.constant 1 : i32
      %add3A_1059 = arith.addi %add3A_1057, %add3A_1058 : i32
      %mul3A_1060 = arith.constant 256 : i32
      %mul3A_1061 = arith.muli %add3A_1059, %mul3A_1060 : i32
      %dma_start3A_1062 = arith.constant 1 : i32
      %dma_start3A_1063 = arith.constant 1 : i32
      %dma_start3A_1064 = arith.constant 0 : i32
      %dma_start3A_1065 = arith.constant 0 : i32
      %dma_start3A_1066 = tpu.memref_slice %arg8[%dma_start3A_1062, %dma_start3A_1064, %dma_start3A_1065] : memref<4x256x64xf32, #tpu.memory_space<vmem>> -> memref<1x256x64xf32, #tpu.memory_space<vmem>>
      %dma_start3A_1067 = tpu.memref_squeeze %dma_start3A_1066 : memref<1x256x64xf32, #tpu.memory_space<vmem>> -> memref<256x64xf32, #tpu.memory_space<vmem>>
      %dma_start3A_1068 = tpu.memref_slice %arg7[%mul3A_1061] : memref<16384xi32, #tpu.memory_space<vmem>> -> memref<256xi32, #tpu.memory_space<vmem>>
      %dma_start3A_1069 = arith.constant 0 : i32
      %dma_start3A_1070 = arith.constant 0 : i32
      %dma_start3A_1071 = tpu.memref_slice %arg2[%add3A, %dma_start3A_1069, %dma_start3A_1070] : memref<32x8192x64xf32, #tpu.memory_space<hbm>> -> memref<1x8192x64xf32, #tpu.memory_space<hbm>>
      %dma_start3A_1072 = tpu.memref_squeeze %dma_start3A_1071 : memref<1x8192x64xf32, #tpu.memory_space<hbm>> -> memref<8192x64xf32, #tpu.memory_space<hbm>>
      %dma_start3A_1073 = arith.constant 0 : i32
      %dma_start3A_1074 = arith.constant 0 : i32
      %dma_start3A_1075 = tpu.memref_slice %dma_start3A_1072[%dma_start3A_1073, %dma_start3A_1074] : memref<8192x64xf32, #tpu.memory_space<hbm>> -> memref<8192x64xf32, #tpu.memory_space<hbm>>
      %dma_start3A_1076 = tpu.memref_slice %arg10[%dma_start3A_1063] : memref<4x!tpu.dma_semaphore, #tpu.memory_space<semaphore_mem>> -> memref<1x!tpu.dma_semaphore, #tpu.memory_space<semaphore_mem>>
      %dma_start3A_1077 = tpu.memref_squeeze %dma_start3A_1076 : memref<1x!tpu.dma_semaphore, #tpu.memory_space<semaphore_mem>> -> memref<!tpu.dma_semaphore, #tpu.memory_space<semaphore_mem>>
      tpu.enqueue_indirect_dma source(%dma_start3A_1075 : memref<8192x64xf32, #tpu.memory_space<hbm>>) target(%dma_start3A_1067 : memref<256x64xf32, #tpu.memory_space<vmem>>) offsets(%dma_start3A_1068 : memref<256xi32, #tpu.memory_space<vmem>>) semaphore(%dma_start3A_1077 : memref<!tpu.dma_semaphore, #tpu.memory_space<semaphore_mem>>)
      %mul3A_1078 = arith.constant 256 : i32
      %mul3A_1079 = arith.muli %add3A_1059, %mul3A_1078 : i32
      %dma_start3A_1080 = arith.constant 1 : i32
      %dma_start3A_1081 = arith.constant 1 : i32
      %dma_start3A_1082 = arith.constant 0 : i32
      %dma_start3A_1083 = arith.constant 0 : i32
      %dma_start3A_1084 = tpu.memref_slice %arg9[%dma_start3A_1080, %dma_start3A_1082, %dma_start3A_1083] : memref<4x256x32xf32, #tpu.memory_space<vmem>> -> memref<1x256x32xf32, #tpu.memory_space<vmem>>
      %dma_start3A_1085 = tpu.memref_squeeze %dma_start3A_1084 : memref<1x256x32xf32, #tpu.memory_space<vmem>> -> memref<256x32xf32, #tpu.memory_space<vmem>>
      %dma_start3A_1086 = tpu.memref_slice %arg7[%mul3A_1079] : memref<16384xi32, #tpu.memory_space<vmem>> -> memref<256xi32, #tpu.memory_space<vmem>>
      %dma_start3A_1087 = arith.constant 0 : i32
      %dma_start3A_1088 = arith.constant 0 : i32
      %dma_start3A_1089 = tpu.memref_slice %arg3[%add3A, %dma_start3A_1087, %dma_start3A_1088] : memref<32x8192x32xf32, #tpu.memory_space<hbm>> -> memref<1x8192x32xf32, #tpu.memory_space<hbm>>
      %dma_start3A_1090 = tpu.memref_squeeze %dma_start3A_1089 : memref<1x8192x32xf32, #tpu.memory_space<hbm>> -> memref<8192x32xf32, #tpu.memory_space<hbm>>
      %dma_start3A_1091 = arith.constant 0 : i32
      %dma_start3A_1092 = arith.constant 0 : i32
      %dma_start3A_1093 = tpu.memref_slice %dma_start3A_1090[%dma_start3A_1091, %dma_start3A_1092] : memref<8192x32xf32, #tpu.memory_space<hbm>> -> memref<8192x32xf32, #tpu.memory_space<hbm>>
      %dma_start3A_1094 = tpu.memref_slice %arg10[%dma_start3A_1081] : memref<4x!tpu.dma_semaphore, #tpu.memory_space<semaphore_mem>> -> memref<1x!tpu.dma_semaphore, #tpu.memory_space<semaphore_mem>>
      %dma_start3A_1095 = tpu.memref_squeeze %dma_start3A_1094 : memref<1x!tpu.dma_semaphore, #tpu.memory_space<semaphore_mem>> -> memref<!tpu.dma_semaphore, #tpu.memory_space<semaphore_mem>>
      tpu.enqueue_indirect_dma source(%dma_start3A_1093 : memref<8192x32xf32, #tpu.memory_space<hbm>>) target(%dma_start3A_1085 : memref<256x32xf32, #tpu.memory_space<vmem>>) offsets(%dma_start3A_1086 : memref<256xi32, #tpu.memory_space<vmem>>) semaphore(%dma_start3A_1095 : memref<!tpu.dma_semaphore, #tpu.memory_space<semaphore_mem>>)
      %add3A_1096 = arith.constant 2 : i32
      %add3A_1097 = arith.addi %add3A_611, %add3A_1096 : i32
      %mul3A_1098 = arith.constant 256 : i32
      %mul3A_1099 = arith.muli %add3A_1097, %mul3A_1098 : i32
      %dma_wait3A_1100 = arith.constant 2 : i32
      %dma_wait3A_1101 = arith.constant 2 : i32
      %dma_wait3A_1102 = arith.constant 0 : i32
      %dma_wait3A_1103 = arith.constant 0 : i32
      %dma_wait3A_1104 = tpu.memref_slice %arg8[%dma_wait3A_1100, %dma_wait3A_1102, %dma_wait3A_1103] : memref<4x256x64xf32, #tpu.memory_space<vmem>> -> memref<1x256x64xf32, #tpu.memory_space<vmem>>
      %dma_wait3A_1105 = tpu.memref_squeeze %dma_wait3A_1104 : memref<1x256x64xf32, #tpu.memory_space<vmem>> -> memref<256x64xf32, #tpu.memory_space<vmem>>
      %dma_wait3A_1106 = arith.constant 0 : i32
      %dma_wait3A_1107 = tpu.memref_slice %arg5[%add3A, %mul3A_1099, %dma_wait3A_1106] : memref<32x16384x64xf32, #tpu.memory_space<hbm>> -> memref<1x256x64xf32, #tpu.memory_space<hbm>>
      %dma_wait3A_1108 = tpu.memref_squeeze %dma_wait3A_1107 : memref<1x256x64xf32, #tpu.memory_space<hbm>> -> memref<256x64xf32, #tpu.memory_space<hbm>>
      %dma_wait3A_1109 = tpu.memref_slice %arg11[%dma_wait3A_1101] : memref<4x!tpu.dma_semaphore, #tpu.memory_space<semaphore_mem>> -> memref<1x!tpu.dma_semaphore, #tpu.memory_space<semaphore_mem>>
      %dma_wait3A_1110 = tpu.memref_squeeze %dma_wait3A_1109 : memref<1x!tpu.dma_semaphore, #tpu.memory_space<semaphore_mem>> -> memref<!tpu.dma_semaphore, #tpu.memory_space<semaphore_mem>>
      %dma_wait3A_1111 = arith.constant 0 : i32
      %dma_wait3A_1112 = tpu.memref_slice %arg5[%add3A, %mul3A_1099, %dma_wait3A_1111] : memref<32x16384x64xf32, #tpu.memory_space<hbm>> -> memref<1x256x64xf32, #tpu.memory_space<hbm>>
      %dma_wait3A_1113 = tpu.memref_squeeze %dma_wait3A_1112 : memref<1x256x64xf32, #tpu.memory_space<hbm>> -> memref<256x64xf32, #tpu.memory_space<hbm>>
      %dma_wait3A_1114 = arith.constant 0 : i32
      %dma_wait3A_1115 = arith.constant 0 : i32
      %dma_wait3A_1116 = tpu.memref_slice %arg8[%dma_wait3A_1100, %dma_wait3A_1114, %dma_wait3A_1115] : memref<4x256x64xf32, #tpu.memory_space<vmem>> -> memref<1x256x64xf32, #tpu.memory_space<vmem>>
      %dma_wait3A_1117 = tpu.memref_squeeze %dma_wait3A_1116 : memref<1x256x64xf32, #tpu.memory_space<vmem>> -> memref<256x64xf32, #tpu.memory_space<vmem>>
      tpu.wait_dma2 semaphore(%dma_wait3A_1110 : memref<!tpu.dma_semaphore, #tpu.memory_space<semaphore_mem>>) src(%dma_wait3A_1117 : memref<256x64xf32, #tpu.memory_space<vmem>>) dst(%dma_wait3A_1113 : memref<256x64xf32, #tpu.memory_space<hbm>>)
      %mul3A_1118 = arith.constant 256 : i32
      %mul3A_1119 = arith.muli %add3A_1097, %mul3A_1118 : i32
      %dma_wait3A_1120 = arith.constant 2 : i32
      %dma_wait3A_1121 = arith.constant 2 : i32
      %dma_wait3A_1122 = arith.constant 0 : i32
      %dma_wait3A_1123 = arith.constant 0 : i32
      %dma_wait3A_1124 = tpu.memref_slice %arg9[%dma_wait3A_1120, %dma_wait3A_1122, %dma_wait3A_1123] : memref<4x256x32xf32, #tpu.memory_space<vmem>> -> memref<1x256x32xf32, #tpu.memory_space<vmem>>
      %dma_wait3A_1125 = tpu.memref_squeeze %dma_wait3A_1124 : memref<1x256x32xf32, #tpu.memory_space<vmem>> -> memref<256x32xf32, #tpu.memory_space<vmem>>
      %dma_wait3A_1126 = arith.constant 0 : i32
      %dma_wait3A_1127 = tpu.memref_slice %arg6[%add3A, %mul3A_1119, %dma_wait3A_1126] : memref<32x16384x32xf32, #tpu.memory_space<hbm>> -> memref<1x256x32xf32, #tpu.memory_space<hbm>>
      %dma_wait3A_1128 = tpu.memref_squeeze %dma_wait3A_1127 : memref<1x256x32xf32, #tpu.memory_space<hbm>> -> memref<256x32xf32, #tpu.memory_space<hbm>>
      %dma_wait3A_1129 = tpu.memref_slice %arg11[%dma_wait3A_1121] : memref<4x!tpu.dma_semaphore, #tpu.memory_space<semaphore_mem>> -> memref<1x!tpu.dma_semaphore, #tpu.memory_space<semaphore_mem>>
      %dma_wait3A_1130 = tpu.memref_squeeze %dma_wait3A_1129 : memref<1x!tpu.dma_semaphore, #tpu.memory_space<semaphore_mem>> -> memref<!tpu.dma_semaphore, #tpu.memory_space<semaphore_mem>>
      %dma_wait3A_1131 = arith.constant 0 : i32
      %dma_wait3A_1132 = tpu.memref_slice %arg6[%add3A, %mul3A_1119, %dma_wait3A_1131] : memref<32x16384x32xf32, #tpu.memory_space<hbm>> -> memref<1x256x32xf32, #tpu.memory_space<hbm>>
      %dma_wait3A_1133 = tpu.memref_squeeze %dma_wait3A_1132 : memref<1x256x32xf32, #tpu.memory_space<hbm>> -> memref<256x32xf32, #tpu.memory_space<hbm>>
      %dma_wait3A_1134 = arith.constant 0 : i32
      %dma_wait3A_1135 = arith.constant 0 : i32
      %dma_wait3A_1136 = tpu.memref_slice %arg9[%dma_wait3A_1120, %dma_wait3A_1134, %dma_wait3A_1135] : memref<4x256x32xf32, #tpu.memory_space<vmem>> -> memref<1x256x32xf32, #tpu.memory_space<vmem>>
      %dma_wait3A_1137 = tpu.memref_squeeze %dma_wait3A_1136 : memref<1x256x32xf32, #tpu.memory_space<vmem>> -> memref<256x32xf32, #tpu.memory_space<vmem>>
      tpu.wait_dma2 semaphore(%dma_wait3A_1130 : memref<!tpu.dma_semaphore, #tpu.memory_space<semaphore_mem>>) src(%dma_wait3A_1137 : memref<256x32xf32, #tpu.memory_space<vmem>>) dst(%dma_wait3A_1133 : memref<256x32xf32, #tpu.memory_space<hbm>>)
      %add3A_1138 = arith.constant 4 : i32
      %add3A_1139 = arith.addi %add3A_611, %add3A_1138 : i32
      %add3A_1140 = arith.constant 2 : i32
      %add3A_1141 = arith.addi %add3A_1139, %add3A_1140 : i32
      %mul3A_1142 = arith.constant 256 : i32
      %mul3A_1143 = arith.muli %add3A_1141, %mul3A_1142 : i32
      %dma_start3A_1144 = arith.constant 2 : i32
      %dma_start3A_1145 = arith.constant 2 : i32
      %dma_start3A_1146 = arith.constant 0 : i32
      %dma_start3A_1147 = arith.constant 0 : i32
      %dma_start3A_1148 = tpu.memref_slice %arg8[%dma_start3A_1144, %dma_start3A_1146, %dma_start3A_1147] : memref<4x256x64xf32, #tpu.memory_space<vmem>> -> memref<1x256x64xf32, #tpu.memory_space<vmem>>
      %dma_start3A_1149 = tpu.memref_squeeze %dma_start3A_1148 : memref<1x256x64xf32, #tpu.memory_space<vmem>> -> memref<256x64xf32, #tpu.memory_space<vmem>>
      %dma_start3A_1150 = tpu.memref_slice %arg7[%mul3A_1143] : memref<16384xi32, #tpu.memory_space<vmem>> -> memref<256xi32, #tpu.memory_space<vmem>>
      %dma_start3A_1151 = arith.constant 0 : i32
      %dma_start3A_1152 = arith.constant 0 : i32
      %dma_start3A_1153 = tpu.memref_slice %arg2[%add3A, %dma_start3A_1151, %dma_start3A_1152] : memref<32x8192x64xf32, #tpu.memory_space<hbm>> -> memref<1x8192x64xf32, #tpu.memory_space<hbm>>
      %dma_start3A_1154 = tpu.memref_squeeze %dma_start3A_1153 : memref<1x8192x64xf32, #tpu.memory_space<hbm>> -> memref<8192x64xf32, #tpu.memory_space<hbm>>
      %dma_start3A_1155 = arith.constant 0 : i32
      %dma_start3A_1156 = arith.constant 0 : i32
      %dma_start3A_1157 = tpu.memref_slice %dma_start3A_1154[%dma_start3A_1155, %dma_start3A_1156] : memref<8192x64xf32, #tpu.memory_space<hbm>> -> memref<8192x64xf32, #tpu.memory_space<hbm>>
      %dma_start3A_1158 = tpu.memref_slice %arg10[%dma_start3A_1145] : memref<4x!tpu.dma_semaphore, #tpu.memory_space<semaphore_mem>> -> memref<1x!tpu.dma_semaphore, #tpu.memory_space<semaphore_mem>>
      %dma_start3A_1159 = tpu.memref_squeeze %dma_start3A_1158 : memref<1x!tpu.dma_semaphore, #tpu.memory_space<semaphore_mem>> -> memref<!tpu.dma_semaphore, #tpu.memory_space<semaphore_mem>>
      tpu.enqueue_indirect_dma source(%dma_start3A_1157 : memref<8192x64xf32, #tpu.memory_space<hbm>>) target(%dma_start3A_1149 : memref<256x64xf32, #tpu.memory_space<vmem>>) offsets(%dma_start3A_1150 : memref<256xi32, #tpu.memory_space<vmem>>) semaphore(%dma_start3A_1159 : memref<!tpu.dma_semaphore, #tpu.memory_space<semaphore_mem>>)
      %mul3A_1160 = arith.constant 256 : i32
      %mul3A_1161 = arith.muli %add3A_1141, %mul3A_1160 : i32
      %dma_start3A_1162 = arith.constant 2 : i32
      %dma_start3A_1163 = arith.constant 2 : i32
      %dma_start3A_1164 = arith.constant 0 : i32
      %dma_start3A_1165 = arith.constant 0 : i32
      %dma_start3A_1166 = tpu.memref_slice %arg9[%dma_start3A_1162, %dma_start3A_1164, %dma_start3A_1165] : memref<4x256x32xf32, #tpu.memory_space<vmem>> -> memref<1x256x32xf32, #tpu.memory_space<vmem>>
      %dma_start3A_1167 = tpu.memref_squeeze %dma_start3A_1166 : memref<1x256x32xf32, #tpu.memory_space<vmem>> -> memref<256x32xf32, #tpu.memory_space<vmem>>
      %dma_start3A_1168 = tpu.memref_slice %arg7[%mul3A_1161] : memref<16384xi32, #tpu.memory_space<vmem>> -> memref<256xi32, #tpu.memory_space<vmem>>
      %dma_start3A_1169 = arith.constant 0 : i32
      %dma_start3A_1170 = arith.constant 0 : i32
      %dma_start3A_1171 = tpu.memref_slice %arg3[%add3A, %dma_start3A_1169, %dma_start3A_1170] : memref<32x8192x32xf32, #tpu.memory_space<hbm>> -> memref<1x8192x32xf32, #tpu.memory_space<hbm>>
      %dma_start3A_1172 = tpu.memref_squeeze %dma_start3A_1171 : memref<1x8192x32xf32, #tpu.memory_space<hbm>> -> memref<8192x32xf32, #tpu.memory_space<hbm>>
      %dma_start3A_1173 = arith.constant 0 : i32
      %dma_start3A_1174 = arith.constant 0 : i32
      %dma_start3A_1175 = tpu.memref_slice %dma_start3A_1172[%dma_start3A_1173, %dma_start3A_1174] : memref<8192x32xf32, #tpu.memory_space<hbm>> -> memref<8192x32xf32, #tpu.memory_space<hbm>>
      %dma_start3A_1176 = tpu.memref_slice %arg10[%dma_start3A_1163] : memref<4x!tpu.dma_semaphore, #tpu.memory_space<semaphore_mem>> -> memref<1x!tpu.dma_semaphore, #tpu.memory_space<semaphore_mem>>
      %dma_start3A_1177 = tpu.memref_squeeze %dma_start3A_1176 : memref<1x!tpu.dma_semaphore, #tpu.memory_space<semaphore_mem>> -> memref<!tpu.dma_semaphore, #tpu.memory_space<semaphore_mem>>
      tpu.enqueue_indirect_dma source(%dma_start3A_1175 : memref<8192x32xf32, #tpu.memory_space<hbm>>) target(%dma_start3A_1167 : memref<256x32xf32, #tpu.memory_space<vmem>>) offsets(%dma_start3A_1168 : memref<256xi32, #tpu.memory_space<vmem>>) semaphore(%dma_start3A_1177 : memref<!tpu.dma_semaphore, #tpu.memory_space<semaphore_mem>>)
      %add3A_1178 = arith.constant 3 : i32
      %add3A_1179 = arith.addi %add3A_611, %add3A_1178 : i32
      %mul3A_1180 = arith.constant 256 : i32
      %mul3A_1181 = arith.muli %add3A_1179, %mul3A_1180 : i32
      %dma_wait3A_1182 = arith.constant 3 : i32
      %dma_wait3A_1183 = arith.constant 3 : i32
      %dma_wait3A_1184 = arith.constant 0 : i32
      %dma_wait3A_1185 = arith.constant 0 : i32
      %dma_wait3A_1186 = tpu.memref_slice %arg8[%dma_wait3A_1182, %dma_wait3A_1184, %dma_wait3A_1185] : memref<4x256x64xf32, #tpu.memory_space<vmem>> -> memref<1x256x64xf32, #tpu.memory_space<vmem>>
      %dma_wait3A_1187 = tpu.memref_squeeze %dma_wait3A_1186 : memref<1x256x64xf32, #tpu.memory_space<vmem>> -> memref<256x64xf32, #tpu.memory_space<vmem>>
      %dma_wait3A_1188 = arith.constant 0 : i32
      %dma_wait3A_1189 = tpu.memref_slice %arg5[%add3A, %mul3A_1181, %dma_wait3A_1188] : memref<32x16384x64xf32, #tpu.memory_space<hbm>> -> memref<1x256x64xf32, #tpu.memory_space<hbm>>
      %dma_wait3A_1190 = tpu.memref_squeeze %dma_wait3A_1189 : memref<1x256x64xf32, #tpu.memory_space<hbm>> -> memref<256x64xf32, #tpu.memory_space<hbm>>
      %dma_wait3A_1191 = tpu.memref_slice %arg11[%dma_wait3A_1183] : memref<4x!tpu.dma_semaphore, #tpu.memory_space<semaphore_mem>> -> memref<1x!tpu.dma_semaphore, #tpu.memory_space<semaphore_mem>>
      %dma_wait3A_1192 = tpu.memref_squeeze %dma_wait3A_1191 : memref<1x!tpu.dma_semaphore, #tpu.memory_space<semaphore_mem>> -> memref<!tpu.dma_semaphore, #tpu.memory_space<semaphore_mem>>
      %dma_wait3A_1193 = arith.constant 0 : i32
      %dma_wait3A_1194 = tpu.memref_slice %arg5[%add3A, %mul3A_1181, %dma_wait3A_1193] : memref<32x16384x64xf32, #tpu.memory_space<hbm>> -> memref<1x256x64xf32, #tpu.memory_space<hbm>>
      %dma_wait3A_1195 = tpu.memref_squeeze %dma_wait3A_1194 : memref<1x256x64xf32, #tpu.memory_space<hbm>> -> memref<256x64xf32, #tpu.memory_space<hbm>>
      %dma_wait3A_1196 = arith.constant 0 : i32
      %dma_wait3A_1197 = arith.constant 0 : i32
      %dma_wait3A_1198 = tpu.memref_slice %arg8[%dma_wait3A_1182, %dma_wait3A_1196, %dma_wait3A_1197] : memref<4x256x64xf32, #tpu.memory_space<vmem>> -> memref<1x256x64xf32, #tpu.memory_space<vmem>>
      %dma_wait3A_1199 = tpu.memref_squeeze %dma_wait3A_1198 : memref<1x256x64xf32, #tpu.memory_space<vmem>> -> memref<256x64xf32, #tpu.memory_space<vmem>>
      tpu.wait_dma2 semaphore(%dma_wait3A_1192 : memref<!tpu.dma_semaphore, #tpu.memory_space<semaphore_mem>>) src(%dma_wait3A_1199 : memref<256x64xf32, #tpu.memory_space<vmem>>) dst(%dma_wait3A_1195 : memref<256x64xf32, #tpu.memory_space<hbm>>)
      %mul3A_1200 = arith.constant 256 : i32
      %mul3A_1201 = arith.muli %add3A_1179, %mul3A_1200 : i32
      %dma_wait3A_1202 = arith.constant 3 : i32
      %dma_wait3A_1203 = arith.constant 3 : i32
      %dma_wait3A_1204 = arith.constant 0 : i32
      %dma_wait3A_1205 = arith.constant 0 : i32
      %dma_wait3A_1206 = tpu.memref_slice %arg9[%dma_wait3A_1202, %dma_wait3A_1204, %dma_wait3A_1205] : memref<4x256x32xf32, #tpu.memory_space<vmem>> -> memref<1x256x32xf32, #tpu.memory_space<vmem>>
      %dma_wait3A_1207 = tpu.memref_squeeze %dma_wait3A_1206 : memref<1x256x32xf32, #tpu.memory_space<vmem>> -> memref<256x32xf32, #tpu.memory_space<vmem>>
      %dma_wait3A_1208 = arith.constant 0 : i32
      %dma_wait3A_1209 = tpu.memref_slice %arg6[%add3A, %mul3A_1201, %dma_wait3A_1208] : memref<32x16384x32xf32, #tpu.memory_space<hbm>> -> memref<1x256x32xf32, #tpu.memory_space<hbm>>
      %dma_wait3A_1210 = tpu.memref_squeeze %dma_wait3A_1209 : memref<1x256x32xf32, #tpu.memory_space<hbm>> -> memref<256x32xf32, #tpu.memory_space<hbm>>
      %dma_wait3A_1211 = tpu.memref_slice %arg11[%dma_wait3A_1203] : memref<4x!tpu.dma_semaphore, #tpu.memory_space<semaphore_mem>> -> memref<1x!tpu.dma_semaphore, #tpu.memory_space<semaphore_mem>>
      %dma_wait3A_1212 = tpu.memref_squeeze %dma_wait3A_1211 : memref<1x!tpu.dma_semaphore, #tpu.memory_space<semaphore_mem>> -> memref<!tpu.dma_semaphore, #tpu.memory_space<semaphore_mem>>
      %dma_wait3A_1213 = arith.constant 0 : i32
      %dma_wait3A_1214 = tpu.memref_slice %arg6[%add3A, %mul3A_1201, %dma_wait3A_1213] : memref<32x16384x32xf32, #tpu.memory_space<hbm>> -> memref<1x256x32xf32, #tpu.memory_space<hbm>>
      %dma_wait3A_1215 = tpu.memref_squeeze %dma_wait3A_1214 : memref<1x256x32xf32, #tpu.memory_space<hbm>> -> memref<256x32xf32, #tpu.memory_space<hbm>>
      %dma_wait3A_1216 = arith.constant 0 : i32
      %dma_wait3A_1217 = arith.constant 0 : i32
      %dma_wait3A_1218 = tpu.memref_slice %arg9[%dma_wait3A_1202, %dma_wait3A_1216, %dma_wait3A_1217] : memref<4x256x32xf32, #tpu.memory_space<vmem>> -> memref<1x256x32xf32, #tpu.memory_space<vmem>>
      %dma_wait3A_1219 = tpu.memref_squeeze %dma_wait3A_1218 : memref<1x256x32xf32, #tpu.memory_space<vmem>> -> memref<256x32xf32, #tpu.memory_space<vmem>>
      tpu.wait_dma2 semaphore(%dma_wait3A_1212 : memref<!tpu.dma_semaphore, #tpu.memory_space<semaphore_mem>>) src(%dma_wait3A_1219 : memref<256x32xf32, #tpu.memory_space<vmem>>) dst(%dma_wait3A_1215 : memref<256x32xf32, #tpu.memory_space<hbm>>)
      %add3A_1220 = arith.constant 4 : i32
      %add3A_1221 = arith.addi %add3A_611, %add3A_1220 : i32
      %add3A_1222 = arith.constant 3 : i32
      %add3A_1223 = arith.addi %add3A_1221, %add3A_1222 : i32
      %mul3A_1224 = arith.constant 256 : i32
      %mul3A_1225 = arith.muli %add3A_1223, %mul3A_1224 : i32
      %dma_start3A_1226 = arith.constant 3 : i32
      %dma_start3A_1227 = arith.constant 3 : i32
      %dma_start3A_1228 = arith.constant 0 : i32
      %dma_start3A_1229 = arith.constant 0 : i32
      %dma_start3A_1230 = tpu.memref_slice %arg8[%dma_start3A_1226, %dma_start3A_1228, %dma_start3A_1229] : memref<4x256x64xf32, #tpu.memory_space<vmem>> -> memref<1x256x64xf32, #tpu.memory_space<vmem>>
      %dma_start3A_1231 = tpu.memref_squeeze %dma_start3A_1230 : memref<1x256x64xf32, #tpu.memory_space<vmem>> -> memref<256x64xf32, #tpu.memory_space<vmem>>
      %dma_start3A_1232 = tpu.memref_slice %arg7[%mul3A_1225] : memref<16384xi32, #tpu.memory_space<vmem>> -> memref<256xi32, #tpu.memory_space<vmem>>
      %dma_start3A_1233 = arith.constant 0 : i32
      %dma_start3A_1234 = arith.constant 0 : i32
      %dma_start3A_1235 = tpu.memref_slice %arg2[%add3A, %dma_start3A_1233, %dma_start3A_1234] : memref<32x8192x64xf32, #tpu.memory_space<hbm>> -> memref<1x8192x64xf32, #tpu.memory_space<hbm>>
      %dma_start3A_1236 = tpu.memref_squeeze %dma_start3A_1235 : memref<1x8192x64xf32, #tpu.memory_space<hbm>> -> memref<8192x64xf32, #tpu.memory_space<hbm>>
      %dma_start3A_1237 = arith.constant 0 : i32
      %dma_start3A_1238 = arith.constant 0 : i32
      %dma_start3A_1239 = tpu.memref_slice %dma_start3A_1236[%dma_start3A_1237, %dma_start3A_1238] : memref<8192x64xf32, #tpu.memory_space<hbm>> -> memref<8192x64xf32, #tpu.memory_space<hbm>>
      %dma_start3A_1240 = tpu.memref_slice %arg10[%dma_start3A_1227] : memref<4x!tpu.dma_semaphore, #tpu.memory_space<semaphore_mem>> -> memref<1x!tpu.dma_semaphore, #tpu.memory_space<semaphore_mem>>
      %dma_start3A_1241 = tpu.memref_squeeze %dma_start3A_1240 : memref<1x!tpu.dma_semaphore, #tpu.memory_space<semaphore_mem>> -> memref<!tpu.dma_semaphore, #tpu.memory_space<semaphore_mem>>
      tpu.enqueue_indirect_dma source(%dma_start3A_1239 : memref<8192x64xf32, #tpu.memory_space<hbm>>) target(%dma_start3A_1231 : memref<256x64xf32, #tpu.memory_space<vmem>>) offsets(%dma_start3A_1232 : memref<256xi32, #tpu.memory_space<vmem>>) semaphore(%dma_start3A_1241 : memref<!tpu.dma_semaphore, #tpu.memory_space<semaphore_mem>>)
      %mul3A_1242 = arith.constant 256 : i32
      %mul3A_1243 = arith.muli %add3A_1223, %mul3A_1242 : i32
      %dma_start3A_1244 = arith.constant 3 : i32
      %dma_start3A_1245 = arith.constant 3 : i32
      %dma_start3A_1246 = arith.constant 0 : i32
      %dma_start3A_1247 = arith.constant 0 : i32
      %dma_start3A_1248 = tpu.memref_slice %arg9[%dma_start3A_1244, %dma_start3A_1246, %dma_start3A_1247] : memref<4x256x32xf32, #tpu.memory_space<vmem>> -> memref<1x256x32xf32, #tpu.memory_space<vmem>>
      %dma_start3A_1249 = tpu.memref_squeeze %dma_start3A_1248 : memref<1x256x32xf32, #tpu.memory_space<vmem>> -> memref<256x32xf32, #tpu.memory_space<vmem>>
      %dma_start3A_1250 = tpu.memref_slice %arg7[%mul3A_1243] : memref<16384xi32, #tpu.memory_space<vmem>> -> memref<256xi32, #tpu.memory_space<vmem>>
      %dma_start3A_1251 = arith.constant 0 : i32
      %dma_start3A_1252 = arith.constant 0 : i32
      %dma_start3A_1253 = tpu.memref_slice %arg3[%add3A, %dma_start3A_1251, %dma_start3A_1252] : memref<32x8192x32xf32, #tpu.memory_space<hbm>> -> memref<1x8192x32xf32, #tpu.memory_space<hbm>>
      %dma_start3A_1254 = tpu.memref_squeeze %dma_start3A_1253 : memref<1x8192x32xf32, #tpu.memory_space<hbm>> -> memref<8192x32xf32, #tpu.memory_space<hbm>>
      %dma_start3A_1255 = arith.constant 0 : i32
      %dma_start3A_1256 = arith.constant 0 : i32
      %dma_start3A_1257 = tpu.memref_slice %dma_start3A_1254[%dma_start3A_1255, %dma_start3A_1256] : memref<8192x32xf32, #tpu.memory_space<hbm>> -> memref<8192x32xf32, #tpu.memory_space<hbm>>
      %dma_start3A_1258 = tpu.memref_slice %arg10[%dma_start3A_1245] : memref<4x!tpu.dma_semaphore, #tpu.memory_space<semaphore_mem>> -> memref<1x!tpu.dma_semaphore, #tpu.memory_space<semaphore_mem>>
      %dma_start3A_1259 = tpu.memref_squeeze %dma_start3A_1258 : memref<1x!tpu.dma_semaphore, #tpu.memory_space<semaphore_mem>> -> memref<!tpu.dma_semaphore, #tpu.memory_space<semaphore_mem>>
      tpu.enqueue_indirect_dma source(%dma_start3A_1257 : memref<8192x32xf32, #tpu.memory_space<hbm>>) target(%dma_start3A_1249 : memref<256x32xf32, #tpu.memory_space<vmem>>) offsets(%dma_start3A_1250 : memref<256xi32, #tpu.memory_space<vmem>>) semaphore(%dma_start3A_1259 : memref<!tpu.dma_semaphore, #tpu.memory_space<semaphore_mem>>)
    }
    %scan3A_150 = arith.constant 15 : i32
    %dma_wait3A_151 = arith.constant 0 : i32
    %dma_wait3A_152 = arith.constant 0 : i32
    %dma_wait3A_153 = arith.constant 0 : i32
    %dma_wait3A_154 = arith.constant 0 : i32
    %dma_wait3A_155 = tpu.memref_slice %arg8[%dma_wait3A_151, %dma_wait3A_153, %dma_wait3A_154] : memref<4x256x64xf32, #tpu.memory_space<vmem>> -> memref<1x256x64xf32, #tpu.memory_space<vmem>>
    %dma_wait3A_156 = tpu.memref_squeeze %dma_wait3A_155 : memref<1x256x64xf32, #tpu.memory_space<vmem>> -> memref<256x64xf32, #tpu.memory_space<vmem>>
    %dma_wait3A_157 = arith.constant 15360 : i32
    %dma_wait3A_158 = tpu.memref_slice %arg7[%dma_wait3A_157] : memref<16384xi32, #tpu.memory_space<vmem>> -> memref<256xi32, #tpu.memory_space<vmem>>
    %dma_wait3A_159 = arith.constant 0 : i32
    %dma_wait3A_160 = arith.constant 0 : i32
    %dma_wait3A_161 = tpu.memref_slice %arg2[%add3A, %dma_wait3A_159, %dma_wait3A_160] : memref<32x8192x64xf32, #tpu.memory_space<hbm>> -> memref<1x8192x64xf32, #tpu.memory_space<hbm>>
    %dma_wait3A_162 = tpu.memref_squeeze %dma_wait3A_161 : memref<1x8192x64xf32, #tpu.memory_space<hbm>> -> memref<8192x64xf32, #tpu.memory_space<hbm>>
    %dma_wait3A_163 = arith.constant 0 : i32
    %dma_wait3A_164 = arith.constant 0 : i32
    %dma_wait3A_165 = tpu.memref_slice %dma_wait3A_162[%dma_wait3A_163, %dma_wait3A_164] : memref<8192x64xf32, #tpu.memory_space<hbm>> -> memref<8192x64xf32, #tpu.memory_space<hbm>>
    %dma_wait3A_166 = tpu.memref_slice %arg10[%dma_wait3A_152] : memref<4x!tpu.dma_semaphore, #tpu.memory_space<semaphore_mem>> -> memref<1x!tpu.dma_semaphore, #tpu.memory_space<semaphore_mem>>
    %dma_wait3A_167 = tpu.memref_squeeze %dma_wait3A_166 : memref<1x!tpu.dma_semaphore, #tpu.memory_space<semaphore_mem>> -> memref<!tpu.dma_semaphore, #tpu.memory_space<semaphore_mem>>
    tpu.wait_indirect_dma semaphore(%dma_wait3A_167 : memref<!tpu.dma_semaphore, #tpu.memory_space<semaphore_mem>>) src(%dma_wait3A_165 : memref<8192x64xf32, #tpu.memory_space<hbm>>) dst(%dma_wait3A_156 : memref<256x64xf32, #tpu.memory_space<vmem>>)
    %dma_wait3A_168 = arith.constant 0 : i32
    %dma_wait3A_169 = arith.constant 0 : i32
    %dma_wait3A_170 = arith.constant 0 : i32
    %dma_wait3A_171 = arith.constant 0 : i32
    %dma_wait3A_172 = tpu.memref_slice %arg9[%dma_wait3A_168, %dma_wait3A_170, %dma_wait3A_171] : memref<4x256x32xf32, #tpu.memory_space<vmem>> -> memref<1x256x32xf32, #tpu.memory_space<vmem>>
    %dma_wait3A_173 = tpu.memref_squeeze %dma_wait3A_172 : memref<1x256x32xf32, #tpu.memory_space<vmem>> -> memref<256x32xf32, #tpu.memory_space<vmem>>
    %dma_wait3A_174 = arith.constant 15360 : i32
    %dma_wait3A_175 = tpu.memref_slice %arg7[%dma_wait3A_174] : memref<16384xi32, #tpu.memory_space<vmem>> -> memref<256xi32, #tpu.memory_space<vmem>>
    %dma_wait3A_176 = arith.constant 0 : i32
    %dma_wait3A_177 = arith.constant 0 : i32
    %dma_wait3A_178 = tpu.memref_slice %arg3[%add3A, %dma_wait3A_176, %dma_wait3A_177] : memref<32x8192x32xf32, #tpu.memory_space<hbm>> -> memref<1x8192x32xf32, #tpu.memory_space<hbm>>
    %dma_wait3A_179 = tpu.memref_squeeze %dma_wait3A_178 : memref<1x8192x32xf32, #tpu.memory_space<hbm>> -> memref<8192x32xf32, #tpu.memory_space<hbm>>
    %dma_wait3A_180 = arith.constant 0 : i32
    %dma_wait3A_181 = arith.constant 0 : i32
    %dma_wait3A_182 = tpu.memref_slice %dma_wait3A_179[%dma_wait3A_180, %dma_wait3A_181] : memref<8192x32xf32, #tpu.memory_space<hbm>> -> memref<8192x32xf32, #tpu.memory_space<hbm>>
    %dma_wait3A_183 = tpu.memref_slice %arg10[%dma_wait3A_169] : memref<4x!tpu.dma_semaphore, #tpu.memory_space<semaphore_mem>> -> memref<1x!tpu.dma_semaphore, #tpu.memory_space<semaphore_mem>>
    %dma_wait3A_184 = tpu.memref_squeeze %dma_wait3A_183 : memref<1x!tpu.dma_semaphore, #tpu.memory_space<semaphore_mem>> -> memref<!tpu.dma_semaphore, #tpu.memory_space<semaphore_mem>>
    tpu.wait_indirect_dma semaphore(%dma_wait3A_184 : memref<!tpu.dma_semaphore, #tpu.memory_space<semaphore_mem>>) src(%dma_wait3A_182 : memref<8192x32xf32, #tpu.memory_space<hbm>>) dst(%dma_wait3A_173 : memref<256x32xf32, #tpu.memory_space<vmem>>)
    %dma_start3A_185 = arith.constant 0 : i32
    %dma_start3A_186 = arith.constant 0 : i32
    %dma_start3A_187 = arith.constant 0 : i32
    %dma_start3A_188 = arith.constant 0 : i32
    %dma_start3A_189 = tpu.memref_slice %arg8[%dma_start3A_185, %dma_start3A_187, %dma_start3A_188] : memref<4x256x64xf32, #tpu.memory_space<vmem>> -> memref<1x256x64xf32, #tpu.memory_space<vmem>>
    %dma_start3A_190 = tpu.memref_squeeze %dma_start3A_189 : memref<1x256x64xf32, #tpu.memory_space<vmem>> -> memref<256x64xf32, #tpu.memory_space<vmem>>
    %dma_start3A_191 = arith.constant 15360 : i32
    %dma_start3A_192 = arith.constant 0 : i32
    %dma_start3A_193 = tpu.memref_slice %arg5[%add3A, %dma_start3A_191, %dma_start3A_192] : memref<32x16384x64xf32, #tpu.memory_space<hbm>> -> memref<1x256x64xf32, #tpu.memory_space<hbm>>
    %dma_start3A_194 = tpu.memref_squeeze %dma_start3A_193 : memref<1x256x64xf32, #tpu.memory_space<hbm>> -> memref<256x64xf32, #tpu.memory_space<hbm>>
    %dma_start3A_195 = tpu.memref_slice %arg11[%dma_start3A_186] : memref<4x!tpu.dma_semaphore, #tpu.memory_space<semaphore_mem>> -> memref<1x!tpu.dma_semaphore, #tpu.memory_space<semaphore_mem>>
    %dma_start3A_196 = tpu.memref_squeeze %dma_start3A_195 : memref<1x!tpu.dma_semaphore, #tpu.memory_space<semaphore_mem>> -> memref<!tpu.dma_semaphore, #tpu.memory_space<semaphore_mem>>
    %dma_start3A_197 = arith.constant 15360 : i32
    %dma_start3A_198 = arith.constant 0 : i32
    %dma_start3A_199 = tpu.memref_slice %arg5[%add3A, %dma_start3A_197, %dma_start3A_198] : memref<32x16384x64xf32, #tpu.memory_space<hbm>> -> memref<1x256x64xf32, #tpu.memory_space<hbm>>
    %dma_start3A_200 = tpu.memref_squeeze %dma_start3A_199 : memref<1x256x64xf32, #tpu.memory_space<hbm>> -> memref<256x64xf32, #tpu.memory_space<hbm>>
    %dma_start3A_201 = arith.constant 0 : i32
    %dma_start3A_202 = arith.constant 0 : i32
    %dma_start3A_203 = tpu.memref_slice %arg8[%dma_start3A_185, %dma_start3A_201, %dma_start3A_202] : memref<4x256x64xf32, #tpu.memory_space<vmem>> -> memref<1x256x64xf32, #tpu.memory_space<vmem>>
    %dma_start3A_204 = tpu.memref_squeeze %dma_start3A_203 : memref<1x256x64xf32, #tpu.memory_space<vmem>> -> memref<256x64xf32, #tpu.memory_space<vmem>>
    tpu.enqueue_dma source(%dma_start3A_204 : memref<256x64xf32, #tpu.memory_space<vmem>>) target(%dma_start3A_200 : memref<256x64xf32, #tpu.memory_space<hbm>>) target_semaphore(%dma_start3A_196 : memref<!tpu.dma_semaphore, #tpu.memory_space<semaphore_mem>>)
    %dma_start3A_205 = arith.constant 0 : i32
    %dma_start3A_206 = arith.constant 0 : i32
    %dma_start3A_207 = arith.constant 0 : i32
    %dma_start3A_208 = arith.constant 0 : i32
    %dma_start3A_209 = tpu.memref_slice %arg9[%dma_start3A_205, %dma_start3A_207, %dma_start3A_208] : memref<4x256x32xf32, #tpu.memory_space<vmem>> -> memref<1x256x32xf32, #tpu.memory_space<vmem>>
    %dma_start3A_210 = tpu.memref_squeeze %dma_start3A_209 : memref<1x256x32xf32, #tpu.memory_space<vmem>> -> memref<256x32xf32, #tpu.memory_space<vmem>>
    %dma_start3A_211 = arith.constant 15360 : i32
    %dma_start3A_212 = arith.constant 0 : i32
    %dma_start3A_213 = tpu.memref_slice %arg6[%add3A, %dma_start3A_211, %dma_start3A_212] : memref<32x16384x32xf32, #tpu.memory_space<hbm>> -> memref<1x256x32xf32, #tpu.memory_space<hbm>>
    %dma_start3A_214 = tpu.memref_squeeze %dma_start3A_213 : memref<1x256x32xf32, #tpu.memory_space<hbm>> -> memref<256x32xf32, #tpu.memory_space<hbm>>
    %dma_start3A_215 = tpu.memref_slice %arg11[%dma_start3A_206] : memref<4x!tpu.dma_semaphore, #tpu.memory_space<semaphore_mem>> -> memref<1x!tpu.dma_semaphore, #tpu.memory_space<semaphore_mem>>
    %dma_start3A_216 = tpu.memref_squeeze %dma_start3A_215 : memref<1x!tpu.dma_semaphore, #tpu.memory_space<semaphore_mem>> -> memref<!tpu.dma_semaphore, #tpu.memory_space<semaphore_mem>>
    %dma_start3A_217 = arith.constant 15360 : i32
    %dma_start3A_218 = arith.constant 0 : i32
    %dma_start3A_219 = tpu.memref_slice %arg6[%add3A, %dma_start3A_217, %dma_start3A_218] : memref<32x16384x32xf32, #tpu.memory_space<hbm>> -> memref<1x256x32xf32, #tpu.memory_space<hbm>>
    %dma_start3A_220 = tpu.memref_squeeze %dma_start3A_219 : memref<1x256x32xf32, #tpu.memory_space<hbm>> -> memref<256x32xf32, #tpu.memory_space<hbm>>
    %dma_start3A_221 = arith.constant 0 : i32
    %dma_start3A_222 = arith.constant 0 : i32
    %dma_start3A_223 = tpu.memref_slice %arg9[%dma_start3A_205, %dma_start3A_221, %dma_start3A_222] : memref<4x256x32xf32, #tpu.memory_space<vmem>> -> memref<1x256x32xf32, #tpu.memory_space<vmem>>
    %dma_start3A_224 = tpu.memref_squeeze %dma_start3A_223 : memref<1x256x32xf32, #tpu.memory_space<vmem>> -> memref<256x32xf32, #tpu.memory_space<vmem>>
    tpu.enqueue_dma source(%dma_start3A_224 : memref<256x32xf32, #tpu.memory_space<vmem>>) target(%dma_start3A_220 : memref<256x32xf32, #tpu.memory_space<hbm>>) target_semaphore(%dma_start3A_216 : memref<!tpu.dma_semaphore, #tpu.memory_space<semaphore_mem>>)
    %dma_wait3A_225 = arith.constant 1 : i32
    %dma_wait3A_226 = arith.constant 1 : i32
    %dma_wait3A_227 = arith.constant 0 : i32
    %dma_wait3A_228 = arith.constant 0 : i32
    %dma_wait3A_229 = tpu.memref_slice %arg8[%dma_wait3A_225, %dma_wait3A_227, %dma_wait3A_228] : memref<4x256x64xf32, #tpu.memory_space<vmem>> -> memref<1x256x64xf32, #tpu.memory_space<vmem>>
    %dma_wait3A_230 = tpu.memref_squeeze %dma_wait3A_229 : memref<1x256x64xf32, #tpu.memory_space<vmem>> -> memref<256x64xf32, #tpu.memory_space<vmem>>
    %dma_wait3A_231 = arith.constant 15616 : i32
    %dma_wait3A_232 = tpu.memref_slice %arg7[%dma_wait3A_231] : memref<16384xi32, #tpu.memory_space<vmem>> -> memref<256xi32, #tpu.memory_space<vmem>>
    %dma_wait3A_233 = arith.constant 0 : i32
    %dma_wait3A_234 = arith.constant 0 : i32
    %dma_wait3A_235 = tpu.memref_slice %arg2[%add3A, %dma_wait3A_233, %dma_wait3A_234] : memref<32x8192x64xf32, #tpu.memory_space<hbm>> -> memref<1x8192x64xf32, #tpu.memory_space<hbm>>
    %dma_wait3A_236 = tpu.memref_squeeze %dma_wait3A_235 : memref<1x8192x64xf32, #tpu.memory_space<hbm>> -> memref<8192x64xf32, #tpu.memory_space<hbm>>
    %dma_wait3A_237 = arith.constant 0 : i32
    %dma_wait3A_238 = arith.constant 0 : i32
    %dma_wait3A_239 = tpu.memref_slice %dma_wait3A_236[%dma_wait3A_237, %dma_wait3A_238] : memref<8192x64xf32, #tpu.memory_space<hbm>> -> memref<8192x64xf32, #tpu.memory_space<hbm>>
    %dma_wait3A_240 = tpu.memref_slice %arg10[%dma_wait3A_226] : memref<4x!tpu.dma_semaphore, #tpu.memory_space<semaphore_mem>> -> memref<1x!tpu.dma_semaphore, #tpu.memory_space<semaphore_mem>>
    %dma_wait3A_241 = tpu.memref_squeeze %dma_wait3A_240 : memref<1x!tpu.dma_semaphore, #tpu.memory_space<semaphore_mem>> -> memref<!tpu.dma_semaphore, #tpu.memory_space<semaphore_mem>>
    tpu.wait_indirect_dma semaphore(%dma_wait3A_241 : memref<!tpu.dma_semaphore, #tpu.memory_space<semaphore_mem>>) src(%dma_wait3A_239 : memref<8192x64xf32, #tpu.memory_space<hbm>>) dst(%dma_wait3A_230 : memref<256x64xf32, #tpu.memory_space<vmem>>)
    %dma_wait3A_242 = arith.constant 1 : i32
    %dma_wait3A_243 = arith.constant 1 : i32
    %dma_wait3A_244 = arith.constant 0 : i32
    %dma_wait3A_245 = arith.constant 0 : i32
    %dma_wait3A_246 = tpu.memref_slice %arg9[%dma_wait3A_242, %dma_wait3A_244, %dma_wait3A_245] : memref<4x256x32xf32, #tpu.memory_space<vmem>> -> memref<1x256x32xf32, #tpu.memory_space<vmem>>
    %dma_wait3A_247 = tpu.memref_squeeze %dma_wait3A_246 : memref<1x256x32xf32, #tpu.memory_space<vmem>> -> memref<256x32xf32, #tpu.memory_space<vmem>>
    %dma_wait3A_248 = arith.constant 15616 : i32
    %dma_wait3A_249 = tpu.memref_slice %arg7[%dma_wait3A_248] : memref<16384xi32, #tpu.memory_space<vmem>> -> memref<256xi32, #tpu.memory_space<vmem>>
    %dma_wait3A_250 = arith.constant 0 : i32
    %dma_wait3A_251 = arith.constant 0 : i32
    %dma_wait3A_252 = tpu.memref_slice %arg3[%add3A, %dma_wait3A_250, %dma_wait3A_251] : memref<32x8192x32xf32, #tpu.memory_space<hbm>> -> memref<1x8192x32xf32, #tpu.memory_space<hbm>>
    %dma_wait3A_253 = tpu.memref_squeeze %dma_wait3A_252 : memref<1x8192x32xf32, #tpu.memory_space<hbm>> -> memref<8192x32xf32, #tpu.memory_space<hbm>>
    %dma_wait3A_254 = arith.constant 0 : i32
    %dma_wait3A_255 = arith.constant 0 : i32
    %dma_wait3A_256 = tpu.memref_slice %dma_wait3A_253[%dma_wait3A_254, %dma_wait3A_255] : memref<8192x32xf32, #tpu.memory_space<hbm>> -> memref<8192x32xf32, #tpu.memory_space<hbm>>
    %dma_wait3A_257 = tpu.memref_slice %arg10[%dma_wait3A_243] : memref<4x!tpu.dma_semaphore, #tpu.memory_space<semaphore_mem>> -> memref<1x!tpu.dma_semaphore, #tpu.memory_space<semaphore_mem>>
    %dma_wait3A_258 = tpu.memref_squeeze %dma_wait3A_257 : memref<1x!tpu.dma_semaphore, #tpu.memory_space<semaphore_mem>> -> memref<!tpu.dma_semaphore, #tpu.memory_space<semaphore_mem>>
    tpu.wait_indirect_dma semaphore(%dma_wait3A_258 : memref<!tpu.dma_semaphore, #tpu.memory_space<semaphore_mem>>) src(%dma_wait3A_256 : memref<8192x32xf32, #tpu.memory_space<hbm>>) dst(%dma_wait3A_247 : memref<256x32xf32, #tpu.memory_space<vmem>>)
    %dma_start3A_259 = arith.constant 1 : i32
    %dma_start3A_260 = arith.constant 1 : i32
    %dma_start3A_261 = arith.constant 0 : i32
    %dma_start3A_262 = arith.constant 0 : i32
    %dma_start3A_263 = tpu.memref_slice %arg8[%dma_start3A_259, %dma_start3A_261, %dma_start3A_262] : memref<4x256x64xf32, #tpu.memory_space<vmem>> -> memref<1x256x64xf32, #tpu.memory_space<vmem>>
    %dma_start3A_264 = tpu.memref_squeeze %dma_start3A_263 : memref<1x256x64xf32, #tpu.memory_space<vmem>> -> memref<256x64xf32, #tpu.memory_space<vmem>>
    %dma_start3A_265 = arith.constant 15616 : i32
    %dma_start3A_266 = arith.constant 0 : i32
    %dma_start3A_267 = tpu.memref_slice %arg5[%add3A, %dma_start3A_265, %dma_start3A_266] : memref<32x16384x64xf32, #tpu.memory_space<hbm>> -> memref<1x256x64xf32, #tpu.memory_space<hbm>>
    %dma_start3A_268 = tpu.memref_squeeze %dma_start3A_267 : memref<1x256x64xf32, #tpu.memory_space<hbm>> -> memref<256x64xf32, #tpu.memory_space<hbm>>
    %dma_start3A_269 = tpu.memref_slice %arg11[%dma_start3A_260] : memref<4x!tpu.dma_semaphore, #tpu.memory_space<semaphore_mem>> -> memref<1x!tpu.dma_semaphore, #tpu.memory_space<semaphore_mem>>
    %dma_start3A_270 = tpu.memref_squeeze %dma_start3A_269 : memref<1x!tpu.dma_semaphore, #tpu.memory_space<semaphore_mem>> -> memref<!tpu.dma_semaphore, #tpu.memory_space<semaphore_mem>>
    %dma_start3A_271 = arith.constant 15616 : i32
    %dma_start3A_272 = arith.constant 0 : i32
    %dma_start3A_273 = tpu.memref_slice %arg5[%add3A, %dma_start3A_271, %dma_start3A_272] : memref<32x16384x64xf32, #tpu.memory_space<hbm>> -> memref<1x256x64xf32, #tpu.memory_space<hbm>>
    %dma_start3A_274 = tpu.memref_squeeze %dma_start3A_273 : memref<1x256x64xf32, #tpu.memory_space<hbm>> -> memref<256x64xf32, #tpu.memory_space<hbm>>
    %dma_start3A_275 = arith.constant 0 : i32
    %dma_start3A_276 = arith.constant 0 : i32
    %dma_start3A_277 = tpu.memref_slice %arg8[%dma_start3A_259, %dma_start3A_275, %dma_start3A_276] : memref<4x256x64xf32, #tpu.memory_space<vmem>> -> memref<1x256x64xf32, #tpu.memory_space<vmem>>
    %dma_start3A_278 = tpu.memref_squeeze %dma_start3A_277 : memref<1x256x64xf32, #tpu.memory_space<vmem>> -> memref<256x64xf32, #tpu.memory_space<vmem>>
    tpu.enqueue_dma source(%dma_start3A_278 : memref<256x64xf32, #tpu.memory_space<vmem>>) target(%dma_start3A_274 : memref<256x64xf32, #tpu.memory_space<hbm>>) target_semaphore(%dma_start3A_270 : memref<!tpu.dma_semaphore, #tpu.memory_space<semaphore_mem>>)
    %dma_start3A_279 = arith.constant 1 : i32
    %dma_start3A_280 = arith.constant 1 : i32
    %dma_start3A_281 = arith.constant 0 : i32
    %dma_start3A_282 = arith.constant 0 : i32
    %dma_start3A_283 = tpu.memref_slice %arg9[%dma_start3A_279, %dma_start3A_281, %dma_start3A_282] : memref<4x256x32xf32, #tpu.memory_space<vmem>> -> memref<1x256x32xf32, #tpu.memory_space<vmem>>
    %dma_start3A_284 = tpu.memref_squeeze %dma_start3A_283 : memref<1x256x32xf32, #tpu.memory_space<vmem>> -> memref<256x32xf32, #tpu.memory_space<vmem>>
    %dma_start3A_285 = arith.constant 15616 : i32
    %dma_start3A_286 = arith.constant 0 : i32
    %dma_start3A_287 = tpu.memref_slice %arg6[%add3A, %dma_start3A_285, %dma_start3A_286] : memref<32x16384x32xf32, #tpu.memory_space<hbm>> -> memref<1x256x32xf32, #tpu.memory_space<hbm>>
    %dma_start3A_288 = tpu.memref_squeeze %dma_start3A_287 : memref<1x256x32xf32, #tpu.memory_space<hbm>> -> memref<256x32xf32, #tpu.memory_space<hbm>>
    %dma_start3A_289 = tpu.memref_slice %arg11[%dma_start3A_280] : memref<4x!tpu.dma_semaphore, #tpu.memory_space<semaphore_mem>> -> memref<1x!tpu.dma_semaphore, #tpu.memory_space<semaphore_mem>>
    %dma_start3A_290 = tpu.memref_squeeze %dma_start3A_289 : memref<1x!tpu.dma_semaphore, #tpu.memory_space<semaphore_mem>> -> memref<!tpu.dma_semaphore, #tpu.memory_space<semaphore_mem>>
    %dma_start3A_291 = arith.constant 15616 : i32
    %dma_start3A_292 = arith.constant 0 : i32
    %dma_start3A_293 = tpu.memref_slice %arg6[%add3A, %dma_start3A_291, %dma_start3A_292] : memref<32x16384x32xf32, #tpu.memory_space<hbm>> -> memref<1x256x32xf32, #tpu.memory_space<hbm>>
    %dma_start3A_294 = tpu.memref_squeeze %dma_start3A_293 : memref<1x256x32xf32, #tpu.memory_space<hbm>> -> memref<256x32xf32, #tpu.memory_space<hbm>>
    %dma_start3A_295 = arith.constant 0 : i32
    %dma_start3A_296 = arith.constant 0 : i32
    %dma_start3A_297 = tpu.memref_slice %arg9[%dma_start3A_279, %dma_start3A_295, %dma_start3A_296] : memref<4x256x32xf32, #tpu.memory_space<vmem>> -> memref<1x256x32xf32, #tpu.memory_space<vmem>>
    %dma_start3A_298 = tpu.memref_squeeze %dma_start3A_297 : memref<1x256x32xf32, #tpu.memory_space<vmem>> -> memref<256x32xf32, #tpu.memory_space<vmem>>
    tpu.enqueue_dma source(%dma_start3A_298 : memref<256x32xf32, #tpu.memory_space<vmem>>) target(%dma_start3A_294 : memref<256x32xf32, #tpu.memory_space<hbm>>) target_semaphore(%dma_start3A_290 : memref<!tpu.dma_semaphore, #tpu.memory_space<semaphore_mem>>)
    %dma_wait3A_299 = arith.constant 2 : i32
    %dma_wait3A_300 = arith.constant 2 : i32
    %dma_wait3A_301 = arith.constant 0 : i32
    %dma_wait3A_302 = arith.constant 0 : i32
    %dma_wait3A_303 = tpu.memref_slice %arg8[%dma_wait3A_299, %dma_wait3A_301, %dma_wait3A_302] : memref<4x256x64xf32, #tpu.memory_space<vmem>> -> memref<1x256x64xf32, #tpu.memory_space<vmem>>
    %dma_wait3A_304 = tpu.memref_squeeze %dma_wait3A_303 : memref<1x256x64xf32, #tpu.memory_space<vmem>> -> memref<256x64xf32, #tpu.memory_space<vmem>>
    %dma_wait3A_305 = arith.constant 15872 : i32
    %dma_wait3A_306 = tpu.memref_slice %arg7[%dma_wait3A_305] : memref<16384xi32, #tpu.memory_space<vmem>> -> memref<256xi32, #tpu.memory_space<vmem>>
    %dma_wait3A_307 = arith.constant 0 : i32
    %dma_wait3A_308 = arith.constant 0 : i32
    %dma_wait3A_309 = tpu.memref_slice %arg2[%add3A, %dma_wait3A_307, %dma_wait3A_308] : memref<32x8192x64xf32, #tpu.memory_space<hbm>> -> memref<1x8192x64xf32, #tpu.memory_space<hbm>>
    %dma_wait3A_310 = tpu.memref_squeeze %dma_wait3A_309 : memref<1x8192x64xf32, #tpu.memory_space<hbm>> -> memref<8192x64xf32, #tpu.memory_space<hbm>>
    %dma_wait3A_311 = arith.constant 0 : i32
    %dma_wait3A_312 = arith.constant 0 : i32
    %dma_wait3A_313 = tpu.memref_slice %dma_wait3A_310[%dma_wait3A_311, %dma_wait3A_312] : memref<8192x64xf32, #tpu.memory_space<hbm>> -> memref<8192x64xf32, #tpu.memory_space<hbm>>
    %dma_wait3A_314 = tpu.memref_slice %arg10[%dma_wait3A_300] : memref<4x!tpu.dma_semaphore, #tpu.memory_space<semaphore_mem>> -> memref<1x!tpu.dma_semaphore, #tpu.memory_space<semaphore_mem>>
    %dma_wait3A_315 = tpu.memref_squeeze %dma_wait3A_314 : memref<1x!tpu.dma_semaphore, #tpu.memory_space<semaphore_mem>> -> memref<!tpu.dma_semaphore, #tpu.memory_space<semaphore_mem>>
    tpu.wait_indirect_dma semaphore(%dma_wait3A_315 : memref<!tpu.dma_semaphore, #tpu.memory_space<semaphore_mem>>) src(%dma_wait3A_313 : memref<8192x64xf32, #tpu.memory_space<hbm>>) dst(%dma_wait3A_304 : memref<256x64xf32, #tpu.memory_space<vmem>>)
    %dma_wait3A_316 = arith.constant 2 : i32
    %dma_wait3A_317 = arith.constant 2 : i32
    %dma_wait3A_318 = arith.constant 0 : i32
    %dma_wait3A_319 = arith.constant 0 : i32
    %dma_wait3A_320 = tpu.memref_slice %arg9[%dma_wait3A_316, %dma_wait3A_318, %dma_wait3A_319] : memref<4x256x32xf32, #tpu.memory_space<vmem>> -> memref<1x256x32xf32, #tpu.memory_space<vmem>>
    %dma_wait3A_321 = tpu.memref_squeeze %dma_wait3A_320 : memref<1x256x32xf32, #tpu.memory_space<vmem>> -> memref<256x32xf32, #tpu.memory_space<vmem>>
    %dma_wait3A_322 = arith.constant 15872 : i32
    %dma_wait3A_323 = tpu.memref_slice %arg7[%dma_wait3A_322] : memref<16384xi32, #tpu.memory_space<vmem>> -> memref<256xi32, #tpu.memory_space<vmem>>
    %dma_wait3A_324 = arith.constant 0 : i32
    %dma_wait3A_325 = arith.constant 0 : i32
    %dma_wait3A_326 = tpu.memref_slice %arg3[%add3A, %dma_wait3A_324, %dma_wait3A_325] : memref<32x8192x32xf32, #tpu.memory_space<hbm>> -> memref<1x8192x32xf32, #tpu.memory_space<hbm>>
    %dma_wait3A_327 = tpu.memref_squeeze %dma_wait3A_326 : memref<1x8192x32xf32, #tpu.memory_space<hbm>> -> memref<8192x32xf32, #tpu.memory_space<hbm>>
    %dma_wait3A_328 = arith.constant 0 : i32
    %dma_wait3A_329 = arith.constant 0 : i32
    %dma_wait3A_330 = tpu.memref_slice %dma_wait3A_327[%dma_wait3A_328, %dma_wait3A_329] : memref<8192x32xf32, #tpu.memory_space<hbm>> -> memref<8192x32xf32, #tpu.memory_space<hbm>>
    %dma_wait3A_331 = tpu.memref_slice %arg10[%dma_wait3A_317] : memref<4x!tpu.dma_semaphore, #tpu.memory_space<semaphore_mem>> -> memref<1x!tpu.dma_semaphore, #tpu.memory_space<semaphore_mem>>
    %dma_wait3A_332 = tpu.memref_squeeze %dma_wait3A_331 : memref<1x!tpu.dma_semaphore, #tpu.memory_space<semaphore_mem>> -> memref<!tpu.dma_semaphore, #tpu.memory_space<semaphore_mem>>
    tpu.wait_indirect_dma semaphore(%dma_wait3A_332 : memref<!tpu.dma_semaphore, #tpu.memory_space<semaphore_mem>>) src(%dma_wait3A_330 : memref<8192x32xf32, #tpu.memory_space<hbm>>) dst(%dma_wait3A_321 : memref<256x32xf32, #tpu.memory_space<vmem>>)
    %dma_start3A_333 = arith.constant 2 : i32
    %dma_start3A_334 = arith.constant 2 : i32
    %dma_start3A_335 = arith.constant 0 : i32
    %dma_start3A_336 = arith.constant 0 : i32
    %dma_start3A_337 = tpu.memref_slice %arg8[%dma_start3A_333, %dma_start3A_335, %dma_start3A_336] : memref<4x256x64xf32, #tpu.memory_space<vmem>> -> memref<1x256x64xf32, #tpu.memory_space<vmem>>
    %dma_start3A_338 = tpu.memref_squeeze %dma_start3A_337 : memref<1x256x64xf32, #tpu.memory_space<vmem>> -> memref<256x64xf32, #tpu.memory_space<vmem>>
    %dma_start3A_339 = arith.constant 15872 : i32
    %dma_start3A_340 = arith.constant 0 : i32
    %dma_start3A_341 = tpu.memref_slice %arg5[%add3A, %dma_start3A_339, %dma_start3A_340] : memref<32x16384x64xf32, #tpu.memory_space<hbm>> -> memref<1x256x64xf32, #tpu.memory_space<hbm>>
    %dma_start3A_342 = tpu.memref_squeeze %dma_start3A_341 : memref<1x256x64xf32, #tpu.memory_space<hbm>> -> memref<256x64xf32, #tpu.memory_space<hbm>>
    %dma_start3A_343 = tpu.memref_slice %arg11[%dma_start3A_334] : memref<4x!tpu.dma_semaphore, #tpu.memory_space<semaphore_mem>> -> memref<1x!tpu.dma_semaphore, #tpu.memory_space<semaphore_mem>>
    %dma_start3A_344 = tpu.memref_squeeze %dma_start3A_343 : memref<1x!tpu.dma_semaphore, #tpu.memory_space<semaphore_mem>> -> memref<!tpu.dma_semaphore, #tpu.memory_space<semaphore_mem>>
    %dma_start3A_345 = arith.constant 15872 : i32
    %dma_start3A_346 = arith.constant 0 : i32
    %dma_start3A_347 = tpu.memref_slice %arg5[%add3A, %dma_start3A_345, %dma_start3A_346] : memref<32x16384x64xf32, #tpu.memory_space<hbm>> -> memref<1x256x64xf32, #tpu.memory_space<hbm>>
    %dma_start3A_348 = tpu.memref_squeeze %dma_start3A_347 : memref<1x256x64xf32, #tpu.memory_space<hbm>> -> memref<256x64xf32, #tpu.memory_space<hbm>>
    %dma_start3A_349 = arith.constant 0 : i32
    %dma_start3A_350 = arith.constant 0 : i32
    %dma_start3A_351 = tpu.memref_slice %arg8[%dma_start3A_333, %dma_start3A_349, %dma_start3A_350] : memref<4x256x64xf32, #tpu.memory_space<vmem>> -> memref<1x256x64xf32, #tpu.memory_space<vmem>>
    %dma_start3A_352 = tpu.memref_squeeze %dma_start3A_351 : memref<1x256x64xf32, #tpu.memory_space<vmem>> -> memref<256x64xf32, #tpu.memory_space<vmem>>
    tpu.enqueue_dma source(%dma_start3A_352 : memref<256x64xf32, #tpu.memory_space<vmem>>) target(%dma_start3A_348 : memref<256x64xf32, #tpu.memory_space<hbm>>) target_semaphore(%dma_start3A_344 : memref<!tpu.dma_semaphore, #tpu.memory_space<semaphore_mem>>)
    %dma_start3A_353 = arith.constant 2 : i32
    %dma_start3A_354 = arith.constant 2 : i32
    %dma_start3A_355 = arith.constant 0 : i32
    %dma_start3A_356 = arith.constant 0 : i32
    %dma_start3A_357 = tpu.memref_slice %arg9[%dma_start3A_353, %dma_start3A_355, %dma_start3A_356] : memref<4x256x32xf32, #tpu.memory_space<vmem>> -> memref<1x256x32xf32, #tpu.memory_space<vmem>>
    %dma_start3A_358 = tpu.memref_squeeze %dma_start3A_357 : memref<1x256x32xf32, #tpu.memory_space<vmem>> -> memref<256x32xf32, #tpu.memory_space<vmem>>
    %dma_start3A_359 = arith.constant 15872 : i32
    %dma_start3A_360 = arith.constant 0 : i32
    %dma_start3A_361 = tpu.memref_slice %arg6[%add3A, %dma_start3A_359, %dma_start3A_360] : memref<32x16384x32xf32, #tpu.memory_space<hbm>> -> memref<1x256x32xf32, #tpu.memory_space<hbm>>
    %dma_start3A_362 = tpu.memref_squeeze %dma_start3A_361 : memref<1x256x32xf32, #tpu.memory_space<hbm>> -> memref<256x32xf32, #tpu.memory_space<hbm>>
    %dma_start3A_363 = tpu.memref_slice %arg11[%dma_start3A_354] : memref<4x!tpu.dma_semaphore, #tpu.memory_space<semaphore_mem>> -> memref<1x!tpu.dma_semaphore, #tpu.memory_space<semaphore_mem>>
    %dma_start3A_364 = tpu.memref_squeeze %dma_start3A_363 : memref<1x!tpu.dma_semaphore, #tpu.memory_space<semaphore_mem>> -> memref<!tpu.dma_semaphore, #tpu.memory_space<semaphore_mem>>
    %dma_start3A_365 = arith.constant 15872 : i32
    %dma_start3A_366 = arith.constant 0 : i32
    %dma_start3A_367 = tpu.memref_slice %arg6[%add3A, %dma_start3A_365, %dma_start3A_366] : memref<32x16384x32xf32, #tpu.memory_space<hbm>> -> memref<1x256x32xf32, #tpu.memory_space<hbm>>
    %dma_start3A_368 = tpu.memref_squeeze %dma_start3A_367 : memref<1x256x32xf32, #tpu.memory_space<hbm>> -> memref<256x32xf32, #tpu.memory_space<hbm>>
    %dma_start3A_369 = arith.constant 0 : i32
    %dma_start3A_370 = arith.constant 0 : i32
    %dma_start3A_371 = tpu.memref_slice %arg9[%dma_start3A_353, %dma_start3A_369, %dma_start3A_370] : memref<4x256x32xf32, #tpu.memory_space<vmem>> -> memref<1x256x32xf32, #tpu.memory_space<vmem>>
    %dma_start3A_372 = tpu.memref_squeeze %dma_start3A_371 : memref<1x256x32xf32, #tpu.memory_space<vmem>> -> memref<256x32xf32, #tpu.memory_space<vmem>>
    tpu.enqueue_dma source(%dma_start3A_372 : memref<256x32xf32, #tpu.memory_space<vmem>>) target(%dma_start3A_368 : memref<256x32xf32, #tpu.memory_space<hbm>>) target_semaphore(%dma_start3A_364 : memref<!tpu.dma_semaphore, #tpu.memory_space<semaphore_mem>>)
    %dma_wait3A_373 = arith.constant 3 : i32
    %dma_wait3A_374 = arith.constant 3 : i32
    %dma_wait3A_375 = arith.constant 0 : i32
    %dma_wait3A_376 = arith.constant 0 : i32
    %dma_wait3A_377 = tpu.memref_slice %arg8[%dma_wait3A_373, %dma_wait3A_375, %dma_wait3A_376] : memref<4x256x64xf32, #tpu.memory_space<vmem>> -> memref<1x256x64xf32, #tpu.memory_space<vmem>>
    %dma_wait3A_378 = tpu.memref_squeeze %dma_wait3A_377 : memref<1x256x64xf32, #tpu.memory_space<vmem>> -> memref<256x64xf32, #tpu.memory_space<vmem>>
    %dma_wait3A_379 = arith.constant 16128 : i32
    %dma_wait3A_380 = tpu.memref_slice %arg7[%dma_wait3A_379] : memref<16384xi32, #tpu.memory_space<vmem>> -> memref<256xi32, #tpu.memory_space<vmem>>
    %dma_wait3A_381 = arith.constant 0 : i32
    %dma_wait3A_382 = arith.constant 0 : i32
    %dma_wait3A_383 = tpu.memref_slice %arg2[%add3A, %dma_wait3A_381, %dma_wait3A_382] : memref<32x8192x64xf32, #tpu.memory_space<hbm>> -> memref<1x8192x64xf32, #tpu.memory_space<hbm>>
    %dma_wait3A_384 = tpu.memref_squeeze %dma_wait3A_383 : memref<1x8192x64xf32, #tpu.memory_space<hbm>> -> memref<8192x64xf32, #tpu.memory_space<hbm>>
    %dma_wait3A_385 = arith.constant 0 : i32
    %dma_wait3A_386 = arith.constant 0 : i32
    %dma_wait3A_387 = tpu.memref_slice %dma_wait3A_384[%dma_wait3A_385, %dma_wait3A_386] : memref<8192x64xf32, #tpu.memory_space<hbm>> -> memref<8192x64xf32, #tpu.memory_space<hbm>>
    %dma_wait3A_388 = tpu.memref_slice %arg10[%dma_wait3A_374] : memref<4x!tpu.dma_semaphore, #tpu.memory_space<semaphore_mem>> -> memref<1x!tpu.dma_semaphore, #tpu.memory_space<semaphore_mem>>
    %dma_wait3A_389 = tpu.memref_squeeze %dma_wait3A_388 : memref<1x!tpu.dma_semaphore, #tpu.memory_space<semaphore_mem>> -> memref<!tpu.dma_semaphore, #tpu.memory_space<semaphore_mem>>
    tpu.wait_indirect_dma semaphore(%dma_wait3A_389 : memref<!tpu.dma_semaphore, #tpu.memory_space<semaphore_mem>>) src(%dma_wait3A_387 : memref<8192x64xf32, #tpu.memory_space<hbm>>) dst(%dma_wait3A_378 : memref<256x64xf32, #tpu.memory_space<vmem>>)
    %dma_wait3A_390 = arith.constant 3 : i32
    %dma_wait3A_391 = arith.constant 3 : i32
    %dma_wait3A_392 = arith.constant 0 : i32
    %dma_wait3A_393 = arith.constant 0 : i32
    %dma_wait3A_394 = tpu.memref_slice %arg9[%dma_wait3A_390, %dma_wait3A_392, %dma_wait3A_393] : memref<4x256x32xf32, #tpu.memory_space<vmem>> -> memref<1x256x32xf32, #tpu.memory_space<vmem>>
    %dma_wait3A_395 = tpu.memref_squeeze %dma_wait3A_394 : memref<1x256x32xf32, #tpu.memory_space<vmem>> -> memref<256x32xf32, #tpu.memory_space<vmem>>
    %dma_wait3A_396 = arith.constant 16128 : i32
    %dma_wait3A_397 = tpu.memref_slice %arg7[%dma_wait3A_396] : memref<16384xi32, #tpu.memory_space<vmem>> -> memref<256xi32, #tpu.memory_space<vmem>>
    %dma_wait3A_398 = arith.constant 0 : i32
    %dma_wait3A_399 = arith.constant 0 : i32
    %dma_wait3A_400 = tpu.memref_slice %arg3[%add3A, %dma_wait3A_398, %dma_wait3A_399] : memref<32x8192x32xf32, #tpu.memory_space<hbm>> -> memref<1x8192x32xf32, #tpu.memory_space<hbm>>
    %dma_wait3A_401 = tpu.memref_squeeze %dma_wait3A_400 : memref<1x8192x32xf32, #tpu.memory_space<hbm>> -> memref<8192x32xf32, #tpu.memory_space<hbm>>
    %dma_wait3A_402 = arith.constant 0 : i32
    %dma_wait3A_403 = arith.constant 0 : i32
    %dma_wait3A_404 = tpu.memref_slice %dma_wait3A_401[%dma_wait3A_402, %dma_wait3A_403] : memref<8192x32xf32, #tpu.memory_space<hbm>> -> memref<8192x32xf32, #tpu.memory_space<hbm>>
    %dma_wait3A_405 = tpu.memref_slice %arg10[%dma_wait3A_391] : memref<4x!tpu.dma_semaphore, #tpu.memory_space<semaphore_mem>> -> memref<1x!tpu.dma_semaphore, #tpu.memory_space<semaphore_mem>>
    %dma_wait3A_406 = tpu.memref_squeeze %dma_wait3A_405 : memref<1x!tpu.dma_semaphore, #tpu.memory_space<semaphore_mem>> -> memref<!tpu.dma_semaphore, #tpu.memory_space<semaphore_mem>>
    tpu.wait_indirect_dma semaphore(%dma_wait3A_406 : memref<!tpu.dma_semaphore, #tpu.memory_space<semaphore_mem>>) src(%dma_wait3A_404 : memref<8192x32xf32, #tpu.memory_space<hbm>>) dst(%dma_wait3A_395 : memref<256x32xf32, #tpu.memory_space<vmem>>)
    %dma_start3A_407 = arith.constant 3 : i32
    %dma_start3A_408 = arith.constant 3 : i32
    %dma_start3A_409 = arith.constant 0 : i32
    %dma_start3A_410 = arith.constant 0 : i32
    %dma_start3A_411 = tpu.memref_slice %arg8[%dma_start3A_407, %dma_start3A_409, %dma_start3A_410] : memref<4x256x64xf32, #tpu.memory_space<vmem>> -> memref<1x256x64xf32, #tpu.memory_space<vmem>>
    %dma_start3A_412 = tpu.memref_squeeze %dma_start3A_411 : memref<1x256x64xf32, #tpu.memory_space<vmem>> -> memref<256x64xf32, #tpu.memory_space<vmem>>
    %dma_start3A_413 = arith.constant 16128 : i32
    %dma_start3A_414 = arith.constant 0 : i32
    %dma_start3A_415 = tpu.memref_slice %arg5[%add3A, %dma_start3A_413, %dma_start3A_414] : memref<32x16384x64xf32, #tpu.memory_space<hbm>> -> memref<1x256x64xf32, #tpu.memory_space<hbm>>
    %dma_start3A_416 = tpu.memref_squeeze %dma_start3A_415 : memref<1x256x64xf32, #tpu.memory_space<hbm>> -> memref<256x64xf32, #tpu.memory_space<hbm>>
    %dma_start3A_417 = tpu.memref_slice %arg11[%dma_start3A_408] : memref<4x!tpu.dma_semaphore, #tpu.memory_space<semaphore_mem>> -> memref<1x!tpu.dma_semaphore, #tpu.memory_space<semaphore_mem>>
    %dma_start3A_418 = tpu.memref_squeeze %dma_start3A_417 : memref<1x!tpu.dma_semaphore, #tpu.memory_space<semaphore_mem>> -> memref<!tpu.dma_semaphore, #tpu.memory_space<semaphore_mem>>
    %dma_start3A_419 = arith.constant 16128 : i32
    %dma_start3A_420 = arith.constant 0 : i32
    %dma_start3A_421 = tpu.memref_slice %arg5[%add3A, %dma_start3A_419, %dma_start3A_420] : memref<32x16384x64xf32, #tpu.memory_space<hbm>> -> memref<1x256x64xf32, #tpu.memory_space<hbm>>
    %dma_start3A_422 = tpu.memref_squeeze %dma_start3A_421 : memref<1x256x64xf32, #tpu.memory_space<hbm>> -> memref<256x64xf32, #tpu.memory_space<hbm>>
    %dma_start3A_423 = arith.constant 0 : i32
    %dma_start3A_424 = arith.constant 0 : i32
    %dma_start3A_425 = tpu.memref_slice %arg8[%dma_start3A_407, %dma_start3A_423, %dma_start3A_424] : memref<4x256x64xf32, #tpu.memory_space<vmem>> -> memref<1x256x64xf32, #tpu.memory_space<vmem>>
    %dma_start3A_426 = tpu.memref_squeeze %dma_start3A_425 : memref<1x256x64xf32, #tpu.memory_space<vmem>> -> memref<256x64xf32, #tpu.memory_space<vmem>>
    tpu.enqueue_dma source(%dma_start3A_426 : memref<256x64xf32, #tpu.memory_space<vmem>>) target(%dma_start3A_422 : memref<256x64xf32, #tpu.memory_space<hbm>>) target_semaphore(%dma_start3A_418 : memref<!tpu.dma_semaphore, #tpu.memory_space<semaphore_mem>>)
    %dma_start3A_427 = arith.constant 3 : i32
    %dma_start3A_428 = arith.constant 3 : i32
    %dma_start3A_429 = arith.constant 0 : i32
    %dma_start3A_430 = arith.constant 0 : i32
    %dma_start3A_431 = tpu.memref_slice %arg9[%dma_start3A_427, %dma_start3A_429, %dma_start3A_430] : memref<4x256x32xf32, #tpu.memory_space<vmem>> -> memref<1x256x32xf32, #tpu.memory_space<vmem>>
    %dma_start3A_432 = tpu.memref_squeeze %dma_start3A_431 : memref<1x256x32xf32, #tpu.memory_space<vmem>> -> memref<256x32xf32, #tpu.memory_space<vmem>>
    %dma_start3A_433 = arith.constant 16128 : i32
    %dma_start3A_434 = arith.constant 0 : i32
    %dma_start3A_435 = tpu.memref_slice %arg6[%add3A, %dma_start3A_433, %dma_start3A_434] : memref<32x16384x32xf32, #tpu.memory_space<hbm>> -> memref<1x256x32xf32, #tpu.memory_space<hbm>>
    %dma_start3A_436 = tpu.memref_squeeze %dma_start3A_435 : memref<1x256x32xf32, #tpu.memory_space<hbm>> -> memref<256x32xf32, #tpu.memory_space<hbm>>
    %dma_start3A_437 = tpu.memref_slice %arg11[%dma_start3A_428] : memref<4x!tpu.dma_semaphore, #tpu.memory_space<semaphore_mem>> -> memref<1x!tpu.dma_semaphore, #tpu.memory_space<semaphore_mem>>
    %dma_start3A_438 = tpu.memref_squeeze %dma_start3A_437 : memref<1x!tpu.dma_semaphore, #tpu.memory_space<semaphore_mem>> -> memref<!tpu.dma_semaphore, #tpu.memory_space<semaphore_mem>>
    %dma_start3A_439 = arith.constant 16128 : i32
    %dma_start3A_440 = arith.constant 0 : i32
    %dma_start3A_441 = tpu.memref_slice %arg6[%add3A, %dma_start3A_439, %dma_start3A_440] : memref<32x16384x32xf32, #tpu.memory_space<hbm>> -> memref<1x256x32xf32, #tpu.memory_space<hbm>>
    %dma_start3A_442 = tpu.memref_squeeze %dma_start3A_441 : memref<1x256x32xf32, #tpu.memory_space<hbm>> -> memref<256x32xf32, #tpu.memory_space<hbm>>
    %dma_start3A_443 = arith.constant 0 : i32
    %dma_start3A_444 = arith.constant 0 : i32
    %dma_start3A_445 = tpu.memref_slice %arg9[%dma_start3A_427, %dma_start3A_443, %dma_start3A_444] : memref<4x256x32xf32, #tpu.memory_space<vmem>> -> memref<1x256x32xf32, #tpu.memory_space<vmem>>
    %dma_start3A_446 = tpu.memref_squeeze %dma_start3A_445 : memref<1x256x32xf32, #tpu.memory_space<vmem>> -> memref<256x32xf32, #tpu.memory_space<vmem>>
    tpu.enqueue_dma source(%dma_start3A_446 : memref<256x32xf32, #tpu.memory_space<vmem>>) target(%dma_start3A_442 : memref<256x32xf32, #tpu.memory_space<hbm>>) target_semaphore(%dma_start3A_438 : memref<!tpu.dma_semaphore, #tpu.memory_space<semaphore_mem>>)
    %dma_wait3A_447 = arith.constant 0 : i32
    %dma_wait3A_448 = arith.constant 0 : i32
    %dma_wait3A_449 = arith.constant 0 : i32
    %dma_wait3A_450 = arith.constant 0 : i32
    %dma_wait3A_451 = tpu.memref_slice %arg8[%dma_wait3A_447, %dma_wait3A_449, %dma_wait3A_450] : memref<4x256x64xf32, #tpu.memory_space<vmem>> -> memref<1x256x64xf32, #tpu.memory_space<vmem>>
    %dma_wait3A_452 = tpu.memref_squeeze %dma_wait3A_451 : memref<1x256x64xf32, #tpu.memory_space<vmem>> -> memref<256x64xf32, #tpu.memory_space<vmem>>
    %dma_wait3A_453 = arith.constant 15360 : i32
    %dma_wait3A_454 = arith.constant 0 : i32
    %dma_wait3A_455 = tpu.memref_slice %arg5[%add3A, %dma_wait3A_453, %dma_wait3A_454] : memref<32x16384x64xf32, #tpu.memory_space<hbm>> -> memref<1x256x64xf32, #tpu.memory_space<hbm>>
    %dma_wait3A_456 = tpu.memref_squeeze %dma_wait3A_455 : memref<1x256x64xf32, #tpu.memory_space<hbm>> -> memref<256x64xf32, #tpu.memory_space<hbm>>
    %dma_wait3A_457 = tpu.memref_slice %arg11[%dma_wait3A_448] : memref<4x!tpu.dma_semaphore, #tpu.memory_space<semaphore_mem>> -> memref<1x!tpu.dma_semaphore, #tpu.memory_space<semaphore_mem>>
    %dma_wait3A_458 = tpu.memref_squeeze %dma_wait3A_457 : memref<1x!tpu.dma_semaphore, #tpu.memory_space<semaphore_mem>> -> memref<!tpu.dma_semaphore, #tpu.memory_space<semaphore_mem>>
    %dma_wait3A_459 = arith.constant 15360 : i32
    %dma_wait3A_460 = arith.constant 0 : i32
    %dma_wait3A_461 = tpu.memref_slice %arg5[%add3A, %dma_wait3A_459, %dma_wait3A_460] : memref<32x16384x64xf32, #tpu.memory_space<hbm>> -> memref<1x256x64xf32, #tpu.memory_space<hbm>>
    %dma_wait3A_462 = tpu.memref_squeeze %dma_wait3A_461 : memref<1x256x64xf32, #tpu.memory_space<hbm>> -> memref<256x64xf32, #tpu.memory_space<hbm>>
    %dma_wait3A_463 = arith.constant 0 : i32
    %dma_wait3A_464 = arith.constant 0 : i32
    %dma_wait3A_465 = tpu.memref_slice %arg8[%dma_wait3A_447, %dma_wait3A_463, %dma_wait3A_464] : memref<4x256x64xf32, #tpu.memory_space<vmem>> -> memref<1x256x64xf32, #tpu.memory_space<vmem>>
    %dma_wait3A_466 = tpu.memref_squeeze %dma_wait3A_465 : memref<1x256x64xf32, #tpu.memory_space<vmem>> -> memref<256x64xf32, #tpu.memory_space<vmem>>
    tpu.wait_dma2 semaphore(%dma_wait3A_458 : memref<!tpu.dma_semaphore, #tpu.memory_space<semaphore_mem>>) src(%dma_wait3A_466 : memref<256x64xf32, #tpu.memory_space<vmem>>) dst(%dma_wait3A_462 : memref<256x64xf32, #tpu.memory_space<hbm>>)
    %dma_wait3A_467 = arith.constant 0 : i32
    %dma_wait3A_468 = arith.constant 0 : i32
    %dma_wait3A_469 = arith.constant 0 : i32
    %dma_wait3A_470 = arith.constant 0 : i32
    %dma_wait3A_471 = tpu.memref_slice %arg9[%dma_wait3A_467, %dma_wait3A_469, %dma_wait3A_470] : memref<4x256x32xf32, #tpu.memory_space<vmem>> -> memref<1x256x32xf32, #tpu.memory_space<vmem>>
    %dma_wait3A_472 = tpu.memref_squeeze %dma_wait3A_471 : memref<1x256x32xf32, #tpu.memory_space<vmem>> -> memref<256x32xf32, #tpu.memory_space<vmem>>
    %dma_wait3A_473 = arith.constant 15360 : i32
    %dma_wait3A_474 = arith.constant 0 : i32
    %dma_wait3A_475 = tpu.memref_slice %arg6[%add3A, %dma_wait3A_473, %dma_wait3A_474] : memref<32x16384x32xf32, #tpu.memory_space<hbm>> -> memref<1x256x32xf32, #tpu.memory_space<hbm>>
    %dma_wait3A_476 = tpu.memref_squeeze %dma_wait3A_475 : memref<1x256x32xf32, #tpu.memory_space<hbm>> -> memref<256x32xf32, #tpu.memory_space<hbm>>
    %dma_wait3A_477 = tpu.memref_slice %arg11[%dma_wait3A_468] : memref<4x!tpu.dma_semaphore, #tpu.memory_space<semaphore_mem>> -> memref<1x!tpu.dma_semaphore, #tpu.memory_space<semaphore_mem>>
    %dma_wait3A_478 = tpu.memref_squeeze %dma_wait3A_477 : memref<1x!tpu.dma_semaphore, #tpu.memory_space<semaphore_mem>> -> memref<!tpu.dma_semaphore, #tpu.memory_space<semaphore_mem>>
    %dma_wait3A_479 = arith.constant 15360 : i32
    %dma_wait3A_480 = arith.constant 0 : i32
    %dma_wait3A_481 = tpu.memref_slice %arg6[%add3A, %dma_wait3A_479, %dma_wait3A_480] : memref<32x16384x32xf32, #tpu.memory_space<hbm>> -> memref<1x256x32xf32, #tpu.memory_space<hbm>>
    %dma_wait3A_482 = tpu.memref_squeeze %dma_wait3A_481 : memref<1x256x32xf32, #tpu.memory_space<hbm>> -> memref<256x32xf32, #tpu.memory_space<hbm>>
    %dma_wait3A_483 = arith.constant 0 : i32
    %dma_wait3A_484 = arith.constant 0 : i32
    %dma_wait3A_485 = tpu.memref_slice %arg9[%dma_wait3A_467, %dma_wait3A_483, %dma_wait3A_484] : memref<4x256x32xf32, #tpu.memory_space<vmem>> -> memref<1x256x32xf32, #tpu.memory_space<vmem>>
    %dma_wait3A_486 = tpu.memref_squeeze %dma_wait3A_485 : memref<1x256x32xf32, #tpu.memory_space<vmem>> -> memref<256x32xf32, #tpu.memory_space<vmem>>
    tpu.wait_dma2 semaphore(%dma_wait3A_478 : memref<!tpu.dma_semaphore, #tpu.memory_space<semaphore_mem>>) src(%dma_wait3A_486 : memref<256x32xf32, #tpu.memory_space<vmem>>) dst(%dma_wait3A_482 : memref<256x32xf32, #tpu.memory_space<hbm>>)
    %dma_wait3A_487 = arith.constant 1 : i32
    %dma_wait3A_488 = arith.constant 1 : i32
    %dma_wait3A_489 = arith.constant 0 : i32
    %dma_wait3A_490 = arith.constant 0 : i32
    %dma_wait3A_491 = tpu.memref_slice %arg8[%dma_wait3A_487, %dma_wait3A_489, %dma_wait3A_490] : memref<4x256x64xf32, #tpu.memory_space<vmem>> -> memref<1x256x64xf32, #tpu.memory_space<vmem>>
    %dma_wait3A_492 = tpu.memref_squeeze %dma_wait3A_491 : memref<1x256x64xf32, #tpu.memory_space<vmem>> -> memref<256x64xf32, #tpu.memory_space<vmem>>
    %dma_wait3A_493 = arith.constant 15616 : i32
    %dma_wait3A_494 = arith.constant 0 : i32
    %dma_wait3A_495 = tpu.memref_slice %arg5[%add3A, %dma_wait3A_493, %dma_wait3A_494] : memref<32x16384x64xf32, #tpu.memory_space<hbm>> -> memref<1x256x64xf32, #tpu.memory_space<hbm>>
    %dma_wait3A_496 = tpu.memref_squeeze %dma_wait3A_495 : memref<1x256x64xf32, #tpu.memory_space<hbm>> -> memref<256x64xf32, #tpu.memory_space<hbm>>
    %dma_wait3A_497 = tpu.memref_slice %arg11[%dma_wait3A_488] : memref<4x!tpu.dma_semaphore, #tpu.memory_space<semaphore_mem>> -> memref<1x!tpu.dma_semaphore, #tpu.memory_space<semaphore_mem>>
    %dma_wait3A_498 = tpu.memref_squeeze %dma_wait3A_497 : memref<1x!tpu.dma_semaphore, #tpu.memory_space<semaphore_mem>> -> memref<!tpu.dma_semaphore, #tpu.memory_space<semaphore_mem>>
    %dma_wait3A_499 = arith.constant 15616 : i32
    %dma_wait3A_500 = arith.constant 0 : i32
    %dma_wait3A_501 = tpu.memref_slice %arg5[%add3A, %dma_wait3A_499, %dma_wait3A_500] : memref<32x16384x64xf32, #tpu.memory_space<hbm>> -> memref<1x256x64xf32, #tpu.memory_space<hbm>>
    %dma_wait3A_502 = tpu.memref_squeeze %dma_wait3A_501 : memref<1x256x64xf32, #tpu.memory_space<hbm>> -> memref<256x64xf32, #tpu.memory_space<hbm>>
    %dma_wait3A_503 = arith.constant 0 : i32
    %dma_wait3A_504 = arith.constant 0 : i32
    %dma_wait3A_505 = tpu.memref_slice %arg8[%dma_wait3A_487, %dma_wait3A_503, %dma_wait3A_504] : memref<4x256x64xf32, #tpu.memory_space<vmem>> -> memref<1x256x64xf32, #tpu.memory_space<vmem>>
    %dma_wait3A_506 = tpu.memref_squeeze %dma_wait3A_505 : memref<1x256x64xf32, #tpu.memory_space<vmem>> -> memref<256x64xf32, #tpu.memory_space<vmem>>
    tpu.wait_dma2 semaphore(%dma_wait3A_498 : memref<!tpu.dma_semaphore, #tpu.memory_space<semaphore_mem>>) src(%dma_wait3A_506 : memref<256x64xf32, #tpu.memory_space<vmem>>) dst(%dma_wait3A_502 : memref<256x64xf32, #tpu.memory_space<hbm>>)
    %dma_wait3A_507 = arith.constant 1 : i32
    %dma_wait3A_508 = arith.constant 1 : i32
    %dma_wait3A_509 = arith.constant 0 : i32
    %dma_wait3A_510 = arith.constant 0 : i32
    %dma_wait3A_511 = tpu.memref_slice %arg9[%dma_wait3A_507, %dma_wait3A_509, %dma_wait3A_510] : memref<4x256x32xf32, #tpu.memory_space<vmem>> -> memref<1x256x32xf32, #tpu.memory_space<vmem>>
    %dma_wait3A_512 = tpu.memref_squeeze %dma_wait3A_511 : memref<1x256x32xf32, #tpu.memory_space<vmem>> -> memref<256x32xf32, #tpu.memory_space<vmem>>
    %dma_wait3A_513 = arith.constant 15616 : i32
    %dma_wait3A_514 = arith.constant 0 : i32
    %dma_wait3A_515 = tpu.memref_slice %arg6[%add3A, %dma_wait3A_513, %dma_wait3A_514] : memref<32x16384x32xf32, #tpu.memory_space<hbm>> -> memref<1x256x32xf32, #tpu.memory_space<hbm>>
    %dma_wait3A_516 = tpu.memref_squeeze %dma_wait3A_515 : memref<1x256x32xf32, #tpu.memory_space<hbm>> -> memref<256x32xf32, #tpu.memory_space<hbm>>
    %dma_wait3A_517 = tpu.memref_slice %arg11[%dma_wait3A_508] : memref<4x!tpu.dma_semaphore, #tpu.memory_space<semaphore_mem>> -> memref<1x!tpu.dma_semaphore, #tpu.memory_space<semaphore_mem>>
    %dma_wait3A_518 = tpu.memref_squeeze %dma_wait3A_517 : memref<1x!tpu.dma_semaphore, #tpu.memory_space<semaphore_mem>> -> memref<!tpu.dma_semaphore, #tpu.memory_space<semaphore_mem>>
    %dma_wait3A_519 = arith.constant 15616 : i32
    %dma_wait3A_520 = arith.constant 0 : i32
    %dma_wait3A_521 = tpu.memref_slice %arg6[%add3A, %dma_wait3A_519, %dma_wait3A_520] : memref<32x16384x32xf32, #tpu.memory_space<hbm>> -> memref<1x256x32xf32, #tpu.memory_space<hbm>>
    %dma_wait3A_522 = tpu.memref_squeeze %dma_wait3A_521 : memref<1x256x32xf32, #tpu.memory_space<hbm>> -> memref<256x32xf32, #tpu.memory_space<hbm>>
    %dma_wait3A_523 = arith.constant 0 : i32
    %dma_wait3A_524 = arith.constant 0 : i32
    %dma_wait3A_525 = tpu.memref_slice %arg9[%dma_wait3A_507, %dma_wait3A_523, %dma_wait3A_524] : memref<4x256x32xf32, #tpu.memory_space<vmem>> -> memref<1x256x32xf32, #tpu.memory_space<vmem>>
    %dma_wait3A_526 = tpu.memref_squeeze %dma_wait3A_525 : memref<1x256x32xf32, #tpu.memory_space<vmem>> -> memref<256x32xf32, #tpu.memory_space<vmem>>
    tpu.wait_dma2 semaphore(%dma_wait3A_518 : memref<!tpu.dma_semaphore, #tpu.memory_space<semaphore_mem>>) src(%dma_wait3A_526 : memref<256x32xf32, #tpu.memory_space<vmem>>) dst(%dma_wait3A_522 : memref<256x32xf32, #tpu.memory_space<hbm>>)
    %dma_wait3A_527 = arith.constant 2 : i32
    %dma_wait3A_528 = arith.constant 2 : i32
    %dma_wait3A_529 = arith.constant 0 : i32
    %dma_wait3A_530 = arith.constant 0 : i32
    %dma_wait3A_531 = tpu.memref_slice %arg8[%dma_wait3A_527, %dma_wait3A_529, %dma_wait3A_530] : memref<4x256x64xf32, #tpu.memory_space<vmem>> -> memref<1x256x64xf32, #tpu.memory_space<vmem>>
    %dma_wait3A_532 = tpu.memref_squeeze %dma_wait3A_531 : memref<1x256x64xf32, #tpu.memory_space<vmem>> -> memref<256x64xf32, #tpu.memory_space<vmem>>
    %dma_wait3A_533 = arith.constant 15872 : i32
    %dma_wait3A_534 = arith.constant 0 : i32
    %dma_wait3A_535 = tpu.memref_slice %arg5[%add3A, %dma_wait3A_533, %dma_wait3A_534] : memref<32x16384x64xf32, #tpu.memory_space<hbm>> -> memref<1x256x64xf32, #tpu.memory_space<hbm>>
    %dma_wait3A_536 = tpu.memref_squeeze %dma_wait3A_535 : memref<1x256x64xf32, #tpu.memory_space<hbm>> -> memref<256x64xf32, #tpu.memory_space<hbm>>
    %dma_wait3A_537 = tpu.memref_slice %arg11[%dma_wait3A_528] : memref<4x!tpu.dma_semaphore, #tpu.memory_space<semaphore_mem>> -> memref<1x!tpu.dma_semaphore, #tpu.memory_space<semaphore_mem>>
    %dma_wait3A_538 = tpu.memref_squeeze %dma_wait3A_537 : memref<1x!tpu.dma_semaphore, #tpu.memory_space<semaphore_mem>> -> memref<!tpu.dma_semaphore, #tpu.memory_space<semaphore_mem>>
    %dma_wait3A_539 = arith.constant 15872 : i32
    %dma_wait3A_540 = arith.constant 0 : i32
    %dma_wait3A_541 = tpu.memref_slice %arg5[%add3A, %dma_wait3A_539, %dma_wait3A_540] : memref<32x16384x64xf32, #tpu.memory_space<hbm>> -> memref<1x256x64xf32, #tpu.memory_space<hbm>>
    %dma_wait3A_542 = tpu.memref_squeeze %dma_wait3A_541 : memref<1x256x64xf32, #tpu.memory_space<hbm>> -> memref<256x64xf32, #tpu.memory_space<hbm>>
    %dma_wait3A_543 = arith.constant 0 : i32
    %dma_wait3A_544 = arith.constant 0 : i32
    %dma_wait3A_545 = tpu.memref_slice %arg8[%dma_wait3A_527, %dma_wait3A_543, %dma_wait3A_544] : memref<4x256x64xf32, #tpu.memory_space<vmem>> -> memref<1x256x64xf32, #tpu.memory_space<vmem>>
    %dma_wait3A_546 = tpu.memref_squeeze %dma_wait3A_545 : memref<1x256x64xf32, #tpu.memory_space<vmem>> -> memref<256x64xf32, #tpu.memory_space<vmem>>
    tpu.wait_dma2 semaphore(%dma_wait3A_538 : memref<!tpu.dma_semaphore, #tpu.memory_space<semaphore_mem>>) src(%dma_wait3A_546 : memref<256x64xf32, #tpu.memory_space<vmem>>) dst(%dma_wait3A_542 : memref<256x64xf32, #tpu.memory_space<hbm>>)
    %dma_wait3A_547 = arith.constant 2 : i32
    %dma_wait3A_548 = arith.constant 2 : i32
    %dma_wait3A_549 = arith.constant 0 : i32
    %dma_wait3A_550 = arith.constant 0 : i32
    %dma_wait3A_551 = tpu.memref_slice %arg9[%dma_wait3A_547, %dma_wait3A_549, %dma_wait3A_550] : memref<4x256x32xf32, #tpu.memory_space<vmem>> -> memref<1x256x32xf32, #tpu.memory_space<vmem>>
    %dma_wait3A_552 = tpu.memref_squeeze %dma_wait3A_551 : memref<1x256x32xf32, #tpu.memory_space<vmem>> -> memref<256x32xf32, #tpu.memory_space<vmem>>
    %dma_wait3A_553 = arith.constant 15872 : i32
    %dma_wait3A_554 = arith.constant 0 : i32
    %dma_wait3A_555 = tpu.memref_slice %arg6[%add3A, %dma_wait3A_553, %dma_wait3A_554] : memref<32x16384x32xf32, #tpu.memory_space<hbm>> -> memref<1x256x32xf32, #tpu.memory_space<hbm>>
    %dma_wait3A_556 = tpu.memref_squeeze %dma_wait3A_555 : memref<1x256x32xf32, #tpu.memory_space<hbm>> -> memref<256x32xf32, #tpu.memory_space<hbm>>
    %dma_wait3A_557 = tpu.memref_slice %arg11[%dma_wait3A_548] : memref<4x!tpu.dma_semaphore, #tpu.memory_space<semaphore_mem>> -> memref<1x!tpu.dma_semaphore, #tpu.memory_space<semaphore_mem>>
    %dma_wait3A_558 = tpu.memref_squeeze %dma_wait3A_557 : memref<1x!tpu.dma_semaphore, #tpu.memory_space<semaphore_mem>> -> memref<!tpu.dma_semaphore, #tpu.memory_space<semaphore_mem>>
    %dma_wait3A_559 = arith.constant 15872 : i32
    %dma_wait3A_560 = arith.constant 0 : i32
    %dma_wait3A_561 = tpu.memref_slice %arg6[%add3A, %dma_wait3A_559, %dma_wait3A_560] : memref<32x16384x32xf32, #tpu.memory_space<hbm>> -> memref<1x256x32xf32, #tpu.memory_space<hbm>>
    %dma_wait3A_562 = tpu.memref_squeeze %dma_wait3A_561 : memref<1x256x32xf32, #tpu.memory_space<hbm>> -> memref<256x32xf32, #tpu.memory_space<hbm>>
    %dma_wait3A_563 = arith.constant 0 : i32
    %dma_wait3A_564 = arith.constant 0 : i32
    %dma_wait3A_565 = tpu.memref_slice %arg9[%dma_wait3A_547, %dma_wait3A_563, %dma_wait3A_564] : memref<4x256x32xf32, #tpu.memory_space<vmem>> -> memref<1x256x32xf32, #tpu.memory_space<vmem>>
    %dma_wait3A_566 = tpu.memref_squeeze %dma_wait3A_565 : memref<1x256x32xf32, #tpu.memory_space<vmem>> -> memref<256x32xf32, #tpu.memory_space<vmem>>
    tpu.wait_dma2 semaphore(%dma_wait3A_558 : memref<!tpu.dma_semaphore, #tpu.memory_space<semaphore_mem>>) src(%dma_wait3A_566 : memref<256x32xf32, #tpu.memory_space<vmem>>) dst(%dma_wait3A_562 : memref<256x32xf32, #tpu.memory_space<hbm>>)
    %dma_wait3A_567 = arith.constant 3 : i32
    %dma_wait3A_568 = arith.constant 3 : i32
    %dma_wait3A_569 = arith.constant 0 : i32
    %dma_wait3A_570 = arith.constant 0 : i32
    %dma_wait3A_571 = tpu.memref_slice %arg8[%dma_wait3A_567, %dma_wait3A_569, %dma_wait3A_570] : memref<4x256x64xf32, #tpu.memory_space<vmem>> -> memref<1x256x64xf32, #tpu.memory_space<vmem>>
    %dma_wait3A_572 = tpu.memref_squeeze %dma_wait3A_571 : memref<1x256x64xf32, #tpu.memory_space<vmem>> -> memref<256x64xf32, #tpu.memory_space<vmem>>
    %dma_wait3A_573 = arith.constant 16128 : i32
    %dma_wait3A_574 = arith.constant 0 : i32
    %dma_wait3A_575 = tpu.memref_slice %arg5[%add3A, %dma_wait3A_573, %dma_wait3A_574] : memref<32x16384x64xf32, #tpu.memory_space<hbm>> -> memref<1x256x64xf32, #tpu.memory_space<hbm>>
    %dma_wait3A_576 = tpu.memref_squeeze %dma_wait3A_575 : memref<1x256x64xf32, #tpu.memory_space<hbm>> -> memref<256x64xf32, #tpu.memory_space<hbm>>
    %dma_wait3A_577 = tpu.memref_slice %arg11[%dma_wait3A_568] : memref<4x!tpu.dma_semaphore, #tpu.memory_space<semaphore_mem>> -> memref<1x!tpu.dma_semaphore, #tpu.memory_space<semaphore_mem>>
    %dma_wait3A_578 = tpu.memref_squeeze %dma_wait3A_577 : memref<1x!tpu.dma_semaphore, #tpu.memory_space<semaphore_mem>> -> memref<!tpu.dma_semaphore, #tpu.memory_space<semaphore_mem>>
    %dma_wait3A_579 = arith.constant 16128 : i32
    %dma_wait3A_580 = arith.constant 0 : i32
    %dma_wait3A_581 = tpu.memref_slice %arg5[%add3A, %dma_wait3A_579, %dma_wait3A_580] : memref<32x16384x64xf32, #tpu.memory_space<hbm>> -> memref<1x256x64xf32, #tpu.memory_space<hbm>>
    %dma_wait3A_582 = tpu.memref_squeeze %dma_wait3A_581 : memref<1x256x64xf32, #tpu.memory_space<hbm>> -> memref<256x64xf32, #tpu.memory_space<hbm>>
    %dma_wait3A_583 = arith.constant 0 : i32
    %dma_wait3A_584 = arith.constant 0 : i32
    %dma_wait3A_585 = tpu.memref_slice %arg8[%dma_wait3A_567, %dma_wait3A_583, %dma_wait3A_584] : memref<4x256x64xf32, #tpu.memory_space<vmem>> -> memref<1x256x64xf32, #tpu.memory_space<vmem>>
    %dma_wait3A_586 = tpu.memref_squeeze %dma_wait3A_585 : memref<1x256x64xf32, #tpu.memory_space<vmem>> -> memref<256x64xf32, #tpu.memory_space<vmem>>
    tpu.wait_dma2 semaphore(%dma_wait3A_578 : memref<!tpu.dma_semaphore, #tpu.memory_space<semaphore_mem>>) src(%dma_wait3A_586 : memref<256x64xf32, #tpu.memory_space<vmem>>) dst(%dma_wait3A_582 : memref<256x64xf32, #tpu.memory_space<hbm>>)
    %dma_wait3A_587 = arith.constant 3 : i32
    %dma_wait3A_588 = arith.constant 3 : i32
    %dma_wait3A_589 = arith.constant 0 : i32
    %dma_wait3A_590 = arith.constant 0 : i32
    %dma_wait3A_591 = tpu.memref_slice %arg9[%dma_wait3A_587, %dma_wait3A_589, %dma_wait3A_590] : memref<4x256x32xf32, #tpu.memory_space<vmem>> -> memref<1x256x32xf32, #tpu.memory_space<vmem>>
    %dma_wait3A_592 = tpu.memref_squeeze %dma_wait3A_591 : memref<1x256x32xf32, #tpu.memory_space<vmem>> -> memref<256x32xf32, #tpu.memory_space<vmem>>
    %dma_wait3A_593 = arith.constant 16128 : i32
    %dma_wait3A_594 = arith.constant 0 : i32
    %dma_wait3A_595 = tpu.memref_slice %arg6[%add3A, %dma_wait3A_593, %dma_wait3A_594] : memref<32x16384x32xf32, #tpu.memory_space<hbm>> -> memref<1x256x32xf32, #tpu.memory_space<hbm>>
    %dma_wait3A_596 = tpu.memref_squeeze %dma_wait3A_595 : memref<1x256x32xf32, #tpu.memory_space<hbm>> -> memref<256x32xf32, #tpu.memory_space<hbm>>
    %dma_wait3A_597 = tpu.memref_slice %arg11[%dma_wait3A_588] : memref<4x!tpu.dma_semaphore, #tpu.memory_space<semaphore_mem>> -> memref<1x!tpu.dma_semaphore, #tpu.memory_space<semaphore_mem>>
    %dma_wait3A_598 = tpu.memref_squeeze %dma_wait3A_597 : memref<1x!tpu.dma_semaphore, #tpu.memory_space<semaphore_mem>> -> memref<!tpu.dma_semaphore, #tpu.memory_space<semaphore_mem>>
    %dma_wait3A_599 = arith.constant 16128 : i32
    %dma_wait3A_600 = arith.constant 0 : i32
    %dma_wait3A_601 = tpu.memref_slice %arg6[%add3A, %dma_wait3A_599, %dma_wait3A_600] : memref<32x16384x32xf32, #tpu.memory_space<hbm>> -> memref<1x256x32xf32, #tpu.memory_space<hbm>>
    %dma_wait3A_602 = tpu.memref_squeeze %dma_wait3A_601 : memref<1x256x32xf32, #tpu.memory_space<hbm>> -> memref<256x32xf32, #tpu.memory_space<hbm>>
    %dma_wait3A_603 = arith.constant 0 : i32
    %dma_wait3A_604 = arith.constant 0 : i32
    %dma_wait3A_605 = tpu.memref_slice %arg9[%dma_wait3A_587, %dma_wait3A_603, %dma_wait3A_604] : memref<4x256x32xf32, #tpu.memory_space<vmem>> -> memref<1x256x32xf32, #tpu.memory_space<vmem>>
    %dma_wait3A_606 = tpu.memref_squeeze %dma_wait3A_605 : memref<1x256x32xf32, #tpu.memory_space<vmem>> -> memref<256x32xf32, #tpu.memory_space<vmem>>
    tpu.wait_dma2 semaphore(%dma_wait3A_598 : memref<!tpu.dma_semaphore, #tpu.memory_space<semaphore_mem>>) src(%dma_wait3A_606 : memref<256x32xf32, #tpu.memory_space<vmem>>) dst(%dma_wait3A_602 : memref<256x32xf32, #tpu.memory_space<hbm>>)
    return
  }
}

</mosaic_0001>

<sc_bundles>
// kernel: kernel.3.cloned.1.call-start
scs
__scs_entry_jumppad:
0x0: {  	(pc) =	sbr.rel $0x88, $3  }
0x1: {  	(tag) =	ssettag $0x0;
	lr =	simm.s32 $0x1  }
0x2: {  	[smem:$0x3F9E] =	sst lr;
	_ =	strace $0xD0000000  }
0x3: {  	_ = 	snop  }
0x4: {  	_ = 	snop  }
0x5: {  	_ = 	snop  }
0x6: {  	_ = 	snop  }
0x7: {  	_ = 	snop  }
__scs_overlays_trampoline_lowered:
0x8: {  	[smem:$0x3FAD] =	sst s0  }
0x9: {  	[smem:$0x3FAE] =	sst s1  }
0xa: {  	[smem:$0x3FAF] =	sst s2  }
0xb: {  	[smem:$0x3FB0] =	sst s3  }
0xc: {  	[smem:$0x3FB1] =	sst s4  }
0xd: {  	[smem:$0x3FB2] =	sst s5  }
0xe: {  	[smem:$0x3FB3] =	sst s6  }
0xf: {  	[smem:$0x3FB4] =	sst s7  }
0x10: {  	[smem:$0x3FB5] =	sst s8  }
0x11: {  	[smem:$0x3FB6] =	sst s9;
	s0 =	simm.s32 @!p0 $0x0  }
0x12: {  	s1 =	sld [smem:$0x3F9C];
	s0 =	simm.s32 @p0 $0x1  }
0x13: {  	[smem:$0x3FB7] =	sst s0;
	s0 =	simm.s32 @!p1 $0x0  }
0x14: {  	s2 =	sld [smem:$0x3F9B];
	s0 =	simm.s32 @p1 $0x1  }
0x15: {  	[smem:$0x3FB8] =	sst s0;
	s0 =	simm.s32 @!p2 $0x0  }
0x16: {  	s3 =	sld [smem:$0x3FDB];
	s0 =	simm.s32 @p2 $0x1  }
0x17: {  	s4 =	simm.s32 $0x1BF5;
	[smem:$0x3FBA] =	sst s0  }
0x18: {  	s0 =	sld [smem:$0x3F9D];
	_ =	swait.ge [sflag:s4], $0x0  }
0x19: {  	s7 =	sld [smem:$0x3F9E]  }
0x1a: {  	s8 =	sadd.s32 $0xFFFFE003, lr  }
0x1b: {  	s9 =	sadd.s32 $0xFFFFFEF7, lr;
	s5 =	simm.s32 $0xFFFFFFFF;
	p2 =	slt.u32 s8, $0xFFFFF086  }
0x1c: {  	p1 =	slt.u32 s9, $0xF7A;
	s5 =	simm.s32 @!p2 $0x0  }
0x1d: {  	s5 =	simm.s32 @p1 $0x1;
	p0 =	seq.s32 s7, s2  }
0x1e: {  	s7 =	smul.u32 @!p0 $0xF7A, s2;
	p2 =	seq.s32 @!p0 s5, $0x0  }
0x1f: {  	s9 =	smul.u32 $0xF7A, s1;
	s8 =	simm.s32 @!p0 $0x1BF5;
	p2 =	por !p2, p0  }
0x20: {  	[sflag:s8] =	ssyncset.s32 @!p0 $0xFFFFF086;
	s6 =	sadd.s32 @!p0 s3, s7;
	s7 =	simm.s32 @!p0 $0x108  }
0x21: {  	s3 =	sadd.s32 s3, s9;
	s6 =	sadd.s32 @!p0 $0x88, s6;
	s7 =	simm.s32 @p2 $0x1082  }
0x22: {  	[simem:s7], [sflag:s8] =	dma.local @!p0 [hbm:s6], $0xF7A  }
0x23: {  	s9 =	sor.u32 $0xD0000000, s2;
	s6 =	simm.s32 $0x108;
	_ =	swait.ge @!p0 [sflag:s8], $0x0  }
0x24: {  	s3 =	sadd.s32 $0x88, s3;
	s6 =	simm.s32 @!p1 $0x1082;
	[sflag:s4] =	ssyncset.s32 $0xFFFFF086  }
0x25: {  	[simem:s6], [sflag:s4] =	dma.local [hbm:s3], $0xF7A  }
0x26: {  	[smem:$0x3F9E] =	sst s1;
	(tag) =	ssettag s2;
	_ =	strace s9  }
0x27: {  	s1 =	sld [smem:$0x3FAE]  }
0x28: {  	s2 =	sld [smem:$0x3FAF]  }
0x29: {  	s4 =	sld [smem:$0x3FB1]  }
0x2a: {  	p0 =	seq.s32 s5, $0x0;
	s5 =	sld [smem:$0x3FB2]  }
0x2b: {  	s6 =	sld [smem:$0x3FB3]  }
0x2c: {  	s7 =	sld [smem:$0x3FB4]  }
0x2d: {  	s3 =	simm.s32 $0x108;
	s8 =	sld [smem:$0x3FB5]  }
0x2e: {  	s3 =	simm.s32 @!p0 $0x1082;
	s9 =	sld [smem:$0x3FB6]  }
0x2f: {  	lr =	sadd.s32 s0, s3;
	s0 =	sld [smem:$0x3FAD]  }
0x30: {  	s3 =	sld [smem:$0x3FB0]  }
0x31: {  	[smem:$0x3FB9] =	sst s10  }
0x32: {  	s10 =	sld [smem:$0x3FB7];
	_ =	sdelay $0x3  }
0x33: {  	p0 =	seq.s32 s10, $0x1;
	s10 =	sld [smem:$0x3FB9];
	_ =	sdelay $0x3  }
0x34: {  	[smem:$0x3FB9] =	sst s10  }
0x35: {  	s10 =	sld [smem:$0x3FB8];
	_ =	sdelay $0x3  }
0x36: {  	p1 =	seq.s32 s10, $0x1;
	s10 =	sld [smem:$0x3FB9];
	_ =	sdelay $0x3  }
0x37: {  	[smem:$0x3FB9] =	sst s10  }
0x38: {  	s10 =	sld [smem:$0x3FBA]  }
0x39: {  	_ = 	snop;
	(pc) =	sbr.ind lr, $3  }
0x3a: {  	_ = 	snop  }
0x3b: {  	_ = 	snop  }
0x3c: {  	p2 =	seq.s32 s10, $0x1;
	s10 =	sld [smem:$0x3FB9]  }
0x3d: {  	_ =	shalt  }
0x3e: {  	_ =	shalt  }
0x3f: {  	_ =	shalt  }
0x40: {  	_ =	shalt  }
0x41: {  	_ =	shalt  }
0x42: {  	_ =	shalt  }
0x43: {  	_ =	shalt  }
0x44: {  	_ =	shalt  }
0x45: {  	_ =	shalt  }
0x46: {  	_ =	shalt  }
0x47: {  	_ =	shalt  }
0x48: {  	_ =	shalt  }
0x49: {  	_ =	shalt  }
0x4a: {  	_ =	shalt  }
0x4b: {  	_ =	shalt  }
0x4c: {  	_ =	shalt  }
0x4d: {  	_ =	shalt  }
0x4e: {  	_ =	shalt  }
0x4f: {  	_ =	shalt  }
0x50: {  	_ =	shalt  }
0x51: {  	_ =	shalt  }
0x52: {  	_ =	shalt  }
0x53: {  	_ =	shalt  }
0x54: {  	_ =	shalt  }
0x55: {  	_ =	shalt  }
0x56: {  	_ =	shalt  }
0x57: {  	_ =	shalt  }
0x58: {  	_ =	shalt  }
0x59: {  	_ =	shalt  }
0x5a: {  	_ =	shalt  }
0x5b: {  	_ =	shalt  }
0x5c: {  	_ =	shalt  }
0x5d: {  	_ =	shalt  }
0x5e: {  	_ =	shalt  }
0x5f: {  	_ =	shalt  }
0x60: {  	_ =	shalt  }
0x61: {  	_ =	shalt  }
0x62: {  	_ =	shalt  }
0x63: {  	_ =	shalt  }
0x64: {  	_ =	shalt  }
0x65: {  	_ =	shalt  }
0x66: {  	_ =	shalt  }
0x67: {  	_ =	shalt  }
0x68: {  	_ =	shalt  }
0x69: {  	_ =	shalt  }
0x6a: {  	_ =	shalt  }
0x6b: {  	_ =	shalt  }
0x6c: {  	_ =	shalt  }
0x6d: {  	_ =	shalt  }
0x6e: {  	_ =	shalt  }
0x6f: {  	_ =	shalt  }
0x70: {  	_ =	shalt  }
0x71: {  	_ =	shalt  }
0x72: {  	_ =	shalt  }
0x73: {  	_ =	shalt  }
0x74: {  	_ =	shalt  }
0x75: {  	_ =	shalt  }
0x76: {  	_ =	shalt  }
0x77: {  	_ =	shalt  }
0x78: {  	_ =	shalt  }
0x79: {  	_ =	shalt  }
0x7a: {  	_ =	shalt  }
0x7b: {  	_ =	shalt  }
0x7c: {  	_ =	shalt  }
0x7d: {  	_ =	shalt  }
0x7e: {  	_ =	shalt  }
0x7f: {  	_ =	shalt  }
0x80: {  	_ =	shalt  }
0x81: {  	_ =	shalt  }
0x82: {  	_ =	shalt  }
0x83: {  	_ =	shalt  }
0x84: {  	_ =	shalt  }
0x85: {  	_ =	shalt  }
0x86: {  	_ =	shalt  }
0x87: {  	_ =	shalt  }
.Lfunc_end0:
.L_simem_size_0:
called_computation.2_lowered:
.L_overlay_start_0:
0x88: {  	s2 =	sld [smem:$0x3FD9]  }
0x89: {  	s3 =	sld [smem:$0x3FFE];
	_ =	sdelay $0x1  }
0x8a: {  	s1 =	srdreg.scid  }
0x8b: {  	s0 =	sand.u32 $0x1, s1  }
0x8c: {  	s14 =	sshll.u32 s0, $0xA;
	s2 =	sadd.s32 s3, s2  }
0x8d: {  	s2 =	sadd.s32 s2, s14  }
0x8e: {  	[smem:$0x3FC5] =	sst s2  }
0x8f: {  	_ = 	snop  }
0x90: {  	s2 =	sld [smem:$0x3FD0];
	_ =	sdelay $0x2  }
0x91: {  	s15 =	simm.s32 $0xB;
	s4 =	simm.s32 $0x10  }
0x92: {  	[smem:s4], [sflag:s15] =	dma.local [hbm:s2], $0x1  }
0x93: {  	_ =	swait.eq [sflag:s15], $0x1  }
0x94: {  	[sflag:s15] =	ssyncset.done $0x0  }
0x95: {  	s16 =	sld [smem:$0x10];
	[sflag:s15] =	ssyncadd.s32 $0xFFFFFFFF  }
0x96: {  	s17 =	sld [smem:$0x11];
	(tm) =	ssettm $0x1  }
0x97: {  	s18 =	sld [smem:$0x3FFB];
	_ =	sdelay $0x3  }
0x98: {  	_ =	strace s18  }
0x99: {  	s4 =	sld [smem:$0x3FFC];
	_ =	sdelay $0x3  }
0x9a: {  	_ =	strace s4  }
0x9b: {  	s4 =	sld [smem:$0x3FFD];
	_ =	sdelay $0x3  }
0x9c: {  	_ =	strace s4  }
0x9d: {  	_ =	strace $0x8FFFFFFF  }
0x9e: {  	s19 =	sld [smem:$0x3FDB];
	_ =	sdelay $0x1  }
0x9f: {  	s5 =	simm.s32 $_scs_section_size  }
0xa0: {  	s6 =	simm.s32 $_size__tile_overlayer_lowered;
	s7 =	simm.s32 $_tile_overlayer_lowered  }
0xa1: {  	s22 =	simm.s32 $0x1BFF;
	s21 =	sshll.u32 s7, $0x1;
	s4 =	sadd.s32 s5, s19  }
0xa2: {  	s8 =	simm.s32 $0x0;
	s20 =	sshll.u32 s6, $0x1;
	s6 =	sadd.s32 s21, s4  }
0xa3: {  	[timem:s8], [sflag:s22] =	dma.local [hbm:s6], s20  }
0xa4: {  	_ =	swait.ge [sflag:s22], s20  }
0xa5: {  	s5 =	ssub.s32 $0x0, s20;
	[sflag:s22] =	ssyncset.done $0x0  }
0xa6: {  	[sflag:s22] =	ssyncadd.s32 s5;
	_ =	sdelay $0x1  }
0xa7: {  	s23 =	simm.s32 $0x1B8B  }
0xa8: {  	_ =	swait.ge [sflag:s23], $0x1  }
0xa9: {  	[sflag:s23] =	ssyncset.done $0x0  }
0xaa: {  	s25 =	simm.s32 $0x1B8E;
	s24 =	sld [smem:$0x3FFE];
	[sflag:s23] =	ssyncadd.s32 $0xFFFFFFFF  }
0xab: {  	s26 =	simm.s32 $execute0_lowered;
	[smem:$0x3FD2] =	sst s25  }
0xac: {  	s6 =	sshll.u32 s26, $0x1;
	_ =	strace $0x80000046;
	[dreg:$0x1] =	wrdreg $0xFFFFFFFF  }
0xad: {  	s28 =	simm.s32 $_size_execute0_lowered;
	s4 =	sadd.s32 s4, s6;
	[dreg:$0x0] =	wrdreg $0x0  }
0xae: {  	s6 =	sshll.u32 s28, $0x1;
	[dreg:$0x2] =	wrdreg s4  }
0xaf: {  	[dreg:$0x3] =	wrdreg s6  }
0xb0: {  	[dreg:$0x4] =	wrdreg $0xC0  }
0xb1: {  	_ =	task [dreg:s8], $0x5FFFF  }
0xb2: {  	[dreg:$0x1] =	wrdreg $0xFFFFFFFF  }
0xb3: {  	[dreg:$0x0] =	wrdreg $0x60  }
0xb4: {  	[dreg:$0x2] =	wrdreg s17  }
0xb5: {  	[dreg:$0x3] =	wrdreg s24  }
0xb6: {  	[dreg:$0x4] =	wrdreg s16  }
0xb7: {  	[dreg:$0x5] =	wrdreg $0x9  }
0xb8: {  	_ =	task.clear_ibuf [dreg:s8], $0x6FFFF;
	_ =	strace $0x90000046  }
0xb9: {  	s29 =	simm.s32 $0x9;
	_ =	strace $0x80000048  }
0xba: {  	_ =	swait.ge [sflag:s29], $0x1  }
0xbb: {  	[sflag:s29] =	ssyncadd.s32 $0xFFFFFFFF  }
0xbc: {  	_ =	strace $0x90000048  }
0xbd: {  	_ =	sfence  }
0xbe: {  	s30 =	sld [smem:$0x0];
	_ =	sdelay $0x2  }
0xbf: {  	s31 =	sshll.u32 s1, $0xD;
	s1 =	sshrl.u32 s1, $0x2  }
0xc0: {  	s3 =	sand.u32 $0x4000, s31;
	s1 =	sadd.s32 s1, s30  }
0xc1: {  	s0 =	sor.u32 s3, s0;
	s1 =	sshll.u32 s1, $0x11  }
0xc2: {  	s0 =	sor.u32 s1, s0  }
0xc3: {  	s0 =	sadd.s32 $0x8F2B, s0  }
0xc4: {  	[sflag:s0] =	ssyncadd.remote.s32 $0x1  }
0xc5: {  	_ =	sfence.sel $0xFFFF  }
0xc6: {  	[dreg:$0x0] =	wrdreg $0xFFFFFFFF;
	(pc) =	sbr.abs _section_cstart, $3  }
0xc7: {  	[dreg:$0x1] =	wrdreg $0xFFFFFFFF  }
0xc8: {  	_ =	task.clear_ibuf [dreg:s8], $0x2FFFF;
	_ =	strace $0x9FFFFFFF  }
0xc9: {  	(tm) =	ssettm $0x7FFFFFFF  }
tec
execute0_lowered:
.L_overlay_start_1:
0x0: {  	(tag) =	ssettag $0x1  }
0x1: {  	s1 =	rddreg [dreg:$0x0]  }
0x2: {  	s3 =	rddreg [dreg:$0x1]  }
0x3: {  	s0 =	rddreg [dreg:$0x2]  }
0x4: {  	s4 =	srdreg.scid;
	s11 =	stileid.u32;
	s2 =	simm.s32 $0x0  }
0x5: {  	s28 =	simm.s32 $0x18000;
	s30 =	simm.s32 $0x10000;
	s31 =	simm.s32 $0x1A000  }
0x6: {  	s6 =	sand.u32 $0x1, s4;
	s24 =	sshll.u32 s11, $0x1;
	[smem:$0x7FF] =	sst s2  }
0x7: {  	s16 =	sshll.u32 s11, $0x14;
	s4 =	sor.u32 s6, s24;
	_ =	strace $0x80000047  }
0x8: {  	s7 =	ssub.s32 $0x2, s6;
	s5 =	sshll.u32 s4, $0xF;
	s8 =	sshll.u32 s4, $0xB  }
0x9: {  	s9 =	sshrl.u32 s7, $0x1;
	s26 =	sshll.u32 s4, $0x11;
	s8 =	sadd.s32 s8, s3  }
0xa: {  	s25 =	sshll.u32 s4, $0x10;
	s29 =	sadd.s32 s26, s0;
	s8 =	sadd.s32 $0x1000, s8  }
0xb: {  	s7 =	ssub.s32 s7, s9;
	s9 =	sadd.s32 $0x1E000, s29;
	[dreg:$0x8] =	wrdreg s8  }
0xc: {  	s5 =	sadd.s32 s5, s3;
	s12 =	sadd.s32 $0x1E800, s29;
	[dreg:$0x9] =	wrdreg s9  }
0xd: {  	s3 =	sadd.s32 $0x111000, s3;
	s14 =	sadd.s32 $0x1F000, s29;
	[dreg:$0xb] =	wrdreg s12  }
0xe: {  	s4 =	sadd.s32 s1, s25;
	s1 =	sadd.s32 $0x1F800, s29;
	[dreg:$0xd] =	wrdreg s14  }
0xf: {  	s7 =	smax.u32 s7, $0x1;
	s8 =	sadd.s32 s25, s3;
	[dreg:$0xf] =	wrdreg s1  }
0x10: {  	s17 =	sshll.u32 s11, $0x15;
	[dreg:$0x11] =	wrdreg s7;
	s10 =	sadd.s32 $0xF000, s8  }
0x11: {  	s11 =	simm.s32 $0x0;
	s13 =	sadd.s32 $0xF400, s8;
	[dreg:$0xa] =	wrdreg s10  }
0x12: {  	s5 =	sadd.s32 $0x11000, s5;
	s15 =	sadd.s32 $0xF800, s8;
	[dreg:$0xc] =	wrdreg s13  }
0x13: {  	s8 =	sadd.s32 $0xFC00, s8;
	[dreg:$0xe] =	wrdreg s15;
	s10 =	sshll.u32 s6, $0x13  }
0x14: {  	s6 =	sshll.u32 s6, $0x14;
	[dreg:$0x10] =	wrdreg s8;
	s9 =	sor.u32 s10, s16  }
0x15: {  	s6 =	sor.u32 s6, s17;
	s10 =	simm.s32 $0x8;
	s18 =	sor.u32 $0x6000, s9  }
0x16: {  	s19 =	sor.u32 $0xC000, s6;
	s22 =	sor.u32 $0x4000, s9;
	s23 =	sor.u32 $0x8000, s6  }
0x17: {  	s24 =	sor.u32 $0x2000, s9;
	s26 =	sor.u32 $0x4000, s6;
	s29 =	sshrl.u32 s9, $0x3  }
0x18: {  	s6 =	sshrl.u32 s6, $0x3;
	s9 =	simm.s32 $0x7;
	s1 =	sshrl.u32 s18, $0x3  }
0x19: {  	s20 =	sshrl.u32 s19, $0x3;
	s7 =	sshrl.u32 s23, $0x3;
	s8 =	sshrl.u32 s24, $0x3  }
0x1a: {  	s18 =	sadd.s32 s6, s0;
	s23 =	simm.s32 $0x8000;
	s24 =	simm.s32 $0x16000  }
0x1b: {  	s6 =	simm.s32 $0x4;
	s1 =	sadd.s32 s1, s3;
	s21 =	sadd.s32 s20, s0  }
0x1c: {  	s16 =	sadd.s32 s7, s0;
	s25 =	sadd.s32 s8, s3;
	[dreg:$0x4] =	wrdreg s1  }
0x1d: {  	s20 =	simm.s32 $0x100;
	s7 =	simm.s32 $0x5;
	[dreg:$0x12] =	wrdreg s21  }
0x1e: {  	s8 =	simm.s32 $0x6;
	s1 =	sshrl.u32 s22, $0x3;
	[dreg:$0x6] =	wrdreg s25  }
0x1f: {  	s21 =	simm.s32 $0x4000;
	s22 =	simm.s32 $0x14000;
	s1 =	sadd.s32 s1, s3  }
0x20: {  	s3 =	sadd.s32 s29, s3;
	[dreg:$0x5] =	wrdreg s1;
	s1 =	sshrl.u32 s26, $0x3  }
0x21: {  	[dreg:$0x7] =	wrdreg s3;
	s26 =	simm.s32 $0xC000;
	s3 =	simm.s32 $0x3  }
0x22: {  	s17 =	sadd.s32 s1, s0;
	s0 =	simm.s32 $0x1;
	s1 =	simm.s32 $0x2  }
.LBB2_1:
0x23: {  	s12 =	rddreg [dreg:$0x8];
	s25 =	simm.s32 $0x9  }
0x24: {  	[tilespmem:s2], [sflag:$0x9] =	stream.linear.gather [hbm4b:s12+s2], $0x4000, $0x38;
	[tilespmem:$0x1C000] =	vst v63  }
0x25: {  	_ =	swait.ge [sflag:s25], $0x4000  }
0x26: {  	[sflag:s25] =	ssyncset.done $0x0  }
0x27: {  	[sflag:s25] =	ssyncadd.s32 $0xFFFFC000  }
0x28: {  	[tilespmem:s21], [sflag:$0x1] =	stream.indirect.gather [hbm4b:s4+s20], $0x40, s2, s20, $0xb8;
	[tilespmem:$0x1C000] =	vst v63  }
0x29: {  	_ = 	snop  }
0x2a: {  	[tilespmem:s22], [sflag:$0x1] =	stream.indirect.gather [hbm4b:s5+s20], $0x20, s2, s20, $0xb8;
	[tilespmem:$0x1C000] =	vst v63  }
0x2b: {  	_ = 	snop  }
0x2c: {  	[tilespmem:s23], [sflag:$0x2] =	stream.indirect.gather [hbm4b:s4+s20], $0x40, s20, s20, $0xb8;
	[tilespmem:$0x1C000] =	vst v63  }
0x2d: {  	_ = 	snop  }
0x2e: {  	[tilespmem:s24], [sflag:$0x2] =	stream.indirect.gather [hbm4b:s5+s20], $0x20, s20, s20, $0xb8;
	[tilespmem:$0x1C000] =	vst v63  }
0x2f: {  	s13 =	simm.s32 $0x200  }
0x30: {  	[tilespmem:s26], [sflag:$0x3] =	stream.indirect.gather [hbm4b:s4+s20], $0x40, s13, s20, $0xb8;
	[tilespmem:$0x1C000] =	vst v63  }
0x31: {  	_ = 	snop  }
0x32: {  	[tilespmem:s28], [sflag:$0x3] =	stream.indirect.gather [hbm4b:s5+s20], $0x20, s13, s20, $0xb8;
	[tilespmem:$0x1C000] =	vst v63  }
0x33: {  	s14 =	simm.s32 $0x300  }
0x34: {  	[tilespmem:s30], [sflag:$0x4] =	stream.indirect.gather [hbm4b:s4+s20], $0x40, s14, s20, $0xb8;
	[tilespmem:$0x1C000] =	vst v63  }
0x35: {  	_ = 	snop  }
0x36: {  	[tilespmem:s31], [sflag:$0x4] =	stream.indirect.gather [hbm4b:s5+s20], $0x20, s14, s20, $0xb8;
	[tilespmem:$0x1C000] =	vst v63  }
0x37: {  	_ =	swait.ge [sflag:s0], $0x4000  }
0x38: {  	[sflag:s0] =	ssyncset.done $0x0  }
0x39: {  	[sflag:s0] =	ssyncadd.s32 $0xFFFFC000  }
0x3a: {  	_ =	swait.ge [sflag:s0], $0x2000  }
0x3b: {  	[sflag:s0] =	ssyncset.done $0x0  }
0x3c: {  	s15 =	rddreg [dreg:$0x7];
	[sflag:s0] =	ssyncadd.s32 $0xFFFFE000  }
0x3d: {  	[hbm4b:s18+s2] =	stream.linear.scatter [tilespmem:s21], [sflag:$0x5], $0x4000, $0x38;
	[tilespmem:$0x1C000] =	vst v63  }
0x3e: {  	s12 =	sadd.s32 $0x0, s15  }
0x3f: {  	[hbm4b:s12+s2] =	stream.linear.scatter [tilespmem:s22], [sflag:$0x5], $0x2000, $0x38;
	[tilespmem:$0x1C000] =	vst v63  }
0x40: {  	_ =	swait.ge [sflag:s1], $0x4000  }
0x41: {  	[sflag:s1] =	ssyncset.done $0x0  }
0x42: {  	[sflag:s1] =	ssyncadd.s32 $0xFFFFC000  }
0x43: {  	_ =	swait.ge [sflag:s1], $0x2000  }
0x44: {  	[sflag:s1] =	ssyncset.done $0x0  }
0x45: {  	s19 =	rddreg [dreg:$0x6];
	[sflag:s1] =	ssyncadd.s32 $0xFFFFE000  }
0x46: {  	[hbm4b:s17+s2] =	stream.linear.scatter [tilespmem:s23], [sflag:$0x6], $0x4000, $0x38;
	[tilespmem:$0x1C000] =	vst v63  }
0x47: {  	s12 =	sadd.s32 $0x0, s19  }
0x48: {  	[hbm4b:s12+s2] =	stream.linear.scatter [tilespmem:s24], [sflag:$0x6], $0x2000, $0x38;
	[tilespmem:$0x1C000] =	vst v63  }
0x49: {  	_ =	swait.ge [sflag:s3], $0x4000  }
0x4a: {  	[sflag:s3] =	ssyncset.done $0x0  }
0x4b: {  	[sflag:s3] =	ssyncadd.s32 $0xFFFFC000  }
0x4c: {  	_ =	swait.ge [sflag:s3], $0x2000  }
0x4d: {  	[sflag:s3] =	ssyncset.done $0x0  }
0x4e: {  	s25 =	rddreg [dreg:$0x5];
	[sflag:s3] =	ssyncadd.s32 $0xFFFFE000  }
0x4f: {  	[hbm4b:s16+s2] =	stream.linear.scatter [tilespmem:s26], [sflag:$0x7], $0x4000, $0x38;
	[tilespmem:$0x1C000] =	vst v63  }
0x50: {  	s12 =	sadd.s32 $0x0, s25  }
0x51: {  	[hbm4b:s12+s2] =	stream.linear.scatter [tilespmem:s28], [sflag:$0x7], $0x2000, $0x38;
	[tilespmem:$0x1C000] =	vst v63  }
0x52: {  	_ =	swait.ge [sflag:s6], $0x4000  }
0x53: {  	[sflag:s6] =	ssyncset.done $0x0  }
0x54: {  	[sflag:s6] =	ssyncadd.s32 $0xFFFFC000  }
0x55: {  	_ =	swait.ge [sflag:s6], $0x2000  }
0x56: {  	[sflag:s6] =	ssyncset.done $0x0;
	s13 =	rddreg [dreg:$0x4]  }
0x57: {  	s14 =	rddreg [dreg:$0x12];
	[sflag:s6] =	ssyncadd.s32 $0xFFFFE000  }
0x58: {  	[hbm4b:s14+s2] =	stream.linear.scatter [tilespmem:s30], [sflag:$0x8], $0x4000, $0x38;
	[tilespmem:$0x1C000] =	vst v63  }
0x59: {  	s12 =	sadd.s32 $0x0, s13  }
0x5a: {  	[hbm4b:s12+s2] =	stream.linear.scatter [tilespmem:s31], [sflag:$0x8], $0x2000, $0x38;
	[tilespmem:$0x1C000] =	vst v63  }
0x5b: {  	_ =	swait.ge [sflag:s7], $0x4000  }
0x5c: {  	[sflag:s7] =	ssyncset.done $0x0  }
0x5d: {  	[sflag:s7] =	ssyncadd.s32 $0xFFFFC000  }
0x5e: {  	_ =	swait.ge [sflag:s7], $0x2000  }
0x5f: {  	[sflag:s7] =	ssyncset.done $0x0  }
0x60: {  	s15 =	simm.s32 $0x400;
	[sflag:s7] =	ssyncadd.s32 $0xFFFFE000  }
0x61: {  	[tilespmem:s21], [sflag:$0x1] =	stream.indirect.gather [hbm4b:s4+s20], $0x40, s15, s20, $0xb8;
	[tilespmem:$0x1C000] =	vst v63  }
0x62: {  	_ = 	snop  }
0x63: {  	[tilespmem:s22], [sflag:$0x1] =	stream.indirect.gather [hbm4b:s5+s20], $0x20, s15, s20, $0xb8;
	[tilespmem:$0x1C000] =	vst v63  }
0x64: {  	_ =	swait.ge [sflag:s8], $0x4000  }
0x65: {  	[sflag:s8] =	ssyncset.done $0x0  }
0x66: {  	[sflag:s8] =	ssyncadd.s32 $0xFFFFC000  }
0x67: {  	_ =	swait.ge [sflag:s8], $0x2000  }
0x68: {  	[sflag:s8] =	ssyncset.done $0x0  }
0x69: {  	s19 =	simm.s32 $0x500;
	[sflag:s8] =	ssyncadd.s32 $0xFFFFE000  }
0x6a: {  	[tilespmem:s23], [sflag:$0x2] =	stream.indirect.gather [hbm4b:s4+s20], $0x40, s19, s20, $0xb8;
	[tilespmem:$0x1C000] =	vst v63  }
0x6b: {  	_ = 	snop  }
0x6c: {  	[tilespmem:s24], [sflag:$0x2] =	stream.indirect.gather [hbm4b:s5+s20], $0x20, s19, s20, $0xb8;
	[tilespmem:$0x1C000] =	vst v63  }
0x6d: {  	_ =	swait.ge [sflag:s9], $0x4000  }
0x6e: {  	[sflag:s9] =	ssyncset.done $0x0  }
0x6f: {  	[sflag:s9] =	ssyncadd.s32 $0xFFFFC000  }
0x70: {  	_ =	swait.ge [sflag:s9], $0x2000  }
0x71: {  	[sflag:s9] =	ssyncset.done $0x0  }
0x72: {  	s25 =	simm.s32 $0x600;
	[sflag:s9] =	ssyncadd.s32 $0xFFFFE000  }
0x73: {  	[tilespmem:s26], [sflag:$0x3] =	stream.indirect.gather [hbm4b:s4+s20], $0x40, s25, s20, $0xb8;
	[tilespmem:$0x1C000] =	vst v63  }
0x74: {  	_ = 	snop  }
0x75: {  	[tilespmem:s28], [sflag:$0x3] =	stream.indirect.gather [hbm4b:s5+s20], $0x20, s25, s20, $0xb8;
	[tilespmem:$0x1C000] =	vst v63  }
0x76: {  	_ =	swait.ge [sflag:s10], $0x4000  }
0x77: {  	[sflag:s10] =	ssyncset.done $0x0  }
0x78: {  	[sflag:s10] =	ssyncadd.s32 $0xFFFFC000  }
0x79: {  	s29 =	sadd.s32 $0x2000, s17;
	s13 =	sadd.s32 $0x2000, s18;
	_ =	swait.ge [sflag:s10], $0x2000  }
0x7a: {  	s14 =	sadd.s32 $0x2000, s14;
	s12 =	simm.s32 $0x1000;
	[sflag:s10] =	ssyncset.done $0x0  }
0x7b: {  	s19 =	simm.s32 $0x700;
	s25 =	sadd.s32 $0x2000, s16;
	[sflag:s10] =	ssyncadd.s32 $0xFFFFE000  }
0x7c: {  	[tilespmem:s30], [sflag:$0x4] =	stream.indirect.gather [hbm4b:s4+s20], $0x40, s19, s20, $0xb8;
	[tilespmem:$0x1C000] =	vst v63  }
.LBB2_2:
0x7d: {  	[tilespmem:s31], [sflag:$0x4] =	stream.indirect.gather [hbm4b:s5+s20], $0x20, s19, s20, $0xb8;
	[tilespmem:$0x1C000] =	vst v63  }
0x7e: {  	_ =	swait.ge [sflag:s0], $0x4000  }
0x7f: {  	[sflag:s0] =	ssyncset.done $0x0  }
0x80: {  	[sflag:s0] =	ssyncadd.s32 $0xFFFFC000  }
0x81: {  	_ =	swait.ge [sflag:s0], $0x2000  }
0x82: {  	[sflag:s0] =	ssyncset.done $0x0  }
0x83: {  	s19 =	smov.u32 s12;
	s15 =	rddreg [dreg:$0x7];
	[sflag:s0] =	ssyncadd.s32 $0xFFFFE000  }
0x84: {  	[hbm4b:s13+s2] =	stream.linear.scatter [tilespmem:s21], [sflag:$0x5], $0x4000, $0x38;
	[tilespmem:$0x1C000] =	vst v63  }
0x85: {  	s15 =	sadd.s32 s19, s15  }
0x86: {  	[hbm4b:s15+s2] =	stream.linear.scatter [tilespmem:s22], [sflag:$0x5], $0x2000, $0x38;
	[tilespmem:$0x1C000] =	vst v63  }
0x87: {  	_ =	swait.ge [sflag:s1], $0x4000  }
0x88: {  	[sflag:s1] =	ssyncset.done $0x0  }
0x89: {  	[sflag:s1] =	ssyncadd.s32 $0xFFFFC000  }
0x8a: {  	_ =	swait.ge [sflag:s1], $0x2000  }
0x8b: {  	[sflag:s1] =	ssyncset.done $0x0  }
0x8c: {  	s15 =	rddreg [dreg:$0x6];
	[sflag:s1] =	ssyncadd.s32 $0xFFFFE000  }
0x8d: {  	[hbm4b:s29+s2] =	stream.linear.scatter [tilespmem:s23], [sflag:$0x6], $0x4000, $0x38;
	[tilespmem:$0x1C000] =	vst v63  }
0x8e: {  	s15 =	sadd.s32 s19, s15  }
0x8f: {  	[hbm4b:s15+s2] =	stream.linear.scatter [tilespmem:s24], [sflag:$0x6], $0x2000, $0x38;
	[tilespmem:$0x1C000] =	vst v63  }
0x90: {  	_ =	swait.ge [sflag:s3], $0x4000  }
0x91: {  	[sflag:s3] =	ssyncset.done $0x0  }
0x92: {  	[sflag:s3] =	ssyncadd.s32 $0xFFFFC000  }
0x93: {  	_ =	swait.ge [sflag:s3], $0x2000  }
0x94: {  	[sflag:s3] =	ssyncset.done $0x0  }
0x95: {  	s15 =	rddreg [dreg:$0x5];
	[sflag:s3] =	ssyncadd.s32 $0xFFFFE000  }
0x96: {  	[hbm4b:s25+s2] =	stream.linear.scatter [tilespmem:s26], [sflag:$0x7], $0x4000, $0x38;
	[tilespmem:$0x1C000] =	vst v63  }
0x97: {  	s15 =	sadd.s32 s19, s15  }
0x98: {  	[hbm4b:s15+s2] =	stream.linear.scatter [tilespmem:s28], [sflag:$0x7], $0x2000, $0x38;
	[tilespmem:$0x1C000] =	vst v63  }
0x99: {  	_ =	swait.ge [sflag:s6], $0x4000  }
0x9a: {  	[sflag:s6] =	ssyncset.done $0x0  }
0x9b: {  	[sflag:s6] =	ssyncadd.s32 $0xFFFFC000  }
0x9c: {  	_ =	swait.ge [sflag:s6], $0x2000  }
0x9d: {  	[sflag:s6] =	ssyncset.done $0x0  }
0x9e: {  	s15 =	rddreg [dreg:$0x4];
	[sflag:s6] =	ssyncadd.s32 $0xFFFFE000  }
0x9f: {  	[hbm4b:s14+s2] =	stream.linear.scatter [tilespmem:s30], [sflag:$0x8], $0x4000, $0x38;
	[tilespmem:$0x1C000] =	vst v63  }
0xa0: {  	s15 =	sadd.s32 s19, s15  }
0xa1: {  	[hbm4b:s15+s2] =	stream.linear.scatter [tilespmem:s31], [sflag:$0x8], $0x2000, $0x38;
	[tilespmem:$0x1C000] =	vst v63  }
0xa2: {  	_ =	swait.ge [sflag:s7], $0x4000  }
0xa3: {  	[sflag:s7] =	ssyncset.done $0x0  }
0xa4: {  	[sflag:s7] =	ssyncadd.s32 $0xFFFFC000  }
0xa5: {  	_ =	swait.ge [sflag:s7], $0x2000  }
0xa6: {  	s15 =	sshra.s32 s19, $0x2;
	[sflag:s7] =	ssyncset.done $0x0  }
0xa7: {  	s19 =	sadd.s32 $0x400, s15;
	[sflag:s7] =	ssyncadd.s32 $0xFFFFE000  }
0xa8: {  	[tilespmem:s21], [sflag:$0x1] =	stream.indirect.gather [hbm4b:s4+s20], $0x40, s19, s20, $0xb8;
	[tilespmem:$0x1C000] =	vst v63  }
0xa9: {  	_ = 	snop  }
0xaa: {  	[tilespmem:s22], [sflag:$0x1] =	stream.indirect.gather [hbm4b:s5+s20], $0x20, s19, s20, $0xb8;
	[tilespmem:$0x1C000] =	vst v63  }
0xab: {  	_ =	swait.ge [sflag:s8], $0x4000  }
0xac: {  	[sflag:s8] =	ssyncset.done $0x0  }
0xad: {  	[sflag:s8] =	ssyncadd.s32 $0xFFFFC000  }
0xae: {  	_ =	swait.ge [sflag:s8], $0x2000  }
0xaf: {  	[sflag:s8] =	ssyncset.done $0x0  }
0xb0: {  	s19 =	sadd.s32 $0x500, s15;
	[sflag:s8] =	ssyncadd.s32 $0xFFFFE000  }
0xb1: {  	[tilespmem:s23], [sflag:$0x2] =	stream.indirect.gather [hbm4b:s4+s20], $0x40, s19, s20, $0xb8;
	[tilespmem:$0x1C000] =	vst v63  }
0xb2: {  	_ = 	snop  }
0xb3: {  	[tilespmem:s24], [sflag:$0x2] =	stream.indirect.gather [hbm4b:s5+s20], $0x20, s19, s20, $0xb8;
	[tilespmem:$0x1C000] =	vst v63  }
0xb4: {  	_ =	swait.ge [sflag:s9], $0x4000  }
0xb5: {  	[sflag:s9] =	ssyncset.done $0x0  }
0xb6: {  	[sflag:s9] =	ssyncadd.s32 $0xFFFFC000  }
0xb7: {  	_ =	swait.ge [sflag:s9], $0x2000  }
0xb8: {  	[sflag:s9] =	ssyncset.done $0x0  }
0xb9: {  	s19 =	sadd.s32 $0x600, s15;
	[sflag:s9] =	ssyncadd.s32 $0xFFFFE000  }
0xba: {  	[tilespmem:s26], [sflag:$0x3] =	stream.indirect.gather [hbm4b:s4+s20], $0x40, s19, s20, $0xb8;
	[tilespmem:$0x1C000] =	vst v63  }
0xbb: {  	_ = 	snop  }
0xbc: {  	[tilespmem:s28], [sflag:$0x3] =	stream.indirect.gather [hbm4b:s5+s20], $0x20, s19, s20, $0xb8;
	[tilespmem:$0x1C000] =	vst v63  }
0xbd: {  	_ =	swait.ge [sflag:s10], $0x4000  }
0xbe: {  	p0 =	sne.s32 s12, $0xE000;
	[sflag:s10] =	ssyncset.done $0x0  }
.Ltmp0:
0xbf: {  	[sflag:s10] =	ssyncadd.s32 $0xFFFFC000;
	(pc) =	sbr.rel @p0 .LBB2_2-.Ltmp0, $4  }
0xc0: {  	s12 =	sadd.s32 $0x1000, s12;
	s13 =	sadd.s32 $0x2000, s13;
	_ =	swait.ge [sflag:s10], $0x2000  }
0xc1: {  	s29 =	sadd.s32 $0x2000, s29;
	s25 =	sadd.s32 $0x2000, s25;
	[sflag:s10] =	ssyncset.done $0x0  }
0xc2: {  	s14 =	sadd.s32 $0x2000, s14;
	s19 =	sadd.s32 $0x700, s15;
	[sflag:s10] =	ssyncadd.s32 $0xFFFFE000  }
0xc3: {  	[tilespmem:s30], [sflag:$0x4] =	stream.indirect.gather [hbm4b:s4+s20], $0x40, s19, s20, $0xb8;
	[tilespmem:$0x1C000] =	vst v63  }
0xc4: {  	[tilespmem:s31], [sflag:$0x4] =	stream.indirect.gather [hbm4b:s5+s20], $0x20, s19, s20, $0xb8;
	[tilespmem:$0x1C000] =	vst v63  }
0xc5: {  	_ =	swait.ge [sflag:s0], $0x4000  }
0xc6: {  	[sflag:s0] =	ssyncset.done $0x0  }
0xc7: {  	[sflag:s0] =	ssyncadd.s32 $0xFFFFC000  }
0xc8: {  	_ =	swait.ge [sflag:s0], $0x2000  }
0xc9: {  	[sflag:s0] =	ssyncset.done $0x0  }
0xca: {  	s12 =	rddreg [dreg:$0x9];
	[sflag:s0] =	ssyncadd.s32 $0xFFFFE000  }
0xcb: {  	[hbm4b:s12+s2] =	stream.linear.scatter [tilespmem:s21], [sflag:$0x5], $0x4000, $0x38;
	[tilespmem:$0x1C000] =	vst v63  }
0xcc: {  	s25 =	rddreg [dreg:$0xa]  }
0xcd: {  	[hbm4b:s25+s2] =	stream.linear.scatter [tilespmem:s22], [sflag:$0x5], $0x2000, $0x38;
	[tilespmem:$0x1C000] =	vst v63  }
0xce: {  	_ =	swait.ge [sflag:s1], $0x4000  }
0xcf: {  	[sflag:s1] =	ssyncset.done $0x0  }
0xd0: {  	[sflag:s1] =	ssyncadd.s32 $0xFFFFC000  }
0xd1: {  	_ =	swait.ge [sflag:s1], $0x2000  }
0xd2: {  	[sflag:s1] =	ssyncset.done $0x0  }
0xd3: {  	s29 =	rddreg [dreg:$0xb];
	[sflag:s1] =	ssyncadd.s32 $0xFFFFE000  }
0xd4: {  	[hbm4b:s29+s2] =	stream.linear.scatter [tilespmem:s23], [sflag:$0x6], $0x4000, $0x38;
	[tilespmem:$0x1C000] =	vst v63  }
0xd5: {  	s13 =	rddreg [dreg:$0xc]  }
0xd6: {  	[hbm4b:s13+s2] =	stream.linear.scatter [tilespmem:s24], [sflag:$0x6], $0x2000, $0x38;
	[tilespmem:$0x1C000] =	vst v63  }
0xd7: {  	_ =	swait.ge [sflag:s3], $0x4000  }
0xd8: {  	[sflag:s3] =	ssyncset.done $0x0  }
0xd9: {  	[sflag:s3] =	ssyncadd.s32 $0xFFFFC000  }
0xda: {  	_ =	swait.ge [sflag:s3], $0x2000  }
0xdb: {  	[sflag:s3] =	ssyncset.done $0x0  }
0xdc: {  	s14 =	rddreg [dreg:$0xd];
	[sflag:s3] =	ssyncadd.s32 $0xFFFFE000  }
0xdd: {  	[hbm4b:s14+s2] =	stream.linear.scatter [tilespmem:s26], [sflag:$0x7], $0x4000, $0x38;
	[tilespmem:$0x1C000] =	vst v63  }
0xde: {  	s15 =	rddreg [dreg:$0xe]  }
0xdf: {  	[hbm4b:s15+s2] =	stream.linear.scatter [tilespmem:s28], [sflag:$0x7], $0x2000, $0x38;
	[tilespmem:$0x1C000] =	vst v63  }
0xe0: {  	_ =	swait.ge [sflag:s6], $0x4000  }
0xe1: {  	[sflag:s6] =	ssyncset.done $0x0  }
0xe2: {  	[sflag:s6] =	ssyncadd.s32 $0xFFFFC000  }
0xe3: {  	_ =	swait.ge [sflag:s6], $0x2000  }
0xe4: {  	[sflag:s6] =	ssyncset.done $0x0  }
0xe5: {  	s19 =	rddreg [dreg:$0xf];
	[sflag:s6] =	ssyncadd.s32 $0xFFFFE000  }
0xe6: {  	[hbm4b:s19+s2] =	stream.linear.scatter [tilespmem:s30], [sflag:$0x8], $0x4000, $0x38;
	[tilespmem:$0x1C000] =	vst v63  }
0xe7: {  	s25 =	rddreg [dreg:$0x10]  }
0xe8: {  	[hbm4b:s25+s2] =	stream.linear.scatter [tilespmem:s31], [sflag:$0x8], $0x2000, $0x38;
	[tilespmem:$0x1C000] =	vst v63  }
0xe9: {  	_ =	swait.ge [sflag:s7], $0x4000  }
0xea: {  	[sflag:s7] =	ssyncset.done $0x0  }
0xeb: {  	[sflag:s7] =	ssyncadd.s32 $0xFFFFC000  }
0xec: {  	_ =	swait.ge [sflag:s7], $0x2000  }
0xed: {  	[sflag:s7] =	ssyncset.done $0x0  }
0xee: {  	[sflag:s7] =	ssyncadd.s32 $0xFFFFE000  }
0xef: {  	_ =	swait.ge [sflag:s8], $0x4000  }
0xf0: {  	[sflag:s8] =	ssyncset.done $0x0  }
0xf1: {  	[sflag:s8] =	ssyncadd.s32 $0xFFFFC000  }
0xf2: {  	_ =	swait.ge [sflag:s8], $0x2000  }
0xf3: {  	[sflag:s8] =	ssyncset.done $0x0  }
0xf4: {  	[sflag:s8] =	ssyncadd.s32 $0xFFFFE000  }
0xf5: {  	_ =	swait.ge [sflag:s9], $0x4000  }
0xf6: {  	[sflag:s9] =	ssyncset.done $0x0  }
0xf7: {  	[sflag:s9] =	ssyncadd.s32 $0xFFFFC000  }
0xf8: {  	_ =	swait.ge [sflag:s9], $0x2000  }
0xf9: {  	[sflag:s9] =	ssyncset.done $0x0  }
0xfa: {  	[sflag:s9] =	ssyncadd.s32 $0xFFFFE000  }
0xfb: {  	_ =	swait.ge [sflag:s10], $0x4000  }
0xfc: {  	[sflag:s10] =	ssyncset.done $0x0  }
0xfd: {  	[sflag:s10] =	ssyncadd.s32 $0xFFFFC000  }
0xfe: {  	_ =	swait.ge [sflag:s10], $0x2000  }
0xff: {  	s11 =	sadd.s32 $0x1, s11;
	s29 =	rddreg [dreg:$0x11]  }
0x100: {  	p0 =	sne.s32 s11, s29  }
.Ltmp1:
0x101: {  	_ = 	snop;
	(pc) =	sbr.rel @p0 .LBB2_1-.Ltmp1, $3  }
0x102: {  	_ =	sdelay $0x1  }
0x103: {  	[sflag:s10] =	ssyncset.done $0x0  }
0x104: {  	[sflag:s10] =	ssyncadd.s32 $0xFFFFE000  }
0x105: {  	_ =	sfence.sel $0x180000  }
0x106: {  	[bflag:$0x0] =	sbarrier.arrive $0xFFFF  }
0x107: {  	_ =	strace $0x90000047  }
0x108: {  	s0 =	stileid.u32;
	[bflag:$0x2] =	sbarrier.arrive $0xFFFF  }
0x109: {  	p0 =	sne.s32 s0, $0x0;
	s0 =	rddreg [dreg:$0x3]  }
0x10a: {  	s0 =	sadd.s32 @!p0 $0x100000, s0  }
0x10b: {  	[sflag:s0] =	ssyncadd.tile.s32 @!p0 $0x1;
	_ =	shalt  }
.Lfunc_end2:
_tile_overlayer_lowered:
.L_overlay_start_2:
0x10c: {  	(tag) =	ssettag $0x2  }
0x10d: {  	s0 =	rddreg [dreg:$0x0];
	s2 =	stileid.u32  }
0x10e: {  	s1 =	rddreg [dreg:$0x1];
	p0 =	sne.s32 s2, $0x0  }
0x10f: {  	s3 =	rddreg [dreg:$0x2];
	[bflag:$0x3] =	sbarrier.arrive $0xFFFF;
	s2 =	simm.s32 @!p0 $0x1C0A  }
0x110: {  	[timem:s3], [sflag:s2] =	dma.local @!p0 [hbm:s0], s1  }
0x111: {  	s0 =	simm.s32 @!p0 $0xA  }
0x112: {  	_ =	swait.ge @!p0 [sflag:s0], s1  }
0x113: {  	s1 =	ssub.s32 @!p0 $0x0, s1;
	[sflag:s0] =	ssyncset.done @!p0 $0x0  }
0x114: {  	[sflag:s0] =	ssyncadd.s32 @!p0 s1  }
0x115: {  	[bflag:$0x3] =	sbarrier.arrive $0xFFFF  }
0x116: {  	_ =	shalt  }

// kernel: sparse-core-data-format-call.1.cloned.1.call-start
scs
called_computation.1_lowered:
.L_overlay_start_0:
0x0: {  	s2 =	sld [smem:$0x3FD9]  }
0x1: {  	s3 =	sld [smem:$0x3FFE];
	_ =	sdelay $0x1  }
0x2: {  	s1 =	srdreg.scid  }
0x3: {  	s0 =	sand.u32 $0x1, s1  }
0x4: {  	s16 =	sshll.u32 s0, $0xA;
	s2 =	sadd.s32 s3, s2  }
0x5: {  	s2 =	sadd.s32 s2, s16  }
0x6: {  	[smem:$0x3FC5] =	sst s2  }
0x7: {  	_ = 	snop  }
0x8: {  	s2 =	sld [smem:$0x3FD0];
	_ =	sdelay $0x2  }
0x9: {  	s17 =	simm.s32 $0xB;
	s4 =	simm.s32 $0x10  }
0xa: {  	[smem:s4], [sflag:s17] =	dma.local [hbm:s2], $0x1  }
0xb: {  	_ =	swait.eq [sflag:s17], $0x1  }
0xc: {  	[sflag:s17] =	ssyncset.done $0x0  }
0xd: {  	[sflag:s17] =	ssyncadd.s32 $0xFFFFFFFF  }
0xe: {  	s18 =	sld [smem:$0x10];
	(tm) =	ssettm $0x1  }
0xf: {  	s19 =	sld [smem:$0x3FFB];
	_ =	sdelay $0x3  }
0x10: {  	_ =	strace s19  }
0x11: {  	s2 =	sld [smem:$0x3FFC];
	_ =	sdelay $0x3  }
0x12: {  	_ =	strace s2  }
0x13: {  	s2 =	sld [smem:$0x3FFD];
	_ =	sdelay $0x3  }
0x14: {  	_ =	strace s2  }
0x15: {  	_ =	strace $0x8FFFFFFF  }
0x16: {  	s20 =	sld [smem:$0x3FDB];
	_ =	sdelay $0x1  }
0x17: {  	s21 =	simm.s32 $_scs_section_size  }
0x18: {  	s5 =	simm.s32 $_size__tile_overlayer_lowered;
	s6 =	simm.s32 $_tile_overlayer_lowered  }
0x19: {  	s7 =	simm.s32 $0x1BFF;
	s22 =	sshll.u32 s6, $0x1;
	s4 =	sadd.s32 s21, s20  }
0x1a: {  	s23 =	simm.s32 $0x0;
	s5 =	sshll.u32 s5, $0x1;
	s6 =	sadd.s32 s22, s4  }
0x1b: {  	[timem:s23], [sflag:s7] =	dma.local [hbm:s6], s5  }
0x1c: {  	_ =	swait.ge [sflag:s7], s5  }
0x1d: {  	s5 =	ssub.s32 $0x0, s5;
	[sflag:s7] =	ssyncset.done $0x0  }
0x1e: {  	[sflag:s7] =	ssyncadd.s32 s5;
	_ =	sdelay $0x1  }
0x1f: {  	s24 =	simm.s32 $0x1B8B  }
0x20: {  	_ =	swait.ge [sflag:s24], $0x1  }
0x21: {  	[sflag:s24] =	ssyncset.done $0x0  }
0x22: {  	[sflag:s24] =	ssyncadd.s32 $0xFFFFFFFF  }
0x23: {  	s5 =	sld [smem:$0x0]  }
0x24: {  	s6 =	sand.u32 $0xFFFFFFFE, s1  }
0x25: {  	p0 =	sne.s32 s1, s6  }
0x26: {  	s6 =	sshll.u32 @p0 s6, $0xE  }
0x27: {  	s6 =	sadd.s32 @p0 $0x11B8D, s6;
	s7 =	sshll.u32 @p0 s5, $0x11  }
0x28: {  	s6 =	sor.u32 @p0 s7, s6  }
0x29: {  	[sflag:s6] =	ssyncadd.remote.s32 @p0 $0x1;
	_ =	sdelay $0x1  }
0x2a: {  	s6 =	simm.s32 @p0 $0x1B8D  }
0x2b: {  	_ =	swait.eq @p0 [sflag:s6], $0x1  }
0x2c: {  	[sflag:s6] =	ssyncadd.s32 @p0 $0xFFFFFFFF  }
0x2d: {  	s7 =	sshll.u32 @!p0 s1, $0xE  }
0x2e: {  	s7 =	sor.u32 @!p0 $0x4000, s7;
	s6 =	simm.s32 @!p0 $0x1B8D  }
0x2f: {  	s5 =	sshll.u32 @!p0 s5, $0x11;
	s7 =	sadd.s32 @!p0 $0x11B8D, s7;
	_ =	swait.eq @!p0 [sflag:s6], $0x1  }
0x30: {  	s5 =	sor.u32 @!p0 s5, s7;
	[sflag:s6] =	ssyncadd.s32 @!p0 $0xFFFFFFFF  }
0x31: {  	s26 =	simm.s32 $0x1B8E;
	s25 =	sld [smem:$0x3FFE];
	[sflag:s5] =	ssyncadd.remote.s32 @!p0 $0x1  }
0x32: {  	s27 =	simm.s32 $execute0_lowered;
	[smem:$0x3FD2] =	sst s26  }
0x33: {  	s6 =	sshll.u32 s27, $0x1;
	_ =	strace $0x8000004C;
	[dreg:$0x1] =	wrdreg $0xFFFFFFFF  }
0x34: {  	s28 =	simm.s32 $_size_execute0_lowered;
	s4 =	sadd.s32 s4, s6;
	[dreg:$0x0] =	wrdreg $0x0  }
0x35: {  	s6 =	sshll.u32 s28, $0x1;
	[dreg:$0x2] =	wrdreg s4  }
0x36: {  	[dreg:$0x3] =	wrdreg s6  }
0x37: {  	[dreg:$0x4] =	wrdreg $0xC0  }
0x38: {  	_ =	task [dreg:s23], $0x5FFFF  }
0x39: {  	[dreg:$0x1] =	wrdreg $0xFFFFFFFF  }
0x3a: {  	[dreg:$0x0] =	wrdreg $0x60  }
0x3b: {  	[dreg:$0x2] =	wrdreg s25  }
0x3c: {  	[dreg:$0x3] =	wrdreg s18  }
0x3d: {  	[dreg:$0x4] =	wrdreg $0xA  }
0x3e: {  	_ =	task.clear_ibuf [dreg:s23], $0x5FFFF;
	_ =	strace $0x9000004C  }
0x3f: {  	s29 =	simm.s32 $0xA;
	_ =	strace $0x8000004E  }
0x40: {  	_ =	swait.ge [sflag:s29], $0x1  }
0x41: {  	[sflag:s29] =	ssyncadd.s32 $0xFFFFFFFF  }
0x42: {  	_ =	strace $0x9000004E  }
0x43: {  	_ =	sfence  }
0x44: {  	s30 =	sld [smem:$0x0];
	_ =	sdelay $0x2  }
0x45: {  	s31 =	sshll.u32 s1, $0xD;
	s1 =	sshrl.u32 s1, $0x2  }
0x46: {  	s4 =	sand.u32 $0x4000, s31;
	s1 =	sadd.s32 s1, s30  }
0x47: {  	s0 =	sor.u32 s4, s0;
	s1 =	sshll.u32 s1, $0x11  }
0x48: {  	s0 =	sor.u32 s1, s0  }
0x49: {  	s0 =	sadd.s32 $0x8F2B, s0  }
0x4a: {  	[sflag:s0] =	ssyncadd.remote.s32 $0x1  }
0x4b: {  	_ =	sfence.sel $0xFFFF  }
0x4c: {  	[dreg:$0x0] =	wrdreg $0xFFFFFFFF;
	(pc) =	sbr.abs _section_cstart, $3  }
0x4d: {  	[dreg:$0x1] =	wrdreg $0xFFFFFFFF  }
0x4e: {  	_ =	task.clear_ibuf [dreg:s23], $0x2FFFF;
	_ =	strace $0x9FFFFFFF  }
0x4f: {  	(tm) =	ssettm $0x7FFFFFFF  }
tec
execute0_lowered:
.L_overlay_start_1:
0x0: {  	(tag) =	ssettag $0x1  }
0x1: {  	s8 =	rddreg [dreg:$0x0]  }
0x2: {  	s2 =	rddreg [dreg:$0x1]  }
0x3: {  	s1 =	stileid.u32;
	s4 =	srdreg.scid  }
0x4: {  	s0 =	rddreg [dreg:$0x2];
	_ =	strace $0x8000004D;
	s9 =	simm.s32 $0x1  }
0x5: {  	s31 =	simm.s32 $0x2;
	s14 =	simm.s32 $0x0;
	s15 =	simm.s32 $0x0  }
0x6: {  	s13 =	simm.s32 $0x0;
	s3 =	sshll.u32 s1, $0x1;
	s4 =	sshll.u32 s4, $0x7  }
0x7: {  	s4 =	sand.u32 $0x80, s4;
	s5 =	ssub.s32 $0x20, s3;
	s12 =	smov.u32 s3  }
0x8: {  	s6 =	sshrl.u32 s5, $0x5;
	s5 =	sand.u32 $0x1E, s5;
	s7 =	ssub.s32 $0x4000, s4  }
0x9: {  	p0 =	sne.s32 s5, $0x0;
	s30 =	sshrl.u32 s7, $0x7;
	s7 =	sshrl.u32 s7, $0x8  }
.Ltmp0:
0xa: {  	s9 =	simm.s32 @!p0 $0x0;
	s10 =	sand.u32 $0x1, s30;
	(pc) =	sbr.rel .LBB1_1-.Ltmp0, $4  }
0xb: {  	s5 =	simm.s32 $0x1;
	s6 =	sadd.s32 s9, s6;
	s7 =	sadd.s32 s7, s10  }
0xc: {  	s11 =	smov.u32 s4;
	[sflag:s5] =	ssyncpa.u1 $0x0;
	s6 =	smul.u32 s6, s7  }
0xd: {  	p0 =	por $0x0, $0x0;
	[sflag:s31] =	ssyncpa.u1 $0x0;
	s10 =	simm.s32 $0x20000  }
0xe: {  	s7 =	sadd.s32 $0xB11000, s8;
	s8 =	sadd.s32 $0xB51000, s8;
	s9 =	sadd.s32 $0x1, s6  }
.LBB1_7:
0xf: {  	s16 =	sadd.s32 $0x100, s11  }
0x10: {  	s14 =	sadd.s32 $0x20, s12;
	s18 =	smov.u32 s12;
	p2 =	sgt.s32 s16, $0x3FFF  }
0x11: {  	s18 =	smov.u32 @p2 s14  }
0x12: {  	s16 =	smov.u32 @p2 s4;
	p2 =	sgt.s32 s18, $0x1F  }
0x13: {  	s18 =	smov.u32 @p2 s3;
	p2 =	sne.s32 s13, s9  }
.Ltmp1:
0x14: {  	p1 =	slt.u32 s13, $0x2;
	(pc) =	sbr.rel @!p2 .LBB1_8-.Ltmp1, $4  }
0x15: {  	s17 =	simm.s32 @!p1 $0x2  }
0x16: {  	s15 =	smov.u32 s12;
	p0 =	por !p0, !p0;
	_ =	swait.ge @!p1 [sflag:s17], $0x4000  }
0x17: {  	s14 =	smov.u32 s11;
	[sflag:s17] =	ssyncset.done @!p1 $0x0;
	s11 =	smov.u32 s16  }
0x18: {  	s13 =	sadd.s32 $0x1, s13;
	[sflag:s17] =	ssyncadd.s32 @!p1 $0xFFFFC000;
	s12 =	smov.u32 s18  }
.LBB1_1:
0x19: {  	p1 =	sge.u32 s13, s6  }
0x1a: {  	s16 =	sxor.u32 @!p1 $0xFFFFFFFF, s13;
	s17 =	sshll.u32 @!p1 s12, $0x12  }
0x1b: {  	s18 =	sshll.u32 @!p1 s11, $0x4;
	s20 =	simm.s32 @!p1 $0x40;
	s21 =	simm.s32 @!p1 $0x80  }
0x1c: {  	s16 =	sshll.u32 @!p1 s16, $0xE;
	s18 =	sand.u32 @!p1 $0x3FFF0, s18;
	s19 =	sadd.s32 @!p1 s7, s17  }
0x1d: {  	s17 =	sadd.s32 @!p1 s17, s8;
	s16 =	sand.u32 @!p1 $0x4000, s16;
	s19 =	sadd.s32 @!p1 s18, s19  }
0x1e: {  	[tilespmem:s16], [sflag:$0x1] =	stream.strided.gather @!p1 [hbm4b:s19+s20], $0x2000, s21, s20, $0x38;
	[tilespmem:$0x10100] =	vst v63  }
0x1f: {  	s31 =	sadd.s32 $0xFFFFFFFF, s13;
	s17 =	sadd.s32 @!p1 s18, s17;
	s16 =	sor.u32 @!p1 $0x2000, s16  }
0x20: {  	[tilespmem:s16], [sflag:$0x1] =	stream.strided.gather @!p1 [hbm4b:s17+s20], $0x2000, s21, s20, $0x38;
	[tilespmem:$0x10100] =	vst v63  }
0x21: {  	p1 =	sge.u32 s31, s6  }
.Ltmp2:
0x22: {  	_ = 	snop;
	(pc) =	sbr.rel @p1 .LBB1_7-.Ltmp2, $1  }
0x23: {  	_ =	sdelay $0x3  }
0x24: {  	s16 =	simm.s32 $0x1;
	s18 =	sand.u32 $0x1, s13  }
0x25: {  	_ =	swait.ge [sflag:s5], $0x4000;
	s16 =	simm.s32 @!p0 $0x0;
	s18 =	smul.u32 $0x10200, s18  }
0x26: {  	p2 =	por $0x1, $0x1;
	[sflag:s5] =	ssyncset.done $0x0;
	s17 =	smul.u32 $0x10200, s16  }
0x27: {  	s19 =	sshll.u32 s16, $0x10;
	[sflag:s5] =	ssyncadd.s32 $0xFFFFC000;
	s30 =	sshrl.u32 s18, $0x2  }
0x28: {  	s31 =	sshrl.u32 s19, $0x2;
	s19 =	simm.s32 $0x0;
	s17 =	sshrl.u32 s17, $0x2  }
0x29: {  	s16 =	sor.u32 $0x8000, s30;
	s18 =	sadd.s32 $0x20, s31;
	s17 =	sor.u32 $0x8000, s17  }
.LBB1_3:
0x2a: {  	s20 =	sshll.u32 s19, $0xD  }
0x2b: {  	s20 =	sand.u32 $0x3FFFE000, s20  }
0x2c: {  	s22 =	sadd.s32 s20, s18  }
0x2d: {  	s31 =	smul.u32 $0x8100, s19;
	v3 =	vld [tilespmem:s22+$0x10]  }
0x2e: {  	v1 =	vld [tilespmem:s22+$0xFFFFFFF0]  }
0x2f: {  	s19 =	sshra.s32 s31, $0x2;
	v0 =	vld [tilespmem:s22+$0x0]  }
0x30: {  	s19 =	sadd.s32 s19, s17;
	v2 =	vld [tilespmem:s22+$0xFFFFFFE0]  }
0x31: {  	s20 =	sadd.s32 $0x0, s19  }
0x32: {  	p1 =	por p2, p2;
	s21 =	simm.s32 $0x4;
	s22 =	sadd.s32 $0x40, s22;
	[tilespmem:s20+$0x1830 ss:$0x81] =	vst.msk $0xffff, v3  }
.LBB1_4:
0x33: {  	v3 =	vld [tilespmem:s22+$0x10];
	p2 =	sne.s32 s21, $0x1FC;
	[tilespmem:s20+$0x810 ss:$0x81] =	vst.msk $0xffff, v1;
	s23 =	smov.u32 s21;
	s21 =	sadd.s32 $0x4, s21  }
.Ltmp3:
0x34: {  	v1 =	vld [tilespmem:s22+$0xFFFFFFF0];
	[tilespmem:s20+$0x1020 ss:$0x81] =	vst.msk $0xffff, v0;
	(pc) =	sbr.rel @p2 .LBB1_4-.Ltmp3, $4  }
0x35: {  	v0 =	vld [tilespmem:s22+$0x0];
	[tilespmem:s20+$0x0 ss:$0x81] =	vst.msk $0xffff, v2  }
0x36: {  	s20 =	sshra.s32 s23, $0x2;
	v2 =	vld [tilespmem:s22+$0xFFFFFFE0]  }
0x37: {  	s20 =	sadd.s32 s20, s19  }
0x38: {  	s22 =	sadd.s32 $0x40, s22;
	[tilespmem:s20+$0x1830 ss:$0x81] =	vst.msk $0xffff, v3  }
.Ltmp4:
0x39: {  	(pc) =	sbr.rel @p1 .LBB1_3-.Ltmp4, $4  }
0x3a: {  	_ = 	snop  }
0x3b: {  	[tilespmem:s20+$0x810 ss:$0x81] =	vst.msk $0xffff, v1  }
0x3c: {  	[tilespmem:s20+$0x1020 ss:$0x81] =	vst.msk $0xffff, v0  }
0x3d: {  	s19 =	simm.s32 $0x1;
	p2 =	por $0x0, $0x0;
	[tilespmem:s20+$0x0 ss:$0x81] =	vst.msk $0xffff, v2  }
0x3e: {  	s17 =	sshll.u32 s14, $0x3;
	s18 =	sand.u32 $0x78, s14;
	s15 =	sshll.u32 s15, $0x11  }
.Ltmp5:
0x3f: {  	s30 =	sand.u32 $0x1F800, s14;
	s17 =	sand.u32 $0x3C00, s17;
	(pc) =	sbr.rel .LBB1_7-.Ltmp5, $4  }
0x40: {  	s31 =	sand.u32 $0x7, s14;
	s15 =	sadd.s32 s2, s15;
	s17 =	sor.u32 s18, s17  }
0x41: {  	s14 =	sshll.u32 s31, $0x12;
	s15 =	sadd.s32 s30, s15;
	s17 =	sshrl.u32 s17, $0x3  }
0x42: {  	s14 =	sor.u32 $0x400, s14;
	s15 =	sadd.s32 s17, s15  }
0x43: {  	[hbm4b:s15+s14] =	stream.strided.scatter [tilespmem:s16], [sflag:$0x2], $0x4000, s10, s14, $0x20;
	[tilespmem:$0x10100] =	vst v63  }
.LBB1_8:
0x44: {  	_ =	sfence.sel $0x180000  }
0x45: {  	s2 =	simm.s32 $0x1;
	[bflag:$0x0] =	sbarrier.arrive $0xFFFF  }
0x46: {  	s31 =	simm.s32 $0x2;
	[sflag:s2] =	ssyncpa.u1 $0x1  }
0x47: {  	[sflag:s31] =	ssyncpa.u1 $0x1  }
0x48: {  	p0 =	sne.s32 s1, $0x0;
	_ =	strace $0x9000004D  }
0x49: {  	s0 =	sadd.s32 @!p0 $0x100000, s0;
	[bflag:$0x2] =	sbarrier.arrive $0xFFFF  }
0x4a: {  	[sflag:s0] =	ssyncadd.tile.s32 @!p0 $0x1;
	_ =	shalt  }
.Lfunc_end1:
_tile_overlayer_lowered:
.L_overlay_start_2:
0x4b: {  	(tag) =	ssettag $0x2  }
0x4c: {  	s0 =	rddreg [dreg:$0x0];
	s2 =	stileid.u32  }
0x4d: {  	s1 =	rddreg [dreg:$0x1];
	p0 =	sne.s32 s2, $0x0  }
0x4e: {  	s3 =	rddreg [dreg:$0x2];
	[bflag:$0x3] =	sbarrier.arrive $0xFFFF;
	s2 =	simm.s32 @!p0 $0x1C01  }
0x4f: {  	[timem:s3], [sflag:s2] =	dma.local @!p0 [hbm:s0], s1  }
0x50: {  	s0 =	simm.s32 @!p0 $0x1  }
0x51: {  	_ =	swait.ge @!p0 [sflag:s0], s1  }
0x52: {  	s1 =	ssub.s32 @!p0 $0x0, s1;
	[sflag:s0] =	ssyncset.done @!p0 $0x0  }
0x53: {  	[sflag:s0] =	ssyncadd.s32 @!p0 s1  }
0x54: {  	[bflag:$0x3] =	sbarrier.arrive $0xFFFF  }
0x55: {  	_ =	shalt  }

// kernel: sparse-core-data-format-call.cloned.1.call-start
scs
called_computation_lowered:
.L_overlay_start_0:
0x0: {  	s2 =	sld [smem:$0x3FD9]  }
0x1: {  	s3 =	sld [smem:$0x3FFE];
	_ =	sdelay $0x1  }
0x2: {  	s1 =	srdreg.scid  }
0x3: {  	s0 =	sand.u32 $0x1, s1  }
0x4: {  	s15 =	sshll.u32 s0, $0xA;
	s2 =	sadd.s32 s3, s2  }
0x5: {  	s2 =	sadd.s32 s2, s15  }
0x6: {  	[smem:$0x3FC5] =	sst s2  }
0x7: {  	_ = 	snop  }
0x8: {  	s2 =	sld [smem:$0x3FD0];
	_ =	sdelay $0x2  }
0x9: {  	s16 =	simm.s32 $0xB;
	s4 =	simm.s32 $0x10  }
0xa: {  	[smem:s4], [sflag:s16] =	dma.local [hbm:s2], $0x1  }
0xb: {  	_ =	swait.eq [sflag:s16], $0x1  }
0xc: {  	[sflag:s16] =	ssyncset.done $0x0  }
0xd: {  	[sflag:s16] =	ssyncadd.s32 $0xFFFFFFFF  }
0xe: {  	s17 =	sld [smem:$0x11];
	(tm) =	ssettm $0x1  }
0xf: {  	s18 =	sld [smem:$0x3FFB];
	_ =	sdelay $0x3  }
0x10: {  	_ =	strace s18  }
0x11: {  	s3 =	sld [smem:$0x3FFC];
	_ =	sdelay $0x3  }
0x12: {  	_ =	strace s3  }
0x13: {  	s3 =	sld [smem:$0x3FFD];
	_ =	sdelay $0x3  }
0x14: {  	_ =	strace s3  }
0x15: {  	_ =	strace $0x8FFFFFFF  }
0x16: {  	s19 =	sld [smem:$0x3FDB];
	_ =	sdelay $0x1  }
0x17: {  	s20 =	simm.s32 $_scs_section_size  }
0x18: {  	s5 =	simm.s32 $_size__tile_overlayer_lowered;
	s6 =	simm.s32 $_tile_overlayer_lowered  }
0x19: {  	s23 =	simm.s32 $0x1BFF;
	s22 =	sshll.u32 s6, $0x1;
	s3 =	sadd.s32 s20, s19  }
0x1a: {  	s7 =	simm.s32 $0x0;
	s21 =	sshll.u32 s5, $0x1;
	s5 =	sadd.s32 s22, s3  }
0x1b: {  	[timem:s7], [sflag:s23] =	dma.local [hbm:s5], s21  }
0x1c: {  	_ =	swait.ge [sflag:s23], s21  }
0x1d: {  	s4 =	ssub.s32 $0x0, s21;
	[sflag:s23] =	ssyncset.done $0x0  }
0x1e: {  	[sflag:s23] =	ssyncadd.s32 s4;
	_ =	sdelay $0x1  }
0x1f: {  	s24 =	simm.s32 $0x1B8B  }
0x20: {  	_ =	swait.ge [sflag:s24], $0x1  }
0x21: {  	[sflag:s24] =	ssyncset.done $0x0  }
0x22: {  	s26 =	simm.s32 $0x1B8E;
	s25 =	sld [smem:$0x3FFE];
	[sflag:s24] =	ssyncadd.s32 $0xFFFFFFFF  }
0x23: {  	s27 =	simm.s32 $execute0_lowered;
	[smem:$0x3FD2] =	sst s26  }
0x24: {  	s5 =	sshll.u32 s27, $0x1;
	_ =	strace $0x80000049;
	[dreg:$0x1] =	wrdreg $0xFFFFFFFF  }
0x25: {  	s28 =	simm.s32 $_size_execute0_lowered;
	s3 =	sadd.s32 s3, s5;
	[dreg:$0x0] =	wrdreg $0x0  }
0x26: {  	s5 =	sshll.u32 s28, $0x1;
	[dreg:$0x2] =	wrdreg s3  }
0x27: {  	[dreg:$0x3] =	wrdreg s5  }
0x28: {  	[dreg:$0x4] =	wrdreg $0xC0  }
0x29: {  	_ =	task [dreg:s7], $0x5FFFF  }
0x2a: {  	[dreg:$0x1] =	wrdreg $0xFFFFFFFF  }
0x2b: {  	[dreg:$0x0] =	wrdreg $0x60  }
0x2c: {  	[dreg:$0x2] =	wrdreg s25  }
0x2d: {  	[dreg:$0x3] =	wrdreg s17  }
0x2e: {  	[dreg:$0x4] =	wrdreg $0x9  }
0x2f: {  	_ =	task.clear_ibuf [dreg:s7], $0x5FFFF;
	_ =	strace $0x90000049  }
0x30: {  	s29 =	simm.s32 $0x9;
	_ =	strace $0x8000004B  }
0x31: {  	_ =	swait.ge [sflag:s29], $0x1  }
0x32: {  	[sflag:s29] =	ssyncadd.s32 $0xFFFFFFFF  }
0x33: {  	_ =	strace $0x9000004B  }
0x34: {  	_ =	sfence  }
0x35: {  	s30 =	sld [smem:$0x0];
	_ =	sdelay $0x2  }
0x36: {  	s31 =	sshll.u32 s1, $0xD;
	s1 =	sshrl.u32 s1, $0x2  }
0x37: {  	s3 =	sand.u32 $0x4000, s31;
	s1 =	sadd.s32 s1, s30  }
0x38: {  	s0 =	sor.u32 s3, s0;
	s1 =	sshll.u32 s1, $0x11  }
0x39: {  	s0 =	sor.u32 s1, s0  }
0x3a: {  	s0 =	sadd.s32 $0x8F2B, s0  }
0x3b: {  	[sflag:s0] =	ssyncadd.remote.s32 $0x1  }
0x3c: {  	_ =	sfence.sel $0xFFFF  }
0x3d: {  	[dreg:$0x0] =	wrdreg $0xFFFFFFFF;
	(pc) =	sbr.abs _section_cstart, $3  }
0x3e: {  	[dreg:$0x1] =	wrdreg $0xFFFFFFFF  }
0x3f: {  	_ =	task.clear_ibuf [dreg:s7], $0x2FFFF;
	_ =	strace $0x9FFFFFFF  }
0x40: {  	(tm) =	ssettm $0x7FFFFFFF  }
0x41: {  	_ =	shalt  }
tec
execute0_lowered:
.L_overlay_start_1:
0x0: {  	(tag) =	ssettag $0x1  }
0x1: {  	s10 =	rddreg [dreg:$0x0]  }
0x2: {  	s2 =	rddreg [dreg:$0x1]  }
0x3: {  	s0 =	rddreg [dreg:$0x2]  }
0x4: {  	s1 =	stileid.u32;
	s3 =	srdreg.scid  }
0x5: {  	_ =	strace $0x8000004A;
	s11 =	simm.s32 $0x2;
	s16 =	simm.s32 $0x0  }
0x6: {  	s12 =	simm.s32 $0x20000;
	s17 =	simm.s32 $0x0;
	s15 =	simm.s32 $0x0  }
0x7: {  	s4 =	sshll.u32 s1, $0x2;
	s5 =	sshll.u32 s1, $0x4;
	s6 =	sshll.u32 s3, $0x8  }
0x8: {  	s3 =	sand.u32 $0x1C, s4;
	s30 =	sor.u32 s5, s6;
	s5 =	simm.s32 $0x1  }
0x9: {  	s4 =	sand.u32 $0x180, s30;
	s31 =	ssub.s32 $0x20, s3;
	[sflag:s5] =	ssyncpa.u1 $0x0  }
0xa: {  	s7 =	sand.u32 $0x1C, s31;
	s8 =	ssub.s32 $0x4000, s4;
	s6 =	sshrl.u32 s31, $0x5  }
0xb: {  	p0 =	sne.s32 s7, $0x0;
	s7 =	simm.s32 $0x1;
	s9 =	sand.u32 $0x180, s8  }
0xc: {  	s7 =	simm.s32 @!p0 $0x0;
	p0 =	sne.s32 s9, $0x0;
	s9 =	simm.s32 $0x1  }
.Ltmp0:
0xd: {  	s8 =	sshrl.u32 s8, $0x9;
	s9 =	simm.s32 @!p0 $0x0;
	(pc) =	sbr.rel .LBB1_1-.Ltmp0, $4  }
0xe: {  	s14 =	smov.u32 s3;
	s7 =	sadd.s32 s7, s6;
	s8 =	sadd.s32 s9, s8  }
0xf: {  	[sflag:s11] =	ssyncpa.u1 $0x0;
	s13 =	smov.u32 s4;
	s7 =	smul.u32 s7, s8  }
0x10: {  	s6 =	sadd.s32 $0x311000, s10;
	p0 =	por $0x0, $0x0;
	s9 =	sadd.s32 $0x391000, s10  }
0x11: {  	s8 =	sadd.s32 $0x351000, s10;
	s10 =	sadd.s32 $0x3D1000, s10;
	s11 =	sadd.s32 $0x1, s7  }
.LBB1_7:
0x12: {  	s18 =	sadd.s32 $0x200, s13  }
0x13: {  	s16 =	sadd.s32 $0x20, s14;
	s20 =	smov.u32 s14;
	p2 =	sgt.s32 s18, $0x3FFF  }
0x14: {  	s20 =	smov.u32 @p2 s16  }
0x15: {  	s18 =	smov.u32 @p2 s4;
	p2 =	sgt.s32 s20, $0x1F  }
0x16: {  	s20 =	smov.u32 @p2 s3;
	p2 =	sne.s32 s15, s11  }
.Ltmp1:
0x17: {  	p1 =	slt.u32 s15, $0x2;
	(pc) =	sbr.rel @!p2 .LBB1_8-.Ltmp1, $4  }
0x18: {  	s19 =	simm.s32 @!p1 $0x2  }
0x19: {  	s17 =	smov.u32 s14;
	p0 =	por !p0, !p0;
	_ =	swait.ge @!p1 [sflag:s19], $0x4000  }
0x1a: {  	s16 =	smov.u32 s13;
	[sflag:s19] =	ssyncset.done @!p1 $0x0;
	s13 =	smov.u32 s18  }
0x1b: {  	s15 =	sadd.s32 $0x1, s15;
	[sflag:s19] =	ssyncadd.s32 @!p1 $0xFFFFC000;
	s14 =	smov.u32 s20  }
.LBB1_1:
0x1c: {  	p1 =	sge.u32 s15, s7  }
0x1d: {  	s18 =	sxor.u32 @!p1 $0xFFFFFFFF, s15  }
0x1e: {  	s19 =	sshll.u32 @!p1 s14, $0x12;
	s20 =	sshll.u32 @!p1 s13, $0x4;
	s22 =	simm.s32 @!p1 $0x20  }
0x1f: {  	s18 =	sshll.u32 @!p1 s18, $0xE;
	s20 =	sand.u32 @!p1 $0x3FFF0, s20;
	s21 =	sadd.s32 @!p1 s6, s19  }
0x20: {  	s23 =	simm.s32 @!p1 $0x80;
	s18 =	sand.u32 @!p1 $0x4000, s18;
	s21 =	sadd.s32 @!p1 s20, s21  }
0x21: {  	[tilespmem:s18], [sflag:$0x1] =	stream.strided.gather @!p1 [hbm4b:s21+s22], $0x1000, s23, s22, $0x38;
	[tilespmem:$0x10100] =	vst v63  }
0x22: {  	s21 =	sadd.s32 @!p1 s19, s8  }
0x23: {  	s24 =	sor.u32 @!p1 $0x1000, s18;
	s21 =	sadd.s32 @!p1 s20, s21  }
0x24: {  	[tilespmem:s24], [sflag:$0x1] =	stream.strided.gather @!p1 [hbm4b:s21+s22], $0x1000, s23, s22, $0x38;
	[tilespmem:$0x10100] =	vst v63  }
0x25: {  	s21 =	sadd.s32 @!p1 s19, s9  }
0x26: {  	s24 =	sor.u32 @!p1 $0x2000, s18;
	s19 =	sadd.s32 @!p1 s19, s10;
	s21 =	sadd.s32 @!p1 s20, s21  }
0x27: {  	[tilespmem:s24], [sflag:$0x1] =	stream.strided.gather @!p1 [hbm4b:s21+s22], $0x1000, s23, s22, $0x38;
	[tilespmem:$0x10100] =	vst v63  }
0x28: {  	s31 =	sadd.s32 $0xFFFFFFFF, s15;
	s18 =	sor.u32 @!p1 $0x3000, s18;
	s19 =	sadd.s32 @!p1 s20, s19  }
0x29: {  	[tilespmem:s18], [sflag:$0x1] =	stream.strided.gather @!p1 [hbm4b:s19+s22], $0x1000, s23, s22, $0x38;
	[tilespmem:$0x10100] =	vst v63  }
0x2a: {  	p1 =	sge.u32 s31, s7  }
.Ltmp2:
0x2b: {  	_ = 	snop;
	(pc) =	sbr.rel @p1 .LBB1_7-.Ltmp2, $1  }
0x2c: {  	_ =	sdelay $0x3  }
0x2d: {  	s18 =	simm.s32 $0x1;
	s20 =	sand.u32 $0x1, s15  }
0x2e: {  	_ =	swait.ge [sflag:s5], $0x4000;
	s18 =	simm.s32 @!p0 $0x0;
	s21 =	smul.u32 $0x10200, s20  }
0x2f: {  	[sflag:s5] =	ssyncset.done $0x0;
	s19 =	smul.u32 $0x10200, s18  }
0x30: {  	s18 =	sshll.u32 s18, $0xE;
	[sflag:s5] =	ssyncadd.s32 $0xFFFFC000  }
0x31: {  	s20 =	sor.u32 $0x10, s18;
	s31 =	sshrl.u32 s21, $0x2;
	s19 =	sshrl.u32 s19, $0x2  }
0x32: {  	s21 =	simm.s32 $0x0;
	s18 =	sor.u32 $0x8000, s31;
	s19 =	sor.u32 $0x8000, s19  }
.LBB1_3:
0x33: {  	v1 =	vld [tilespmem:s20+$0x0]  }
0x34: {  	v0 =	vld [tilespmem:s20+$0xFFFFFFF0];
	_ =	sdelay $0x2  }
0x35: {  	s24 =	sadd.s32 $0x0, s19  }
0x36: {  	s22 =	simm.s32 $0x4;
	s23 =	sadd.s32 $0x20, s20;
	[tilespmem:s24+$0x810 ss:$0x81] =	vst.msk $0xffff, v1  }
.LBB1_4:
0x37: {  	v1 =	vld [tilespmem:s23+$0x0];
	p1 =	sne.s32 s22, $0x1FC;
	[tilespmem:s24+$0x0 ss:$0x81] =	vst.msk $0xffff, v0;
	s24 =	smov.u32 s22;
	s22 =	sadd.s32 $0x4, s22  }
.Ltmp3:
0x38: {  	v0 =	vld [tilespmem:s23+$0xFFFFFFF0];
	(pc) =	sbr.rel @p1 .LBB1_4-.Ltmp3, $4  }
0x39: {  	_ = 	snop  }
0x3a: {  	s24 =	sshra.s32 s24, $0x2  }
0x3b: {  	s24 =	sadd.s32 s24, s19  }
0x3c: {  	s23 =	sadd.s32 $0x20, s23;
	[tilespmem:s24+$0x810 ss:$0x81] =	vst.msk $0xffff, v1  }
0x3d: {  	s21 =	sadd.s32 $0x1, s21  }
0x3e: {  	p1 =	sne.s32 s21, $0x4  }
.Ltmp4:
0x3f: {  	_ = 	snop;
	(pc) =	sbr.rel @p1 .LBB1_3-.Ltmp4, $2  }
0x40: {  	_ =	sdelay $0x2  }
0x41: {  	[tilespmem:s24+$0x0 ss:$0x81] =	vst.msk $0xffff, v0;
	s19 =	sadd.s32 $0x1020, s19;
	s20 =	sadd.s32 $0x1000, s20  }
0x42: {  	s19 =	sshll.u32 s16, $0x3;
	s20 =	sand.u32 $0x78, s16;
	s17 =	sshll.u32 s17, $0x10  }
.Ltmp5:
0x43: {  	s30 =	sand.u32 $0xF800, s16;
	s19 =	sand.u32 $0x3C00, s19;
	(pc) =	sbr.rel .LBB1_7-.Ltmp5, $4  }
0x44: {  	s31 =	sand.u32 $0x7, s16;
	s17 =	sadd.s32 s2, s17;
	s19 =	sor.u32 s20, s19  }
0x45: {  	s16 =	sshll.u32 s31, $0x12;
	s17 =	sadd.s32 s30, s17;
	s19 =	sshrl.u32 s19, $0x3  }
0x46: {  	s16 =	sor.u32 $0x400, s16;
	s17 =	sadd.s32 s19, s17  }
0x47: {  	[hbm4b:s17+s16] =	stream.strided.scatter [tilespmem:s18], [sflag:$0x2], $0x4000, s12, s16, $0x20;
	[tilespmem:$0x10100] =	vst v63  }
.LBB1_8:
0x48: {  	_ =	sfence.sel $0x180000  }
0x49: {  	s2 =	simm.s32 $0x1;
	[bflag:$0x0] =	sbarrier.arrive $0xFFFF  }
0x4a: {  	s31 =	simm.s32 $0x2;
	[sflag:s2] =	ssyncpa.u1 $0x1  }
0x4b: {  	[sflag:s31] =	ssyncpa.u1 $0x1  }
0x4c: {  	p0 =	sne.s32 s1, $0x0;
	_ =	strace $0x9000004A  }
0x4d: {  	s0 =	sadd.s32 @!p0 $0x100000, s0;
	[bflag:$0x2] =	sbarrier.arrive $0xFFFF  }
0x4e: {  	[sflag:s0] =	ssyncadd.tile.s32 @!p0 $0x1;
	_ =	shalt  }
.Lfunc_end1:
_tile_overlayer_lowered:
.L_overlay_start_2:
0x4f: {  	(tag) =	ssettag $0x2  }
0x50: {  	s0 =	rddreg [dreg:$0x0];
	s2 =	stileid.u32  }
0x51: {  	s1 =	rddreg [dreg:$0x1];
	p0 =	sne.s32 s2, $0x0  }
0x52: {  	s3 =	rddreg [dreg:$0x2];
	[bflag:$0x3] =	sbarrier.arrive $0xFFFF;
	s2 =	simm.s32 @!p0 $0x1C01  }
0x53: {  	[timem:s3], [sflag:s2] =	dma.local @!p0 [hbm:s0], s1  }
0x54: {  	s0 =	simm.s32 @!p0 $0x1  }
0x55: {  	_ =	swait.ge @!p0 [sflag:s0], s1  }
0x56: {  	s1 =	ssub.s32 @!p0 $0x0, s1;
	[sflag:s0] =	ssyncset.done @!p0 $0x0  }
0x57: {  	[sflag:s0] =	ssyncadd.s32 @!p0 s1  }
0x58: {  	[bflag:$0x3] =	sbarrier.arrive $0xFFFF  }
0x59: {  	_ =	shalt  }

</sc_bundles>
